<compile_context>
chip_gen: v7x
topology: tpu7x:2x2x1
jax: 0.10.2.dev20260603
libtpu: 0.0.44.dev20260713+nightly
codegen_flags: <defaults>
</compile_context>

<pallas_src>
import jax
import jax.numpy as jnp
from jax import lax
from jax.experimental import pallas as pl
from jax.experimental.pallas import tpu as pltpu
from jax.experimental.pallas import tpu_sc as plsc

N = 10000
E = 320000
ALPHA = 0.2

NC = 2
NS = 16
NW = NC * NS
EDGES_PER_TILE = E // NW
SLICE = 624
REM = N - NS * SLICE
DEGW = 8


def _leaky(v):
    return jnp.where(v >= 0, v, ALPHA * v)


def _matT(a, w):
    return lax.dot_general(a, w, (((1,), (1,)), ((), ())),
                           preferred_element_type=jnp.float32)



def _make_seg_sum(d, with_deg, K):
    CHUNKS = EDGES_PER_TILE // K
    TAIL = EDGES_PER_TILE - CHUNKS * K
    assert K % 8 == 0 and TAIL % 8 == 0
    SPAN = (CHUNKS + 1) // 2
    IDXW = SPAN * K + TAIL
    mesh = plsc.VectorSubcoreMesh(core_axis_name="c", subcore_axis_name="s")
    out_type = [jax.ShapeDtypeStruct((NC * N, 128), jnp.float32)]
    scratch = [
        pltpu.VMEM((IDXW,), jnp.int32),
        pltpu.VMEM((IDXW,), jnp.int32),
        pltpu.VMEM((K, d), jnp.float32),
        pltpu.VMEM((K, d), jnp.float32),
        pltpu.VMEM((K, d), jnp.float32),
        pltpu.VMEM_SHARED((N, d), jnp.float32),
        pltpu.SemaphoreType.DMA,
        pltpu.SemaphoreType.DMA,
        pltpu.SemaphoreType.DMA,
        pltpu.SemaphoreType.DMA,
        pltpu.SemaphoreType.DMA,
        pltpu.SemaphoreType.DMA,
    ]
    if with_deg:
        out_type.append(jax.ShapeDtypeStruct((NC * N, 128), jnp.float32))
        scratch += [
            pltpu.VMEM((K, DEGW), jnp.float32),
            pltpu.VMEM_SHARED((N, DEGW), jnp.float32),
            pltpu.SemaphoreType.DMA,
            pltpu.SemaphoreType.DMA,
            pltpu.SemaphoreType.DMA,
        ]

    def body(h_hbm, src_hbm, dst_hbm, zd_hbm, ones_hbm, p_hbm,
             dp_hbm, src_all, dst_all, bufs, acc, gsem, ssem, ones, dacc,
             dsem):
        c = lax.axis_index("c")
        s = lax.axis_index("s")
        wid = c * NS + s
        r0 = s * SLICE

        def zrow(i, _):
            for jj in range(d // 16):
                bufs[0][i, pl.ds(16 * jj, 16)] = jnp.zeros((16,), jnp.float32)
            return ()

        lax.fori_loop(0, K, zrow, (), unroll=False)
        for t in range(SLICE // K):
            pltpu.async_copy(bufs[0], acc.at[pl.ds(r0 + t * K, K)], gsem[0])
        zrem = SLICE - (SLICE // K) * K
        if zrem:
            pltpu.async_copy(bufs[0].at[pl.ds(0, zrem)],
                             acc.at[pl.ds(r0 + SLICE - zrem, zrem)], gsem[0])

        @pl.when(s == 0)
        def _():
            pltpu.async_copy(bufs[0].at[pl.ds(0, REM)],
                             acc.at[pl.ds(NS * SLICE, REM)], gsem[0])
        for t in range(SLICE // K):
            pltpu.make_async_copy(bufs[0], acc.at[pl.ds(r0 + t * K, K)],
                                  gsem[0]).wait()
        if zrem:
            pltpu.make_async_copy(bufs[0].at[pl.ds(0, zrem)],
                                  acc.at[pl.ds(r0 + SLICE - zrem, zrem)],
                                  gsem[0]).wait()

        @pl.when(s == 0)
        def _():
            pltpu.make_async_copy(bufs[0].at[pl.ds(0, REM)],
                                  acc.at[pl.ds(NS * SLICE, REM)],
                                  gsem[0]).wait()

        if with_deg:
            pltpu.sync_copy(zd_hbm.at[pl.ds(r0, SLICE)],
                            dacc.at[pl.ds(r0, SLICE)])

            @pl.when(s == 0)
            def _():
                pltpu.sync_copy(zd_hbm.at[pl.ds(NS * SLICE, REM)],
                                dacc.at[pl.ds(NS * SLICE, REM)])

            pltpu.sync_copy(ones_hbm, ones)
        plsc.subcore_barrier()

        e0 = wid * EDGES_PER_TILE

        def _sidx(ci):
            return src_all.at[pl.ds(ci * K, K)]

        def _didx(ci):
            return dst_all.at[pl.ds(ci * K, K)]

        def launch(ci, k):
            pltpu.async_copy(h_hbm.at[_sidx(ci)], bufs[k], gsem[k])

        def wait_gather(ci, k):
            pltpu.make_async_copy(h_hbm.at[_sidx(ci)], bufs[k],
                                  gsem[k]).wait()

        def start_scatter(ci, k):
            pltpu.async_copy(bufs[k], acc.at[_didx(ci)], ssem[k], add=True)
            if with_deg:
                pltpu.async_copy(ones, dacc.at[_didx(ci)], dsem[k], add=True)

        def wait_scatter(ci, k):
            pltpu.make_async_copy(bufs[k], acc.at[_didx(ci)], ssem[k]).wait()
            if with_deg:
                pltpu.make_async_copy(ones, dacc.at[_didx(ci)],
                                      dsem[k]).wait()

        def run_span(base, L, extra):
            nw = L * K + extra
            pltpu.sync_copy(src_hbm.at[pl.ds(e0 + base * K, nw)],
                            src_all.at[pl.ds(0, nw)])
            pltpu.sync_copy(dst_hbm.at[pl.ds(e0 + base * K, nw)],
                            dst_all.at[pl.ds(0, nw)])

            launch(0, 0)
            launch(1, 1)
            g = (L - 2) // 3

            def group(j, _):
                for k in range(3):
                    ci = 3 * j + k
                    ps = (k + 2) % 3
                    if k == 0:
                        @pl.when(j > 0)
                        def _():
                            wait_scatter(ci - 1, ps)
                    else:
                        wait_scatter(ci - 1, ps)
                    launch(ci + 2, ps)
                    wait_gather(ci, k)
                    start_scatter(ci, k)
                return ()

            lax.fori_loop(0, g, group, (), unroll=False)
            for ci in range(3 * g, L):
                k = ci % 3
                wait_scatter(ci - 1, (k + 2) % 3)
                if ci + 2 < L:
                    launch(ci + 2, (ci + 2) % 3)
                wait_gather(ci, k)
                start_scatter(ci, k)
            wait_scatter(L - 1, (L - 1) % 3)

        base = 0
        while base < CHUNKS:
            L = min(SPAN, CHUNKS - base)
            run_span(base, L, TAIL if base + L == CHUNKS else 0)
            base += L
        if TAIL:
            ti = (CHUNKS - (CHUNKS - SPAN)) * K if CHUNKS > SPAN else \
                CHUNKS * K
            tsrc = src_all.at[pl.ds(ti, TAIL)]
            tdst = dst_all.at[pl.ds(ti, TAIL)]
            tbuf = bufs[2].at[pl.ds(0, TAIL)]
            pltpu.async_copy(h_hbm.at[tsrc], tbuf, gsem[2])
            pltpu.make_async_copy(h_hbm.at[tsrc], tbuf, gsem[2]).wait()
            pltpu.async_copy(tbuf, acc.at[tdst], ssem[2], add=True)
            pltpu.make_async_copy(tbuf, acc.at[tdst], ssem[2]).wait()
        plsc.subcore_barrier()

        o0 = c * N + r0
        if d == 128:
            pltpu.sync_copy(acc.at[pl.ds(r0, SLICE)],
                            p_hbm.at[pl.ds(o0, SLICE)])
        else:
            pltpu.sync_copy(acc.at[pl.ds(r0, SLICE)],
                            p_hbm.at[pl.ds(o0, SLICE), pl.ds(0, d)])

        @pl.when(s == 0)
        def _():
            if d == 128:
                pltpu.sync_copy(acc.at[pl.ds(NS * SLICE, REM)],
                                p_hbm.at[pl.ds(c * N + NS * SLICE, REM)])
            else:
                pltpu.sync_copy(acc.at[pl.ds(NS * SLICE, REM)],
                                p_hbm.at[pl.ds(c * N + NS * SLICE, REM),
                                         pl.ds(0, d)])

        if with_deg:
            pltpu.sync_copy(dacc.at[pl.ds(r0, SLICE)],
                            dp_hbm.at[pl.ds(o0, SLICE), pl.ds(0, DEGW)])

            @pl.when(s == 0)
            def _():
                pltpu.sync_copy(dacc.at[pl.ds(NS * SLICE, REM)],
                                dp_hbm.at[pl.ds(c * N + NS * SLICE, REM),
                                          pl.ds(0, DEGW)])

    if with_deg:
        def body_wrap(h, src, dst, zd, ones_in, p, dp, src_all, dst_all,
                      b0, b1, b2, acc, g0, g1, g2, s0, s1, s2, ones, dacc,
                      d0, d1, d2):
            body(h, src, dst, zd, ones_in, p, dp, src_all, dst_all,
                 (b0, b1, b2), acc, (g0, g1, g2), (s0, s1, s2), ones, dacc,
                 (d0, d1, d2))
    else:
        def body_wrap(h, src, dst, p, src_all, dst_all, b0, b1, b2, acc,
                      g0, g1, g2, s0, s1, s2):
            body(h, src, dst, None, None, p, None, src_all, dst_all,
                 (b0, b1, b2), acc, (g0, g1, g2), (s0, s1, s2), None, None,
                 None)

    return pl.kernel(body_wrap, out_type=tuple(out_type), mesh=mesh,
                     scratch_types=scratch,
                     compiler_params=pltpu.CompilerParams(
                         use_tc_tiling_on_sc=False))


_seg_sum_deg_128 = _make_seg_sum(128, True, 80)
_seg_sum_64 = _make_seg_sum(64, False, 128)



BLK = 2000


def _stem_body(x_ref, w_ref, b_ref, o_ref):
    o_ref[...] = _leaky(_matT(x_ref[...], w_ref[...]) + b_ref[...])


def _esplit_body(ei_ref, src_ref, dst_ref):
    src_ref[...] = ei_ref[0]
    dst_ref[...] = ei_ref[1]


def _layer1_body(h_ref, p_ref, dp_ref, ws_ref, wn_ref, b_ref, wn2_ref,
                 o1_ref, hw2_ref):
    ssum = p_ref[0] + p_ref[1]
    deg = dp_ref[0, :, 0:1] + dp_ref[1, :, 0:1]
    hn = ssum / jnp.maximum(deg, 1.0)
    o1 = _leaky(_matT(h_ref[...], ws_ref[...]) + _matT(hn, wn_ref[...])
                + b_ref[...])
    o1_ref[...] = o1
    hw2_ref[...] = _matT(o1, wn2_ref[...])


def _layer2_body(o1_ref, q_ref, dp_ref, ws_ref, b_ref, o_ref):
    ssum = q_ref[0, :, 0:64] + q_ref[1, :, 0:64]
    deg = dp_ref[0, :, 0:1] + dp_ref[1, :, 0:1]
    t = _matT(o1_ref[...], ws_ref[...]) + ssum / jnp.maximum(deg, 1.0) \
        + b_ref[...]
    z = t - jnp.max(t, axis=1, keepdims=True)
    o_ref[...] = z - jnp.log(jnp.sum(jnp.exp(z), axis=1, keepdims=True))


def _row_spec(w):
    return pl.BlockSpec((BLK, w), lambda i: (i, 0))


def _pair_spec(w):
    return pl.BlockSpec((2, BLK, w), lambda i: (0, i, 0))


def _full_spec(shape):
    nd = len(shape)
    return pl.BlockSpec(shape, lambda i: (0,) * nd)


def kernel(x, adj, edge_index, W_lin, b_lin, W_self1, W_neigh1, b1,
           W_self2, W_neigh2, b2):
    del adj
    src, dst = pl.pallas_call(
        _esplit_body,
        out_shape=(jax.ShapeDtypeStruct((E,), jnp.int32),
                   jax.ShapeDtypeStruct((E,), jnp.int32)),
    )(edge_index)
    zd = jnp.zeros((N, DEGW), jnp.float32)

    h = pl.pallas_call(
        _stem_body,
        grid=(N // BLK,),
        in_specs=[_row_spec(128), _full_spec((128, 128)),
                  _full_spec((1, 128))],
        out_specs=_row_spec(128),
        out_shape=jax.ShapeDtypeStruct((N, 128), jnp.float32),
    )(x, W_lin, b_lin.reshape(1, -1))

    ones_in = jnp.ones((80, DEGW), jnp.float32)
    p, dp = _seg_sum_deg_128(h, src, dst, zd, ones_in)

    o1, hw2 = pl.pallas_call(
        _layer1_body,
        grid=(N // BLK,),
        in_specs=[_row_spec(128), _pair_spec(128), _pair_spec(128),
                  _full_spec((128, 128)), _full_spec((128, 128)),
                  _full_spec((1, 128)), _full_spec((64, 128))],
        out_specs=(_row_spec(128), _row_spec(64)),
        out_shape=(jax.ShapeDtypeStruct((N, 128), jnp.float32),
                   jax.ShapeDtypeStruct((N, 64), jnp.float32)),
    )(h, p.reshape(2, N, 128), dp.reshape(2, N, 128), W_self1, W_neigh1,
      b1.reshape(1, -1), W_neigh2)

    (q,) = _seg_sum_64(hw2, src, dst)

    out = pl.pallas_call(
        _layer2_body,
        grid=(N // BLK,),
        in_specs=[_row_spec(128), _pair_spec(128), _pair_spec(128),
                  _full_spec((64, 128)), _full_spec((1, 64))],
        out_specs=_row_spec(64),
        out_shape=jax.ShapeDtypeStruct((N, 64), jnp.float32),
    )(o1, q.reshape(2, N, 128), dp.reshape(2, N, 128), W_self2,
      b2.reshape(1, -1))
    return out

# --- scband reference (transcript-rebuilt; emitter-appended) ---
"""Pipeline reference for scband-graph-sage-87282325390047 (READ-ONLY COPY).

The authoritative reference and input builder live on the scoring server;
editing this copy changes nothing except your own understanding.
"""

import jax, jax.numpy as jnp
import numpy as np

N = 10000
E = 320000
NFEAT = 128
OUTFEAT = 128
OUTD1 = 128
NCLASS = 64
ALPHA = 0.2


def setup_inputs(seed: int = 0) -> dict:
    key = jax.random.key(seed)
    ks = jax.random.split(key, 12)
    x = jax.random.normal(ks[0], (N, NFEAT), dtype=jnp.float32)
    adj = jnp.zeros((1,), dtype=jnp.float32)  # unused placeholder arg in original forward
    edge_index = jax.random.randint(ks[1], (2, E), 0, N, dtype=jnp.int32)
    W_lin = jax.random.normal(ks[2], (OUTFEAT, NFEAT), dtype=jnp.float32) * 0.05
    b_lin = jnp.zeros((OUTFEAT,), dtype=jnp.float32)
    W_self1 = jax.random.normal(ks[3], (OUTD1, OUTFEAT), dtype=jnp.float32) * 0.05
    W_neigh1 = jax.random.normal(ks[4], (OUTD1, OUTFEAT), dtype=jnp.float32) * 0.05
    b1 = jnp.zeros((OUTD1,), dtype=jnp.float32)
    W_self2 = jax.random.normal(ks[5], (NCLASS, OUTD1), dtype=jnp.float32) * 0.05
    W_neigh2 = jax.random.normal(ks[6], (NCLASS, OUTD1), dtype=jnp.float32) * 0.05
    b2 = jnp.zeros((NCLASS,), dtype=jnp.float32)
    return {"x": x, "adj": adj, "edge_index": edge_index,
            "W_lin": W_lin, "b_lin": b_lin,
            "W_self1": W_self1, "W_neigh1": W_neigh1, "b1": b1,
            "W_self2": W_self2, "W_neigh2": W_neigh2, "b2": b2}


def _leaky(v):
    return jnp.where(v >= 0, v, ALPHA * v)


def _sage_conv_mean(h, src, dst, W_self, W_neigh, b):
    # DGL SAGEConv with aggregator_type='mean':
    # h_neigh = mean_{u in N(v)} h_u ; out = h @ W_self^T + h_neigh @ W_neigh^T + b
    msg = h[src]  # gather source features over edges
    s = jax.ops.segment_sum(msg, dst, num_segments=N)
    deg = jax.ops.segment_sum(jnp.ones((src.shape[0], 1), h.dtype), dst, num_segments=N)
    h_neigh = s / jnp.clip(deg, 1.0)
    return h @ W_self.T + h_neigh @ W_neigh.T + b


def reference(x, adj, edge_index, W_lin, b_lin, W_self1, W_neigh1, b1, W_self2, W_neigh2, b2):
    src = edge_index[0]
    dst = edge_index[1]
    h = _leaky(x @ W_lin.T + b_lin)
    # dropout is identity in eval mode
    h = _leaky(_sage_conv_mean(h, src, dst, W_self1, W_neigh1, b1))
    out = _sage_conv_mean(h, src, dst, W_self2, W_neigh2, b2)
    return jax.nn.log_softmax(out, axis=1)

if __name__ == "__main__":
    import jax
    _d = setup_inputs()
    print(jax.jit(kernel)(*tuple(_d.values())))

</pallas_src>

<mosaic_0001>
#map = affine_map<(d0, d1) -> (0, 0)>
#map1 = affine_map<(d0, d1) -> (0)>
module attributes {stable_mosaic.version = 14 : i64} {
  func.func @body_wrap(%arg0: i32, %arg1: i32, %arg2: memref<10000x64xf32, #tpu.memory_space<hbm>>, %arg3: memref<320000xi32, #tpu.memory_space<hbm>>, %arg4: memref<320000xi32, #tpu.memory_space<hbm>>, %arg5: memref<20000x128xf32, #tpu.memory_space<hbm>>, %arg6: memref<5008xi32, #tpu.memory_space<vmem>>, %arg7: memref<5008xi32, #tpu.memory_space<vmem>>, %arg8: memref<128x64xf32, #tpu.memory_space<vmem>>, %arg9: memref<128x64xf32, #tpu.memory_space<vmem>>, %arg10: memref<128x64xf32, #tpu.memory_space<vmem>>, %arg11: memref<10000x64xf32, #tpu.memory_space<vmem_shared>>, %arg12: memref<!tpu.dma_semaphore, #tpu.memory_space<semaphore_mem>>, %arg13: memref<!tpu.dma_semaphore, #tpu.memory_space<semaphore_mem>>, %arg14: memref<!tpu.dma_semaphore, #tpu.memory_space<semaphore_mem>>, %arg15: memref<!tpu.dma_semaphore, #tpu.memory_space<semaphore_mem>>, %arg16: memref<!tpu.dma_semaphore, #tpu.memory_space<semaphore_mem>>, %arg17: memref<!tpu.dma_semaphore, #tpu.memory_space<semaphore_mem>>) attributes {dimension_semantics = [#tpu.dimension_semantics<core_parallel>, #tpu.dimension_semantics<subcore_parallel>], iteration_bounds = array<i64: 2, 16>, scalar_prefetch = 0 : i64, scratch_operands = 12 : i64, tpu.core_type = #tpu.core_type<sc_vector_subcore>, window_params = [{transform_indices = #map}, {transform_indices = #map1}, {transform_indices = #map1}, {transform_indices = #map}]} {
    %mul3A = arith.constant 16 : i32
    %mul3A_0 = arith.muli %arg0, %mul3A : i32
    %add3A = arith.addi %mul3A_0, %arg1 : i32
    %mul3A_1 = arith.constant 624 : i32
    %mul3A_2 = arith.muli %arg1, %mul3A_1 : i32
    %scan3A = arith.constant 0 : i32
    %scan3A_3 = arith.constant 128 : i32
    %scan3A_4 = arith.addi %scan3A, %scan3A_3 : i32
    %scan3A_5 = arith.constant 1 : i32
    scf.for %scan3A_278 = %scan3A to %scan3A_4 step %scan3A_5  : i32 {
      %broadcast_in_dim3A = arith.constant 0.000000e+00 : f32
      %broadcast_in_dim3A_279 = vector.broadcast %broadcast_in_dim3A : f32 to vector<16xf32>
      %swap3A = arith.index_cast %scan3A_278 : i32 to index
      %swap3A_280 = arith.constant 0 : index
      %swap3A_281 = tpu.vector_load %arg8[%swap3A, %swap3A_280] {strides = array<i32>} : memref<128x64xf32, #tpu.memory_space<vmem>>, vector<1x16xf32>,
      %swap3A_282 = vector.shape_cast %swap3A_281 : vector<1x16xf32> to vector<16xf32>
      %swap3A_283 = vector.shape_cast %broadcast_in_dim3A_279 : vector<16xf32> to vector<1x16xf32>
      tpu.vector_store %arg8[%swap3A, %swap3A_280], %swap3A_283 {strides = array<i32>} : memref<128x64xf32, #tpu.memory_space<vmem>>, vector<1x16xf32>,
      %broadcast_in_dim3A_284 = arith.constant 0.000000e+00 : f32
      %broadcast_in_dim3A_285 = vector.broadcast %broadcast_in_dim3A_284 : f32 to vector<16xf32>
      %swap3A_286 = arith.index_cast %scan3A_278 : i32 to index
      %swap3A_287 = arith.constant 16 : index
      %swap3A_288 = tpu.vector_load %arg8[%swap3A_286, %swap3A_287] {strides = array<i32>} : memref<128x64xf32, #tpu.memory_space<vmem>>, vector<1x16xf32>,
      %swap3A_289 = vector.shape_cast %swap3A_288 : vector<1x16xf32> to vector<16xf32>
      %swap3A_290 = vector.shape_cast %broadcast_in_dim3A_285 : vector<16xf32> to vector<1x16xf32>
      tpu.vector_store %arg8[%swap3A_286, %swap3A_287], %swap3A_290 {strides = array<i32>} : memref<128x64xf32, #tpu.memory_space<vmem>>, vector<1x16xf32>,
      %broadcast_in_dim3A_291 = arith.constant 0.000000e+00 : f32
      %broadcast_in_dim3A_292 = vector.broadcast %broadcast_in_dim3A_291 : f32 to vector<16xf32>
      %swap3A_293 = arith.index_cast %scan3A_278 : i32 to index
      %swap3A_294 = arith.constant 32 : index
      %swap3A_295 = tpu.vector_load %arg8[%swap3A_293, %swap3A_294] {strides = array<i32>} : memref<128x64xf32, #tpu.memory_space<vmem>>, vector<1x16xf32>,
      %swap3A_296 = vector.shape_cast %swap3A_295 : vector<1x16xf32> to vector<16xf32>
      %swap3A_297 = vector.shape_cast %broadcast_in_dim3A_292 : vector<16xf32> to vector<1x16xf32>
      tpu.vector_store %arg8[%swap3A_293, %swap3A_294], %swap3A_297 {strides = array<i32>} : memref<128x64xf32, #tpu.memory_space<vmem>>, vector<1x16xf32>,
      %broadcast_in_dim3A_298 = arith.constant 0.000000e+00 : f32
      %broadcast_in_dim3A_299 = vector.broadcast %broadcast_in_dim3A_298 : f32 to vector<16xf32>
      %swap3A_300 = arith.index_cast %scan3A_278 : i32 to index
      %swap3A_301 = arith.constant 48 : index
      %swap3A_302 = tpu.vector_load %arg8[%swap3A_300, %swap3A_301] {strides = array<i32>} : memref<128x64xf32, #tpu.memory_space<vmem>>, vector<1x16xf32>,
      %swap3A_303 = vector.shape_cast %swap3A_302 : vector<1x16xf32> to vector<16xf32>
      %swap3A_304 = vector.shape_cast %broadcast_in_dim3A_299 : vector<16xf32> to vector<1x16xf32>
      tpu.vector_store %arg8[%swap3A_300, %swap3A_301], %swap3A_304 {strides = array<i32>} : memref<128x64xf32, #tpu.memory_space<vmem>>, vector<1x16xf32>,
    }
    %scan3A_6 = arith.constant 128 : i32
    %add3A_7 = arith.constant 0 : i32
    %add3A_8 = arith.addi %mul3A_2, %add3A_7 : i32
    %dma_start3A = arith.constant 0 : i32
    %dma_start3A_9 = tpu.memref_slice %arg11[%add3A_8, %dma_start3A] : memref<10000x64xf32, #tpu.memory_space<vmem_shared>> -> memref<128x64xf32, #tpu.memory_space<vmem_shared>>
    %dma_start3A_10 = arith.constant 0 : i32
    %dma_start3A_11 = tpu.memref_slice %arg11[%add3A_8, %dma_start3A_10] : memref<10000x64xf32, #tpu.memory_space<vmem_shared>> -> memref<128x64xf32, #tpu.memory_space<vmem_shared>>
    tpu.enqueue_dma source(%arg8 : memref<128x64xf32, #tpu.memory_space<vmem>>) target(%dma_start3A_11 : memref<128x64xf32, #tpu.memory_space<vmem_shared>>) target_semaphore(%arg12 : memref<!tpu.dma_semaphore, #tpu.memory_space<semaphore_mem>>)
    %add3A_12 = arith.constant 128 : i32
    %add3A_13 = arith.addi %mul3A_2, %add3A_12 : i32
    %dma_start3A_14 = arith.constant 0 : i32
    %dma_start3A_15 = tpu.memref_slice %arg11[%add3A_13, %dma_start3A_14] : memref<10000x64xf32, #tpu.memory_space<vmem_shared>> -> memref<128x64xf32, #tpu.memory_space<vmem_shared>>
    %dma_start3A_16 = arith.constant 0 : i32
    %dma_start3A_17 = tpu.memref_slice %arg11[%add3A_13, %dma_start3A_16] : memref<10000x64xf32, #tpu.memory_space<vmem_shared>> -> memref<128x64xf32, #tpu.memory_space<vmem_shared>>
    tpu.enqueue_dma source(%arg8 : memref<128x64xf32, #tpu.memory_space<vmem>>) target(%dma_start3A_17 : memref<128x64xf32, #tpu.memory_space<vmem_shared>>) target_semaphore(%arg12 : memref<!tpu.dma_semaphore, #tpu.memory_space<semaphore_mem>>)
    %add3A_18 = arith.constant 256 : i32
    %add3A_19 = arith.addi %mul3A_2, %add3A_18 : i32
    %dma_start3A_20 = arith.constant 0 : i32
    %dma_start3A_21 = tpu.memref_slice %arg11[%add3A_19, %dma_start3A_20] : memref<10000x64xf32, #tpu.memory_space<vmem_shared>> -> memref<128x64xf32, #tpu.memory_space<vmem_shared>>
    %dma_start3A_22 = arith.constant 0 : i32
    %dma_start3A_23 = tpu.memref_slice %arg11[%add3A_19, %dma_start3A_22] : memref<10000x64xf32, #tpu.memory_space<vmem_shared>> -> memref<128x64xf32, #tpu.memory_space<vmem_shared>>
    tpu.enqueue_dma source(%arg8 : memref<128x64xf32, #tpu.memory_space<vmem>>) target(%dma_start3A_23 : memref<128x64xf32, #tpu.memory_space<vmem_shared>>) target_semaphore(%arg12 : memref<!tpu.dma_semaphore, #tpu.memory_space<semaphore_mem>>)
    %add3A_24 = arith.constant 384 : i32
    %add3A_25 = arith.addi %mul3A_2, %add3A_24 : i32
    %dma_start3A_26 = arith.constant 0 : i32
    %dma_start3A_27 = tpu.memref_slice %arg11[%add3A_25, %dma_start3A_26] : memref<10000x64xf32, #tpu.memory_space<vmem_shared>> -> memref<128x64xf32, #tpu.memory_space<vmem_shared>>
    %dma_start3A_28 = arith.constant 0 : i32
    %dma_start3A_29 = tpu.memref_slice %arg11[%add3A_25, %dma_start3A_28] : memref<10000x64xf32, #tpu.memory_space<vmem_shared>> -> memref<128x64xf32, #tpu.memory_space<vmem_shared>>
    tpu.enqueue_dma source(%arg8 : memref<128x64xf32, #tpu.memory_space<vmem>>) target(%dma_start3A_29 : memref<128x64xf32, #tpu.memory_space<vmem_shared>>) target_semaphore(%arg12 : memref<!tpu.dma_semaphore, #tpu.memory_space<semaphore_mem>>)
    %add3A_30 = arith.constant 624 : i32
    %add3A_31 = arith.addi %mul3A_2, %add3A_30 : i32
    %sub3A = arith.constant 112 : i32
    %sub3A_32 = arith.subi %add3A_31, %sub3A : i32
    %dma_start3A_33 = arith.constant 0 : i32
    %dma_start3A_34 = arith.constant 0 : i32
    %dma_start3A_35 = tpu.memref_slice %arg8[%dma_start3A_33, %dma_start3A_34] : memref<128x64xf32, #tpu.memory_space<vmem>> -> memref<112x64xf32, #tpu.memory_space<vmem>>
    %dma_start3A_36 = arith.constant 0 : i32
    %dma_start3A_37 = tpu.memref_slice %arg11[%sub3A_32, %dma_start3A_36] : memref<10000x64xf32, #tpu.memory_space<vmem_shared>> -> memref<112x64xf32, #tpu.memory_space<vmem_shared>>
    %dma_start3A_38 = arith.constant 0 : i32
    %dma_start3A_39 = tpu.memref_slice %arg11[%sub3A_32, %dma_start3A_38] : memref<10000x64xf32, #tpu.memory_space<vmem_shared>> -> memref<112x64xf32, #tpu.memory_space<vmem_shared>>
    %dma_start3A_40 = arith.constant 0 : i32
    %dma_start3A_41 = arith.constant 0 : i32
    %dma_start3A_42 = tpu.memref_slice %arg8[%dma_start3A_40, %dma_start3A_41] : memref<128x64xf32, #tpu.memory_space<vmem>> -> memref<112x64xf32, #tpu.memory_space<vmem>>
    tpu.enqueue_dma source(%dma_start3A_42 : memref<112x64xf32, #tpu.memory_space<vmem>>) target(%dma_start3A_39 : memref<112x64xf32, #tpu.memory_space<vmem_shared>>) target_semaphore(%arg12 : memref<!tpu.dma_semaphore, #tpu.memory_space<semaphore_mem>>)
    %eq3A = arith.constant 0 : i32
    %eq3A_43 = arith.cmpi eq, %arg1, %eq3A : i32
    %convert_element_type3A = arith.extui %eq3A_43 : i1 to i32
    %cond3A = arith.constant 0 : i32
    %cond3A_44 = arith.cmpi ne, %convert_element_type3A, %cond3A : i32
    scf.if %cond3A_44 {
      %dma_start3A_278 = arith.constant 0 : i32
      %dma_start3A_279 = arith.constant 0 : i32
      %dma_start3A_280 = tpu.memref_slice %arg8[%dma_start3A_278, %dma_start3A_279] : memref<128x64xf32, #tpu.memory_space<vmem>> -> memref<16x64xf32, #tpu.memory_space<vmem>>
      %dma_start3A_281 = arith.constant 9984 : i32
      %dma_start3A_282 = arith.constant 0 : i32
      %dma_start3A_283 = tpu.memref_slice %arg11[%dma_start3A_281, %dma_start3A_282] : memref<10000x64xf32, #tpu.memory_space<vmem_shared>> -> memref<16x64xf32, #tpu.memory_space<vmem_shared>>
      %dma_start3A_284 = arith.constant 9984 : i32
      %dma_start3A_285 = arith.constant 0 : i32
      %dma_start3A_286 = tpu.memref_slice %arg11[%dma_start3A_284, %dma_start3A_285] : memref<10000x64xf32, #tpu.memory_space<vmem_shared>> -> memref<16x64xf32, #tpu.memory_space<vmem_shared>>
      %dma_start3A_287 = arith.constant 0 : i32
      %dma_start3A_288 = arith.constant 0 : i32
      %dma_start3A_289 = tpu.memref_slice %arg8[%dma_start3A_287, %dma_start3A_288] : memref<128x64xf32, #tpu.memory_space<vmem>> -> memref<16x64xf32, #tpu.memory_space<vmem>>
      tpu.enqueue_dma source(%dma_start3A_289 : memref<16x64xf32, #tpu.memory_space<vmem>>) target(%dma_start3A_286 : memref<16x64xf32, #tpu.memory_space<vmem_shared>>) target_semaphore(%arg12 : memref<!tpu.dma_semaphore, #tpu.memory_space<semaphore_mem>>)
    } else {
    }
    %add3A_45 = arith.constant 0 : i32
    %add3A_46 = arith.addi %mul3A_2, %add3A_45 : i32
    %dma_wait3A = arith.constant 0 : i32
    %dma_wait3A_47 = tpu.memref_slice %arg11[%add3A_46, %dma_wait3A] : memref<10000x64xf32, #tpu.memory_space<vmem_shared>> -> memref<128x64xf32, #tpu.memory_space<vmem_shared>>
    %dma_wait3A_48 = arith.constant 0 : i32
    %dma_wait3A_49 = tpu.memref_slice %arg11[%add3A_46, %dma_wait3A_48] : memref<10000x64xf32, #tpu.memory_space<vmem_shared>> -> memref<128x64xf32, #tpu.memory_space<vmem_shared>>
    tpu.wait_dma2 semaphore(%arg12 : memref<!tpu.dma_semaphore, #tpu.memory_space<semaphore_mem>>) src(%arg8 : memref<128x64xf32, #tpu.memory_space<vmem>>) dst(%dma_wait3A_49 : memref<128x64xf32, #tpu.memory_space<vmem_shared>>)
    %add3A_50 = arith.constant 128 : i32
    %add3A_51 = arith.addi %mul3A_2, %add3A_50 : i32
    %dma_wait3A_52 = arith.constant 0 : i32
    %dma_wait3A_53 = tpu.memref_slice %arg11[%add3A_51, %dma_wait3A_52] : memref<10000x64xf32, #tpu.memory_space<vmem_shared>> -> memref<128x64xf32, #tpu.memory_space<vmem_shared>>
    %dma_wait3A_54 = arith.constant 0 : i32
    %dma_wait3A_55 = tpu.memref_slice %arg11[%add3A_51, %dma_wait3A_54] : memref<10000x64xf32, #tpu.memory_space<vmem_shared>> -> memref<128x64xf32, #tpu.memory_space<vmem_shared>>
    tpu.wait_dma2 semaphore(%arg12 : memref<!tpu.dma_semaphore, #tpu.memory_space<semaphore_mem>>) src(%arg8 : memref<128x64xf32, #tpu.memory_space<vmem>>) dst(%dma_wait3A_55 : memref<128x64xf32, #tpu.memory_space<vmem_shared>>)
    %add3A_56 = arith.constant 256 : i32
    %add3A_57 = arith.addi %mul3A_2, %add3A_56 : i32
    %dma_wait3A_58 = arith.constant 0 : i32
    %dma_wait3A_59 = tpu.memref_slice %arg11[%add3A_57, %dma_wait3A_58] : memref<10000x64xf32, #tpu.memory_space<vmem_shared>> -> memref<128x64xf32, #tpu.memory_space<vmem_shared>>
    %dma_wait3A_60 = arith.constant 0 : i32
    %dma_wait3A_61 = tpu.memref_slice %arg11[%add3A_57, %dma_wait3A_60] : memref<10000x64xf32, #tpu.memory_space<vmem_shared>> -> memref<128x64xf32, #tpu.memory_space<vmem_shared>>
    tpu.wait_dma2 semaphore(%arg12 : memref<!tpu.dma_semaphore, #tpu.memory_space<semaphore_mem>>) src(%arg8 : memref<128x64xf32, #tpu.memory_space<vmem>>) dst(%dma_wait3A_61 : memref<128x64xf32, #tpu.memory_space<vmem_shared>>)
    %add3A_62 = arith.constant 384 : i32
    %add3A_63 = arith.addi %mul3A_2, %add3A_62 : i32
    %dma_wait3A_64 = arith.constant 0 : i32
    %dma_wait3A_65 = tpu.memref_slice %arg11[%add3A_63, %dma_wait3A_64] : memref<10000x64xf32, #tpu.memory_space<vmem_shared>> -> memref<128x64xf32, #tpu.memory_space<vmem_shared>>
    %dma_wait3A_66 = arith.constant 0 : i32
    %dma_wait3A_67 = tpu.memref_slice %arg11[%add3A_63, %dma_wait3A_66] : memref<10000x64xf32, #tpu.memory_space<vmem_shared>> -> memref<128x64xf32, #tpu.memory_space<vmem_shared>>
    tpu.wait_dma2 semaphore(%arg12 : memref<!tpu.dma_semaphore, #tpu.memory_space<semaphore_mem>>) src(%arg8 : memref<128x64xf32, #tpu.memory_space<vmem>>) dst(%dma_wait3A_67 : memref<128x64xf32, #tpu.memory_space<vmem_shared>>)
    %add3A_68 = arith.constant 624 : i32
    %add3A_69 = arith.addi %mul3A_2, %add3A_68 : i32
    %sub3A_70 = arith.constant 112 : i32
    %sub3A_71 = arith.subi %add3A_69, %sub3A_70 : i32
    %dma_wait3A_72 = arith.constant 0 : i32
    %dma_wait3A_73 = arith.constant 0 : i32
    %dma_wait3A_74 = tpu.memref_slice %arg8[%dma_wait3A_72, %dma_wait3A_73] : memref<128x64xf32, #tpu.memory_space<vmem>> -> memref<112x64xf32, #tpu.memory_space<vmem>>
    %dma_wait3A_75 = arith.constant 0 : i32
    %dma_wait3A_76 = tpu.memref_slice %arg11[%sub3A_71, %dma_wait3A_75] : memref<10000x64xf32, #tpu.memory_space<vmem_shared>> -> memref<112x64xf32, #tpu.memory_space<vmem_shared>>
    %dma_wait3A_77 = arith.constant 0 : i32
    %dma_wait3A_78 = tpu.memref_slice %arg11[%sub3A_71, %dma_wait3A_77] : memref<10000x64xf32, #tpu.memory_space<vmem_shared>> -> memref<112x64xf32, #tpu.memory_space<vmem_shared>>
    %dma_wait3A_79 = arith.constant 0 : i32
    %dma_wait3A_80 = arith.constant 0 : i32
    %dma_wait3A_81 = tpu.memref_slice %arg8[%dma_wait3A_79, %dma_wait3A_80] : memref<128x64xf32, #tpu.memory_space<vmem>> -> memref<112x64xf32, #tpu.memory_space<vmem>>
    tpu.wait_dma2 semaphore(%arg12 : memref<!tpu.dma_semaphore, #tpu.memory_space<semaphore_mem>>) src(%dma_wait3A_81 : memref<112x64xf32, #tpu.memory_space<vmem>>) dst(%dma_wait3A_78 : memref<112x64xf32, #tpu.memory_space<vmem_shared>>)
    %eq3A_82 = arith.constant 0 : i32
    %eq3A_83 = arith.cmpi eq, %arg1, %eq3A_82 : i32
    %convert_element_type3A_84 = arith.extui %eq3A_83 : i1 to i32
    %cond3A_85 = arith.constant 0 : i32
    %cond3A_86 = arith.cmpi ne, %convert_element_type3A_84, %cond3A_85 : i32
    scf.if %cond3A_86 {
      %dma_wait3A_278 = arith.constant 0 : i32
      %dma_wait3A_279 = arith.constant 0 : i32
      %dma_wait3A_280 = tpu.memref_slice %arg8[%dma_wait3A_278, %dma_wait3A_279] : memref<128x64xf32, #tpu.memory_space<vmem>> -> memref<16x64xf32, #tpu.memory_space<vmem>>
      %dma_wait3A_281 = arith.constant 9984 : i32
      %dma_wait3A_282 = arith.constant 0 : i32
      %dma_wait3A_283 = tpu.memref_slice %arg11[%dma_wait3A_281, %dma_wait3A_282] : memref<10000x64xf32, #tpu.memory_space<vmem_shared>> -> memref<16x64xf32, #tpu.memory_space<vmem_shared>>
      %dma_wait3A_284 = arith.constant 9984 : i32
      %dma_wait3A_285 = arith.constant 0 : i32
      %dma_wait3A_286 = tpu.memref_slice %arg11[%dma_wait3A_284, %dma_wait3A_285] : memref<10000x64xf32, #tpu.memory_space<vmem_shared>> -> memref<16x64xf32, #tpu.memory_space<vmem_shared>>
      %dma_wait3A_287 = arith.constant 0 : i32
      %dma_wait3A_288 = arith.constant 0 : i32
      %dma_wait3A_289 = tpu.memref_slice %arg8[%dma_wait3A_287, %dma_wait3A_288] : memref<128x64xf32, #tpu.memory_space<vmem>> -> memref<16x64xf32, #tpu.memory_space<vmem>>
      tpu.wait_dma2 semaphore(%arg12 : memref<!tpu.dma_semaphore, #tpu.memory_space<semaphore_mem>>) src(%dma_wait3A_289 : memref<16x64xf32, #tpu.memory_space<vmem>>) dst(%dma_wait3A_286 : memref<16x64xf32, #tpu.memory_space<vmem_shared>>)
    } else {
    }
    %barrier3A = arith.constant 0 : index
    tpu.barrier barrier_id(%barrier3A)
    %mul3A_87 = arith.constant 10000 : i32
    %mul3A_88 = arith.muli %add3A, %mul3A_87 : i32
    %add3A_89 = arith.constant 0 : i32
    %add3A_90 = arith.addi %mul3A_88, %add3A_89 : i32
    "tpu.region"() ({
      %run_scoped3A = tpu.sem_alloc : memref<!tpu.dma_semaphore, #tpu.memory_space<semaphore_mem>>
      %dma_start3A_278 = arith.constant 0 : i32
      %dma_start3A_279 = tpu.memref_slice %arg6[%dma_start3A_278] : memref<5008xi32, #tpu.memory_space<vmem>> -> memref<4992xi32, #tpu.memory_space<vmem>>
      %dma_start3A_280 = tpu.memref_slice %arg3[%add3A_90] : memref<320000xi32, #tpu.memory_space<hbm>> -> memref<4992xi32, #tpu.memory_space<hbm>>
      %dma_start3A_281 = arith.constant 0 : i32
      %dma_start3A_282 = tpu.memref_slice %arg6[%dma_start3A_281] : memref<5008xi32, #tpu.memory_space<vmem>> -> memref<4992xi32, #tpu.memory_space<vmem>>
      %dma_start3A_283 = tpu.memref_slice %arg3[%add3A_90] : memref<320000xi32, #tpu.memory_space<hbm>> -> memref<4992xi32, #tpu.memory_space<hbm>>
      tpu.enqueue_dma source(%dma_start3A_283 : memref<4992xi32, #tpu.memory_space<hbm>>) target(%dma_start3A_282 : memref<4992xi32, #tpu.memory_space<vmem>>) target_semaphore(%run_scoped3A : memref<!tpu.dma_semaphore, #tpu.memory_space<semaphore_mem>>)
      %dma_wait3A_284 = arith.constant 0 : i32
      %dma_wait3A_285 = tpu.memref_slice %arg6[%dma_wait3A_284] : memref<5008xi32, #tpu.memory_space<vmem>> -> memref<4992xi32, #tpu.memory_space<vmem>>
      %dma_wait3A_286 = tpu.memref_slice %arg3[%add3A_90] : memref<320000xi32, #tpu.memory_space<hbm>> -> memref<4992xi32, #tpu.memory_space<hbm>>
      %dma_wait3A_287 = arith.constant 0 : i32
      %dma_wait3A_288 = tpu.memref_slice %arg6[%dma_wait3A_287] : memref<5008xi32, #tpu.memory_space<vmem>> -> memref<4992xi32, #tpu.memory_space<vmem>>
      %dma_wait3A_289 = tpu.memref_slice %arg3[%add3A_90] : memref<320000xi32, #tpu.memory_space<hbm>> -> memref<4992xi32, #tpu.memory_space<hbm>>
      tpu.wait_dma2 semaphore(%run_scoped3A : memref<!tpu.dma_semaphore, #tpu.memory_space<semaphore_mem>>) src(%dma_wait3A_289 : memref<4992xi32, #tpu.memory_space<hbm>>) dst(%dma_wait3A_288 : memref<4992xi32, #tpu.memory_space<vmem>>)
      tpu.yield
    }) : () -> ()
    %add3A_91 = arith.constant 0 : i32
    %add3A_92 = arith.addi %mul3A_88, %add3A_91 : i32
    "tpu.region"() ({
      %run_scoped3A = tpu.sem_alloc : memref<!tpu.dma_semaphore, #tpu.memory_space<semaphore_mem>>
      %dma_start3A_278 = arith.constant 0 : i32
      %dma_start3A_279 = tpu.memref_slice %arg7[%dma_start3A_278] : memref<5008xi32, #tpu.memory_space<vmem>> -> memref<4992xi32, #tpu.memory_space<vmem>>
      %dma_start3A_280 = tpu.memref_slice %arg4[%add3A_92] : memref<320000xi32, #tpu.memory_space<hbm>> -> memref<4992xi32, #tpu.memory_space<hbm>>
      %dma_start3A_281 = arith.constant 0 : i32
      %dma_start3A_282 = tpu.memref_slice %arg7[%dma_start3A_281] : memref<5008xi32, #tpu.memory_space<vmem>> -> memref<4992xi32, #tpu.memory_space<vmem>>
      %dma_start3A_283 = tpu.memref_slice %arg4[%add3A_92] : memref<320000xi32, #tpu.memory_space<hbm>> -> memref<4992xi32, #tpu.memory_space<hbm>>
      tpu.enqueue_dma source(%dma_start3A_283 : memref<4992xi32, #tpu.memory_space<hbm>>) target(%dma_start3A_282 : memref<4992xi32, #tpu.memory_space<vmem>>) target_semaphore(%run_scoped3A : memref<!tpu.dma_semaphore, #tpu.memory_space<semaphore_mem>>)
      %dma_wait3A_284 = arith.constant 0 : i32
      %dma_wait3A_285 = tpu.memref_slice %arg7[%dma_wait3A_284] : memref<5008xi32, #tpu.memory_space<vmem>> -> memref<4992xi32, #tpu.memory_space<vmem>>
      %dma_wait3A_286 = tpu.memref_slice %arg4[%add3A_92] : memref<320000xi32, #tpu.memory_space<hbm>> -> memref<4992xi32, #tpu.memory_space<hbm>>
      %dma_wait3A_287 = arith.constant 0 : i32
      %dma_wait3A_288 = tpu.memref_slice %arg7[%dma_wait3A_287] : memref<5008xi32, #tpu.memory_space<vmem>> -> memref<4992xi32, #tpu.memory_space<vmem>>
      %dma_wait3A_289 = tpu.memref_slice %arg4[%add3A_92] : memref<320000xi32, #tpu.memory_space<hbm>> -> memref<4992xi32, #tpu.memory_space<hbm>>
      tpu.wait_dma2 semaphore(%run_scoped3A : memref<!tpu.dma_semaphore, #tpu.memory_space<semaphore_mem>>) src(%dma_wait3A_289 : memref<4992xi32, #tpu.memory_space<hbm>>) dst(%dma_wait3A_288 : memref<4992xi32, #tpu.memory_space<vmem>>)
      tpu.yield
    }) : () -> ()
    %dma_start3A_93 = arith.constant 0 : i32
    %dma_start3A_94 = tpu.memref_slice %arg6[%dma_start3A_93] : memref<5008xi32, #tpu.memory_space<vmem>> -> memref<128xi32, #tpu.memory_space<vmem>>
    %dma_start3A_95 = arith.constant 0 : i32
    %dma_start3A_96 = arith.constant 0 : i32
    %dma_start3A_97 = tpu.memref_slice %arg2[%dma_start3A_95, %dma_start3A_96] : memref<10000x64xf32, #tpu.memory_space<hbm>> -> memref<10000x64xf32, #tpu.memory_space<hbm>>
    tpu.enqueue_indirect_dma source(%dma_start3A_97 : memref<10000x64xf32, #tpu.memory_space<hbm>>) target(%arg8 : memref<128x64xf32, #tpu.memory_space<vmem>>) offsets(%dma_start3A_94 : memref<128xi32, #tpu.memory_space<vmem>>) semaphore(%arg12 : memref<!tpu.dma_semaphore, #tpu.memory_space<semaphore_mem>>)
    %dma_start3A_98 = arith.constant 128 : i32
    %dma_start3A_99 = tpu.memref_slice %arg6[%dma_start3A_98] : memref<5008xi32, #tpu.memory_space<vmem>> -> memref<128xi32, #tpu.memory_space<vmem>>
    %dma_start3A_100 = arith.constant 0 : i32
    %dma_start3A_101 = arith.constant 0 : i32
    %dma_start3A_102 = tpu.memref_slice %arg2[%dma_start3A_100, %dma_start3A_101] : memref<10000x64xf32, #tpu.memory_space<hbm>> -> memref<10000x64xf32, #tpu.memory_space<hbm>>
    tpu.enqueue_indirect_dma source(%dma_start3A_102 : memref<10000x64xf32, #tpu.memory_space<hbm>>) target(%arg9 : memref<128x64xf32, #tpu.memory_space<vmem>>) offsets(%dma_start3A_99 : memref<128xi32, #tpu.memory_space<vmem>>) semaphore(%arg13 : memref<!tpu.dma_semaphore, #tpu.memory_space<semaphore_mem>>)
    %scan3A_103 = arith.constant 0 : i32
    %scan3A_104 = arith.constant 12 : i32
    %scan3A_105 = arith.addi %scan3A_103, %scan3A_104 : i32
    %scan3A_106 = arith.constant 1 : i32
    scf.for %scan3A_278 = %scan3A_103 to %scan3A_105 step %scan3A_106  : i32 {
      %mul3A_279 = arith.constant 3 : i32
      %mul3A_280 = arith.muli %mul3A_279, %scan3A_278 : i32
      %add3A_281 = arith.constant 0 : i32
      %add3A_282 = arith.addi %mul3A_280, %add3A_281 : i32
      %gt3A = arith.constant 0 : i32
      %gt3A_283 = arith.cmpi sgt, %scan3A_278, %gt3A : i32
      %convert_element_type3A_284 = arith.extui %gt3A_283 : i1 to i32
      %cond3A_285 = arith.constant 0 : i32
      %cond3A_286 = arith.cmpi ne, %convert_element_type3A_284, %cond3A_285 : i32
      scf.if %cond3A_286 {
        %sub3A_371 = arith.constant 1 : i32
        %sub3A_372 = arith.subi %add3A_282, %sub3A_371 : i32
        %mul3A_373 = arith.constant 128 : i32
        %mul3A_374 = arith.muli %sub3A_372, %mul3A_373 : i32
        %dma_wait3A_375 = tpu.memref_slice %arg7[%mul3A_374] : memref<5008xi32, #tpu.memory_space<vmem>> -> memref<128xi32, #tpu.memory_space<vmem>>
        %dma_wait3A_376 = arith.constant 0 : i32
        %dma_wait3A_377 = arith.constant 0 : i32
        %dma_wait3A_378 = tpu.memref_slice %arg11[%dma_wait3A_376, %dma_wait3A_377] : memref<10000x64xf32, #tpu.memory_space<vmem_shared>> -> memref<10000x64xf32, #tpu.memory_space<vmem_shared>>
        tpu.wait_indirect_dma semaphore(%arg17 : memref<!tpu.dma_semaphore, #tpu.memory_space<semaphore_mem>>) src(%arg10 : memref<128x64xf32, #tpu.memory_space<vmem>>) dst(%dma_wait3A_378 : memref<10000x64xf32, #tpu.memory_space<vmem_shared>>)
      } else {
      }
      %add3A_287 = arith.constant 2 : i32
      %add3A_288 = arith.addi %add3A_282, %add3A_287 : i32
      %mul3A_289 = arith.constant 128 : i32
      %mul3A_290 = arith.muli %add3A_288, %mul3A_289 : i32
      %dma_start3A_291 = tpu.memref_slice %arg6[%mul3A_290] : memref<5008xi32, #tpu.memory_space<vmem>> -> memref<128xi32, #tpu.memory_space<vmem>>
      %dma_start3A_292 = arith.constant 0 : i32
      %dma_start3A_293 = arith.constant 0 : i32
      %dma_start3A_294 = tpu.memref_slice %arg2[%dma_start3A_292, %dma_start3A_293] : memref<10000x64xf32, #tpu.memory_space<hbm>> -> memref<10000x64xf32, #tpu.memory_space<hbm>>
      tpu.enqueue_indirect_dma source(%dma_start3A_294 : memref<10000x64xf32, #tpu.memory_space<hbm>>) target(%arg10 : memref<128x64xf32, #tpu.memory_space<vmem>>) offsets(%dma_start3A_291 : memref<128xi32, #tpu.memory_space<vmem>>) semaphore(%arg14 : memref<!tpu.dma_semaphore, #tpu.memory_space<semaphore_mem>>)
      %mul3A_295 = arith.constant 128 : i32
      %mul3A_296 = arith.muli %add3A_282, %mul3A_295 : i32
      %dma_wait3A_297 = tpu.memref_slice %arg6[%mul3A_296] : memref<5008xi32, #tpu.memory_space<vmem>> -> memref<128xi32, #tpu.memory_space<vmem>>
      %dma_wait3A_298 = arith.constant 0 : i32
      %dma_wait3A_299 = arith.constant 0 : i32
      %dma_wait3A_300 = tpu.memref_slice %arg2[%dma_wait3A_298, %dma_wait3A_299] : memref<10000x64xf32, #tpu.memory_space<hbm>> -> memref<10000x64xf32, #tpu.memory_space<hbm>>
      tpu.wait_indirect_dma semaphore(%arg12 : memref<!tpu.dma_semaphore, #tpu.memory_space<semaphore_mem>>) src(%dma_wait3A_300 : memref<10000x64xf32, #tpu.memory_space<hbm>>) dst(%arg8 : memref<128x64xf32, #tpu.memory_space<vmem>>)
      %mul3A_301 = arith.constant 128 : i32
      %mul3A_302 = arith.muli %add3A_282, %mul3A_301 : i32
      %dma_start3A_303 = tpu.memref_slice %arg7[%mul3A_302] : memref<5008xi32, #tpu.memory_space<vmem>> -> memref<128xi32, #tpu.memory_space<vmem>>
      %dma_start3A_304 = arith.constant 0 : i32
      %dma_start3A_305 = arith.constant 0 : i32
      %dma_start3A_306 = tpu.memref_slice %arg11[%dma_start3A_304, %dma_start3A_305] : memref<10000x64xf32, #tpu.memory_space<vmem_shared>> -> memref<10000x64xf32, #tpu.memory_space<vmem_shared>>
      tpu.enqueue_indirect_dma source(%arg8 : memref<128x64xf32, #tpu.memory_space<vmem>>) target(%dma_start3A_306 : memref<10000x64xf32, #tpu.memory_space<vmem_shared>>) offsets(%dma_start3A_303 : memref<128xi32, #tpu.memory_space<vmem>>) semaphore(%arg15 : memref<!tpu.dma_semaphore, #tpu.memory_space<semaphore_mem>>) {add = true}
      %mul3A_307 = arith.constant 3 : i32
      %mul3A_308 = arith.muli %mul3A_307, %scan3A_278 : i32
      %add3A_309 = arith.constant 1 : i32
      %add3A_310 = arith.addi %mul3A_308, %add3A_309 : i32
      %sub3A_311 = arith.constant 1 : i32
      %sub3A_312 = arith.subi %add3A_310, %sub3A_311 : i32
      %mul3A_313 = arith.constant 128 : i32
      %mul3A_314 = arith.muli %sub3A_312, %mul3A_313 : i32
      %dma_wait3A_315 = tpu.memref_slice %arg7[%mul3A_314] : memref<5008xi32, #tpu.memory_space<vmem>> -> memref<128xi32, #tpu.memory_space<vmem>>
      %dma_wait3A_316 = arith.constant 0 : i32
      %dma_wait3A_317 = arith.constant 0 : i32
      %dma_wait3A_318 = tpu.memref_slice %arg11[%dma_wait3A_316, %dma_wait3A_317] : memref<10000x64xf32, #tpu.memory_space<vmem_shared>> -> memref<10000x64xf32, #tpu.memory_space<vmem_shared>>
      tpu.wait_indirect_dma semaphore(%arg15 : memref<!tpu.dma_semaphore, #tpu.memory_space<semaphore_mem>>) src(%arg8 : memref<128x64xf32, #tpu.memory_space<vmem>>) dst(%dma_wait3A_318 : memref<10000x64xf32, #tpu.memory_space<vmem_shared>>)
      %add3A_319 = arith.constant 2 : i32
      %add3A_320 = arith.addi %add3A_310, %add3A_319 : i32
      %mul3A_321 = arith.constant 128 : i32
      %mul3A_322 = arith.muli %add3A_320, %mul3A_321 : i32
      %dma_start3A_323 = tpu.memref_slice %arg6[%mul3A_322] : memref<5008xi32, #tpu.memory_space<vmem>> -> memref<128xi32, #tpu.memory_space<vmem>>
      %dma_start3A_324 = arith.constant 0 : i32
      %dma_start3A_325 = arith.constant 0 : i32
      %dma_start3A_326 = tpu.memref_slice %arg2[%dma_start3A_324, %dma_start3A_325] : memref<10000x64xf32, #tpu.memory_space<hbm>> -> memref<10000x64xf32, #tpu.memory_space<hbm>>
      tpu.enqueue_indirect_dma source(%dma_start3A_326 : memref<10000x64xf32, #tpu.memory_space<hbm>>) target(%arg8 : memref<128x64xf32, #tpu.memory_space<vmem>>) offsets(%dma_start3A_323 : memref<128xi32, #tpu.memory_space<vmem>>) semaphore(%arg12 : memref<!tpu.dma_semaphore, #tpu.memory_space<semaphore_mem>>)
      %mul3A_327 = arith.constant 128 : i32
      %mul3A_328 = arith.muli %add3A_310, %mul3A_327 : i32
      %dma_wait3A_329 = tpu.memref_slice %arg6[%mul3A_328] : memref<5008xi32, #tpu.memory_space<vmem>> -> memref<128xi32, #tpu.memory_space<vmem>>
      %dma_wait3A_330 = arith.constant 0 : i32
      %dma_wait3A_331 = arith.constant 0 : i32
      %dma_wait3A_332 = tpu.memref_slice %arg2[%dma_wait3A_330, %dma_wait3A_331] : memref<10000x64xf32, #tpu.memory_space<hbm>> -> memref<10000x64xf32, #tpu.memory_space<hbm>>
      tpu.wait_indirect_dma semaphore(%arg13 : memref<!tpu.dma_semaphore, #tpu.memory_space<semaphore_mem>>) src(%dma_wait3A_332 : memref<10000x64xf32, #tpu.memory_space<hbm>>) dst(%arg9 : memref<128x64xf32, #tpu.memory_space<vmem>>)
      %mul3A_333 = arith.constant 128 : i32
      %mul3A_334 = arith.muli %add3A_310, %mul3A_333 : i32
      %dma_start3A_335 = tpu.memref_slice %arg7[%mul3A_334] : memref<5008xi32, #tpu.memory_space<vmem>> -> memref<128xi32, #tpu.memory_space<vmem>>
      %dma_start3A_336 = arith.constant 0 : i32
      %dma_start3A_337 = arith.constant 0 : i32
      %dma_start3A_338 = tpu.memref_slice %arg11[%dma_start3A_336, %dma_start3A_337] : memref<10000x64xf32, #tpu.memory_space<vmem_shared>> -> memref<10000x64xf32, #tpu.memory_space<vmem_shared>>
      tpu.enqueue_indirect_dma source(%arg9 : memref<128x64xf32, #tpu.memory_space<vmem>>) target(%dma_start3A_338 : memref<10000x64xf32, #tpu.memory_space<vmem_shared>>) offsets(%dma_start3A_335 : memref<128xi32, #tpu.memory_space<vmem>>) semaphore(%arg16 : memref<!tpu.dma_semaphore, #tpu.memory_space<semaphore_mem>>) {add = true}
      %mul3A_339 = arith.constant 3 : i32
      %mul3A_340 = arith.muli %mul3A_339, %scan3A_278 : i32
      %add3A_341 = arith.constant 2 : i32
      %add3A_342 = arith.addi %mul3A_340, %add3A_341 : i32
      %sub3A_343 = arith.constant 1 : i32
      %sub3A_344 = arith.subi %add3A_342, %sub3A_343 : i32
      %mul3A_345 = arith.constant 128 : i32
      %mul3A_346 = arith.muli %sub3A_344, %mul3A_345 : i32
      %dma_wait3A_347 = tpu.memref_slice %arg7[%mul3A_346] : memref<5008xi32, #tpu.memory_space<vmem>> -> memref<128xi32, #tpu.memory_space<vmem>>
      %dma_wait3A_348 = arith.constant 0 : i32
      %dma_wait3A_349 = arith.constant 0 : i32
      %dma_wait3A_350 = tpu.memref_slice %arg11[%dma_wait3A_348, %dma_wait3A_349] : memref<10000x64xf32, #tpu.memory_space<vmem_shared>> -> memref<10000x64xf32, #tpu.memory_space<vmem_shared>>
      tpu.wait_indirect_dma semaphore(%arg16 : memref<!tpu.dma_semaphore, #tpu.memory_space<semaphore_mem>>) src(%arg9 : memref<128x64xf32, #tpu.memory_space<vmem>>) dst(%dma_wait3A_350 : memref<10000x64xf32, #tpu.memory_space<vmem_shared>>)
      %add3A_351 = arith.constant 2 : i32
      %add3A_352 = arith.addi %add3A_342, %add3A_351 : i32
      %mul3A_353 = arith.constant 128 : i32
      %mul3A_354 = arith.muli %add3A_352, %mul3A_353 : i32
      %dma_start3A_355 = tpu.memref_slice %arg6[%mul3A_354] : memref<5008xi32, #tpu.memory_space<vmem>> -> memref<128xi32, #tpu.memory_space<vmem>>
      %dma_start3A_356 = arith.constant 0 : i32
      %dma_start3A_357 = arith.constant 0 : i32
      %dma_start3A_358 = tpu.memref_slice %arg2[%dma_start3A_356, %dma_start3A_357] : memref<10000x64xf32, #tpu.memory_space<hbm>> -> memref<10000x64xf32, #tpu.memory_space<hbm>>
      tpu.enqueue_indirect_dma source(%dma_start3A_358 : memref<10000x64xf32, #tpu.memory_space<hbm>>) target(%arg9 : memref<128x64xf32, #tpu.memory_space<vmem>>) offsets(%dma_start3A_355 : memref<128xi32, #tpu.memory_space<vmem>>) semaphore(%arg13 : memref<!tpu.dma_semaphore, #tpu.memory_space<semaphore_mem>>)
      %mul3A_359 = arith.constant 128 : i32
      %mul3A_360 = arith.muli %add3A_342, %mul3A_359 : i32
      %dma_wait3A_361 = tpu.memref_slice %arg6[%mul3A_360] : memref<5008xi32, #tpu.memory_space<vmem>> -> memref<128xi32, #tpu.memory_space<vmem>>
      %dma_wait3A_362 = arith.constant 0 : i32
      %dma_wait3A_363 = arith.constant 0 : i32
      %dma_wait3A_364 = tpu.memref_slice %arg2[%dma_wait3A_362, %dma_wait3A_363] : memref<10000x64xf32, #tpu.memory_space<hbm>> -> memref<10000x64xf32, #tpu.memory_space<hbm>>
      tpu.wait_indirect_dma semaphore(%arg14 : memref<!tpu.dma_semaphore, #tpu.memory_space<semaphore_mem>>) src(%dma_wait3A_364 : memref<10000x64xf32, #tpu.memory_space<hbm>>) dst(%arg10 : memref<128x64xf32, #tpu.memory_space<vmem>>)
      %mul3A_365 = arith.constant 128 : i32
      %mul3A_366 = arith.muli %add3A_342, %mul3A_365 : i32
      %dma_start3A_367 = tpu.memref_slice %arg7[%mul3A_366] : memref<5008xi32, #tpu.memory_space<vmem>> -> memref<128xi32, #tpu.memory_space<vmem>>
      %dma_start3A_368 = arith.constant 0 : i32
      %dma_start3A_369 = arith.constant 0 : i32
      %dma_start3A_370 = tpu.memref_slice %arg11[%dma_start3A_368, %dma_start3A_369] : memref<10000x64xf32, #tpu.memory_space<vmem_shared>> -> memref<10000x64xf32, #tpu.memory_space<vmem_shared>>
      tpu.enqueue_indirect_dma source(%arg10 : memref<128x64xf32, #tpu.memory_space<vmem>>) target(%dma_start3A_370 : memref<10000x64xf32, #tpu.memory_space<vmem_shared>>) offsets(%dma_start3A_367 : memref<128xi32, #tpu.memory_space<vmem>>) semaphore(%arg17 : memref<!tpu.dma_semaphore, #tpu.memory_space<semaphore_mem>>) {add = true}
    }
    %scan3A_107 = arith.constant 12 : i32
    %dma_wait3A_108 = arith.constant 4480 : i32
    %dma_wait3A_109 = tpu.memref_slice %arg7[%dma_wait3A_108] : memref<5008xi32, #tpu.memory_space<vmem>> -> memref<128xi32, #tpu.memory_space<vmem>>
    %dma_wait3A_110 = arith.constant 0 : i32
    %dma_wait3A_111 = arith.constant 0 : i32
    %dma_wait3A_112 = tpu.memref_slice %arg11[%dma_wait3A_110, %dma_wait3A_111] : memref<10000x64xf32, #tpu.memory_space<vmem_shared>> -> memref<10000x64xf32, #tpu.memory_space<vmem_shared>>
    tpu.wait_indirect_dma semaphore(%arg17 : memref<!tpu.dma_semaphore, #tpu.memory_space<semaphore_mem>>) src(%arg10 : memref<128x64xf32, #tpu.memory_space<vmem>>) dst(%dma_wait3A_112 : memref<10000x64xf32, #tpu.memory_space<vmem_shared>>)
    %dma_start3A_113 = arith.constant 4864 : i32
    %dma_start3A_114 = tpu.memref_slice %arg6[%dma_start3A_113] : memref<5008xi32, #tpu.memory_space<vmem>> -> memref<128xi32, #tpu.memory_space<vmem>>
    %dma_start3A_115 = arith.constant 0 : i32
    %dma_start3A_116 = arith.constant 0 : i32
    %dma_start3A_117 = tpu.memref_slice %arg2[%dma_start3A_115, %dma_start3A_116] : memref<10000x64xf32, #tpu.memory_space<hbm>> -> memref<10000x64xf32, #tpu.memory_space<hbm>>
    tpu.enqueue_indirect_dma source(%dma_start3A_117 : memref<10000x64xf32, #tpu.memory_space<hbm>>) target(%arg10 : memref<128x64xf32, #tpu.memory_space<vmem>>) offsets(%dma_start3A_114 : memref<128xi32, #tpu.memory_space<vmem>>) semaphore(%arg14 : memref<!tpu.dma_semaphore, #tpu.memory_space<semaphore_mem>>)
    %dma_wait3A_118 = arith.constant 4608 : i32
    %dma_wait3A_119 = tpu.memref_slice %arg6[%dma_wait3A_118] : memref<5008xi32, #tpu.memory_space<vmem>> -> memref<128xi32, #tpu.memory_space<vmem>>
    %dma_wait3A_120 = arith.constant 0 : i32
    %dma_wait3A_121 = arith.constant 0 : i32
    %dma_wait3A_122 = tpu.memref_slice %arg2[%dma_wait3A_120, %dma_wait3A_121] : memref<10000x64xf32, #tpu.memory_space<hbm>> -> memref<10000x64xf32, #tpu.memory_space<hbm>>
    tpu.wait_indirect_dma semaphore(%arg12 : memref<!tpu.dma_semaphore, #tpu.memory_space<semaphore_mem>>) src(%dma_wait3A_122 : memref<10000x64xf32, #tpu.memory_space<hbm>>) dst(%arg8 : memref<128x64xf32, #tpu.memory_space<vmem>>)
    %dma_start3A_123 = arith.constant 4608 : i32
    %dma_start3A_124 = tpu.memref_slice %arg7[%dma_start3A_123] : memref<5008xi32, #tpu.memory_space<vmem>> -> memref<128xi32, #tpu.memory_space<vmem>>
    %dma_start3A_125 = arith.constant 0 : i32
    %dma_start3A_126 = arith.constant 0 : i32
    %dma_start3A_127 = tpu.memref_slice %arg11[%dma_start3A_125, %dma_start3A_126] : memref<10000x64xf32, #tpu.memory_space<vmem_shared>> -> memref<10000x64xf32, #tpu.memory_space<vmem_shared>>
    tpu.enqueue_indirect_dma source(%arg8 : memref<128x64xf32, #tpu.memory_space<vmem>>) target(%dma_start3A_127 : memref<10000x64xf32, #tpu.memory_space<vmem_shared>>) offsets(%dma_start3A_124 : memref<128xi32, #tpu.memory_space<vmem>>) semaphore(%arg15 : memref<!tpu.dma_semaphore, #tpu.memory_space<semaphore_mem>>) {add = true}
    %dma_wait3A_128 = arith.constant 4608 : i32
    %dma_wait3A_129 = tpu.memref_slice %arg7[%dma_wait3A_128] : memref<5008xi32, #tpu.memory_space<vmem>> -> memref<128xi32, #tpu.memory_space<vmem>>
    %dma_wait3A_130 = arith.constant 0 : i32
    %dma_wait3A_131 = arith.constant 0 : i32
    %dma_wait3A_132 = tpu.memref_slice %arg11[%dma_wait3A_130, %dma_wait3A_131] : memref<10000x64xf32, #tpu.memory_space<vmem_shared>> -> memref<10000x64xf32, #tpu.memory_space<vmem_shared>>
    tpu.wait_indirect_dma semaphore(%arg15 : memref<!tpu.dma_semaphore, #tpu.memory_space<semaphore_mem>>) src(%arg8 : memref<128x64xf32, #tpu.memory_space<vmem>>) dst(%dma_wait3A_132 : memref<10000x64xf32, #tpu.memory_space<vmem_shared>>)
    %dma_wait3A_133 = arith.constant 4736 : i32
    %dma_wait3A_134 = tpu.memref_slice %arg6[%dma_wait3A_133] : memref<5008xi32, #tpu.memory_space<vmem>> -> memref<128xi32, #tpu.memory_space<vmem>>
    %dma_wait3A_135 = arith.constant 0 : i32
    %dma_wait3A_136 = arith.constant 0 : i32
    %dma_wait3A_137 = tpu.memref_slice %arg2[%dma_wait3A_135, %dma_wait3A_136] : memref<10000x64xf32, #tpu.memory_space<hbm>> -> memref<10000x64xf32, #tpu.memory_space<hbm>>
    tpu.wait_indirect_dma semaphore(%arg13 : memref<!tpu.dma_semaphore, #tpu.memory_space<semaphore_mem>>) src(%dma_wait3A_137 : memref<10000x64xf32, #tpu.memory_space<hbm>>) dst(%arg9 : memref<128x64xf32, #tpu.memory_space<vmem>>)
    %dma_start3A_138 = arith.constant 4736 : i32
    %dma_start3A_139 = tpu.memref_slice %arg7[%dma_start3A_138] : memref<5008xi32, #tpu.memory_space<vmem>> -> memref<128xi32, #tpu.memory_space<vmem>>
    %dma_start3A_140 = arith.constant 0 : i32
    %dma_start3A_141 = arith.constant 0 : i32
    %dma_start3A_142 = tpu.memref_slice %arg11[%dma_start3A_140, %dma_start3A_141] : memref<10000x64xf32, #tpu.memory_space<vmem_shared>> -> memref<10000x64xf32, #tpu.memory_space<vmem_shared>>
    tpu.enqueue_indirect_dma source(%arg9 : memref<128x64xf32, #tpu.memory_space<vmem>>) target(%dma_start3A_142 : memref<10000x64xf32, #tpu.memory_space<vmem_shared>>) offsets(%dma_start3A_139 : memref<128xi32, #tpu.memory_space<vmem>>) semaphore(%arg16 : memref<!tpu.dma_semaphore, #tpu.memory_space<semaphore_mem>>) {add = true}
    %dma_wait3A_143 = arith.constant 4736 : i32
    %dma_wait3A_144 = tpu.memref_slice %arg7[%dma_wait3A_143] : memref<5008xi32, #tpu.memory_space<vmem>> -> memref<128xi32, #tpu.memory_space<vmem>>
    %dma_wait3A_145 = arith.constant 0 : i32
    %dma_wait3A_146 = arith.constant 0 : i32
    %dma_wait3A_147 = tpu.memref_slice %arg11[%dma_wait3A_145, %dma_wait3A_146] : memref<10000x64xf32, #tpu.memory_space<vmem_shared>> -> memref<10000x64xf32, #tpu.memory_space<vmem_shared>>
    tpu.wait_indirect_dma semaphore(%arg16 : memref<!tpu.dma_semaphore, #tpu.memory_space<semaphore_mem>>) src(%arg9 : memref<128x64xf32, #tpu.memory_space<vmem>>) dst(%dma_wait3A_147 : memref<10000x64xf32, #tpu.memory_space<vmem_shared>>)
    %dma_wait3A_148 = arith.constant 4864 : i32
    %dma_wait3A_149 = tpu.memref_slice %arg6[%dma_wait3A_148] : memref<5008xi32, #tpu.memory_space<vmem>> -> memref<128xi32, #tpu.memory_space<vmem>>
    %dma_wait3A_150 = arith.constant 0 : i32
    %dma_wait3A_151 = arith.constant 0 : i32
    %dma_wait3A_152 = tpu.memref_slice %arg2[%dma_wait3A_150, %dma_wait3A_151] : memref<10000x64xf32, #tpu.memory_space<hbm>> -> memref<10000x64xf32, #tpu.memory_space<hbm>>
    tpu.wait_indirect_dma semaphore(%arg14 : memref<!tpu.dma_semaphore, #tpu.memory_space<semaphore_mem>>) src(%dma_wait3A_152 : memref<10000x64xf32, #tpu.memory_space<hbm>>) dst(%arg10 : memref<128x64xf32, #tpu.memory_space<vmem>>)
    %dma_start3A_153 = arith.constant 4864 : i32
    %dma_start3A_154 = tpu.memref_slice %arg7[%dma_start3A_153] : memref<5008xi32, #tpu.memory_space<vmem>> -> memref<128xi32, #tpu.memory_space<vmem>>
    %dma_start3A_155 = arith.constant 0 : i32
    %dma_start3A_156 = arith.constant 0 : i32
    %dma_start3A_157 = tpu.memref_slice %arg11[%dma_start3A_155, %dma_start3A_156] : memref<10000x64xf32, #tpu.memory_space<vmem_shared>> -> memref<10000x64xf32, #tpu.memory_space<vmem_shared>>
    tpu.enqueue_indirect_dma source(%arg10 : memref<128x64xf32, #tpu.memory_space<vmem>>) target(%dma_start3A_157 : memref<10000x64xf32, #tpu.memory_space<vmem_shared>>) offsets(%dma_start3A_154 : memref<128xi32, #tpu.memory_space<vmem>>) semaphore(%arg17 : memref<!tpu.dma_semaphore, #tpu.memory_space<semaphore_mem>>) {add = true}
    %dma_wait3A_158 = arith.constant 4864 : i32
    %dma_wait3A_159 = tpu.memref_slice %arg7[%dma_wait3A_158] : memref<5008xi32, #tpu.memory_space<vmem>> -> memref<128xi32, #tpu.memory_space<vmem>>
    %dma_wait3A_160 = arith.constant 0 : i32
    %dma_wait3A_161 = arith.constant 0 : i32
    %dma_wait3A_162 = tpu.memref_slice %arg11[%dma_wait3A_160, %dma_wait3A_161] : memref<10000x64xf32, #tpu.memory_space<vmem_shared>> -> memref<10000x64xf32, #tpu.memory_space<vmem_shared>>
    tpu.wait_indirect_dma semaphore(%arg17 : memref<!tpu.dma_semaphore, #tpu.memory_space<semaphore_mem>>) src(%arg10 : memref<128x64xf32, #tpu.memory_space<vmem>>) dst(%dma_wait3A_162 : memref<10000x64xf32, #tpu.memory_space<vmem_shared>>)
    %add3A_163 = arith.constant 4992 : i32
    %add3A_164 = arith.addi %mul3A_88, %add3A_163 : i32
    "tpu.region"() ({
      %run_scoped3A = tpu.sem_alloc : memref<!tpu.dma_semaphore, #tpu.memory_space<semaphore_mem>>
      %dma_start3A_278 = arith.constant 0 : i32
      %dma_start3A_279 = tpu.memref_slice %arg6[%dma_start3A_278] : memref<5008xi32, #tpu.memory_space<vmem>> -> memref<5008xi32, #tpu.memory_space<vmem>>
      %dma_start3A_280 = tpu.memref_slice %arg3[%add3A_164] : memref<320000xi32, #tpu.memory_space<hbm>> -> memref<5008xi32, #tpu.memory_space<hbm>>
      %dma_start3A_281 = arith.constant 0 : i32
      %dma_start3A_282 = tpu.memref_slice %arg6[%dma_start3A_281] : memref<5008xi32, #tpu.memory_space<vmem>> -> memref<5008xi32, #tpu.memory_space<vmem>>
      %dma_start3A_283 = tpu.memref_slice %arg3[%add3A_164] : memref<320000xi32, #tpu.memory_space<hbm>> -> memref<5008xi32, #tpu.memory_space<hbm>>
      tpu.enqueue_dma source(%dma_start3A_283 : memref<5008xi32, #tpu.memory_space<hbm>>) target(%dma_start3A_282 : memref<5008xi32, #tpu.memory_space<vmem>>) target_semaphore(%run_scoped3A : memref<!tpu.dma_semaphore, #tpu.memory_space<semaphore_mem>>)
      %dma_wait3A_284 = arith.constant 0 : i32
      %dma_wait3A_285 = tpu.memref_slice %arg6[%dma_wait3A_284] : memref<5008xi32, #tpu.memory_space<vmem>> -> memref<5008xi32, #tpu.memory_space<vmem>>
      %dma_wait3A_286 = tpu.memref_slice %arg3[%add3A_164] : memref<320000xi32, #tpu.memory_space<hbm>> -> memref<5008xi32, #tpu.memory_space<hbm>>
      %dma_wait3A_287 = arith.constant 0 : i32
      %dma_wait3A_288 = tpu.memref_slice %arg6[%dma_wait3A_287] : memref<5008xi32, #tpu.memory_space<vmem>> -> memref<5008xi32, #tpu.memory_space<vmem>>
      %dma_wait3A_289 = tpu.memref_slice %arg3[%add3A_164] : memref<320000xi32, #tpu.memory_space<hbm>> -> memref<5008xi32, #tpu.memory_space<hbm>>
      tpu.wait_dma2 semaphore(%run_scoped3A : memref<!tpu.dma_semaphore, #tpu.memory_space<semaphore_mem>>) src(%dma_wait3A_289 : memref<5008xi32, #tpu.memory_space<hbm>>) dst(%dma_wait3A_288 : memref<5008xi32, #tpu.memory_space<vmem>>)
      tpu.yield
    }) : () -> ()
    %add3A_165 = arith.constant 4992 : i32
    %add3A_166 = arith.addi %mul3A_88, %add3A_165 : i32
    "tpu.region"() ({
      %run_scoped3A = tpu.sem_alloc : memref<!tpu.dma_semaphore, #tpu.memory_space<semaphore_mem>>
      %dma_start3A_278 = arith.constant 0 : i32
      %dma_start3A_279 = tpu.memref_slice %arg7[%dma_start3A_278] : memref<5008xi32, #tpu.memory_space<vmem>> -> memref<5008xi32, #tpu.memory_space<vmem>>
      %dma_start3A_280 = tpu.memref_slice %arg4[%add3A_166] : memref<320000xi32, #tpu.memory_space<hbm>> -> memref<5008xi32, #tpu.memory_space<hbm>>
      %dma_start3A_281 = arith.constant 0 : i32
      %dma_start3A_282 = tpu.memref_slice %arg7[%dma_start3A_281] : memref<5008xi32, #tpu.memory_space<vmem>> -> memref<5008xi32, #tpu.memory_space<vmem>>
      %dma_start3A_283 = tpu.memref_slice %arg4[%add3A_166] : memref<320000xi32, #tpu.memory_space<hbm>> -> memref<5008xi32, #tpu.memory_space<hbm>>
      tpu.enqueue_dma source(%dma_start3A_283 : memref<5008xi32, #tpu.memory_space<hbm>>) target(%dma_start3A_282 : memref<5008xi32, #tpu.memory_space<vmem>>) target_semaphore(%run_scoped3A : memref<!tpu.dma_semaphore, #tpu.memory_space<semaphore_mem>>)
      %dma_wait3A_284 = arith.constant 0 : i32
      %dma_wait3A_285 = tpu.memref_slice %arg7[%dma_wait3A_284] : memref<5008xi32, #tpu.memory_space<vmem>> -> memref<5008xi32, #tpu.memory_space<vmem>>
      %dma_wait3A_286 = tpu.memref_slice %arg4[%add3A_166] : memref<320000xi32, #tpu.memory_space<hbm>> -> memref<5008xi32, #tpu.memory_space<hbm>>
      %dma_wait3A_287 = arith.constant 0 : i32
      %dma_wait3A_288 = tpu.memref_slice %arg7[%dma_wait3A_287] : memref<5008xi32, #tpu.memory_space<vmem>> -> memref<5008xi32, #tpu.memory_space<vmem>>
      %dma_wait3A_289 = tpu.memref_slice %arg4[%add3A_166] : memref<320000xi32, #tpu.memory_space<hbm>> -> memref<5008xi32, #tpu.memory_space<hbm>>
      tpu.wait_dma2 semaphore(%run_scoped3A : memref<!tpu.dma_semaphore, #tpu.memory_space<semaphore_mem>>) src(%dma_wait3A_289 : memref<5008xi32, #tpu.memory_space<hbm>>) dst(%dma_wait3A_288 : memref<5008xi32, #tpu.memory_space<vmem>>)
      tpu.yield
    }) : () -> ()
    %dma_start3A_167 = arith.constant 0 : i32
    %dma_start3A_168 = tpu.memref_slice %arg6[%dma_start3A_167] : memref<5008xi32, #tpu.memory_space<vmem>> -> memref<128xi32, #tpu.memory_space<vmem>>
    %dma_start3A_169 = arith.constant 0 : i32
    %dma_start3A_170 = arith.constant 0 : i32
    %dma_start3A_171 = tpu.memref_slice %arg2[%dma_start3A_169, %dma_start3A_170] : memref<10000x64xf32, #tpu.memory_space<hbm>> -> memref<10000x64xf32, #tpu.memory_space<hbm>>
    tpu.enqueue_indirect_dma source(%dma_start3A_171 : memref<10000x64xf32, #tpu.memory_space<hbm>>) target(%arg8 : memref<128x64xf32, #tpu.memory_space<vmem>>) offsets(%dma_start3A_168 : memref<128xi32, #tpu.memory_space<vmem>>) semaphore(%arg12 : memref<!tpu.dma_semaphore, #tpu.memory_space<semaphore_mem>>)
    %dma_start3A_172 = arith.constant 128 : i32
    %dma_start3A_173 = tpu.memref_slice %arg6[%dma_start3A_172] : memref<5008xi32, #tpu.memory_space<vmem>> -> memref<128xi32, #tpu.memory_space<vmem>>
    %dma_start3A_174 = arith.constant 0 : i32
    %dma_start3A_175 = arith.constant 0 : i32
    %dma_start3A_176 = tpu.memref_slice %arg2[%dma_start3A_174, %dma_start3A_175] : memref<10000x64xf32, #tpu.memory_space<hbm>> -> memref<10000x64xf32, #tpu.memory_space<hbm>>
    tpu.enqueue_indirect_dma source(%dma_start3A_176 : memref<10000x64xf32, #tpu.memory_space<hbm>>) target(%arg9 : memref<128x64xf32, #tpu.memory_space<vmem>>) offsets(%dma_start3A_173 : memref<128xi32, #tpu.memory_space<vmem>>) semaphore(%arg13 : memref<!tpu.dma_semaphore, #tpu.memory_space<semaphore_mem>>)
    %scan3A_177 = arith.constant 0 : i32
    %scan3A_178 = arith.constant 12 : i32
    %scan3A_179 = arith.addi %scan3A_177, %scan3A_178 : i32
    %scan3A_180 = arith.constant 1 : i32
    scf.for %scan3A_278 = %scan3A_177 to %scan3A_179 step %scan3A_180  : i32 {
      %mul3A_279 = arith.constant 3 : i32
      %mul3A_280 = arith.muli %mul3A_279, %scan3A_278 : i32
      %add3A_281 = arith.constant 0 : i32
      %add3A_282 = arith.addi %mul3A_280, %add3A_281 : i32
      %gt3A = arith.constant 0 : i32
      %gt3A_283 = arith.cmpi sgt, %scan3A_278, %gt3A : i32
      %convert_element_type3A_284 = arith.extui %gt3A_283 : i1 to i32
      %cond3A_285 = arith.constant 0 : i32
      %cond3A_286 = arith.cmpi ne, %convert_element_type3A_284, %cond3A_285 : i32
      scf.if %cond3A_286 {
        %sub3A_371 = arith.constant 1 : i32
        %sub3A_372 = arith.subi %add3A_282, %sub3A_371 : i32
        %mul3A_373 = arith.constant 128 : i32
        %mul3A_374 = arith.muli %sub3A_372, %mul3A_373 : i32
        %dma_wait3A_375 = tpu.memref_slice %arg7[%mul3A_374] : memref<5008xi32, #tpu.memory_space<vmem>> -> memref<128xi32, #tpu.memory_space<vmem>>
        %dma_wait3A_376 = arith.constant 0 : i32
        %dma_wait3A_377 = arith.constant 0 : i32
        %dma_wait3A_378 = tpu.memref_slice %arg11[%dma_wait3A_376, %dma_wait3A_377] : memref<10000x64xf32, #tpu.memory_space<vmem_shared>> -> memref<10000x64xf32, #tpu.memory_space<vmem_shared>>
        tpu.wait_indirect_dma semaphore(%arg17 : memref<!tpu.dma_semaphore, #tpu.memory_space<semaphore_mem>>) src(%arg10 : memref<128x64xf32, #tpu.memory_space<vmem>>) dst(%dma_wait3A_378 : memref<10000x64xf32, #tpu.memory_space<vmem_shared>>)
      } else {
      }
      %add3A_287 = arith.constant 2 : i32
      %add3A_288 = arith.addi %add3A_282, %add3A_287 : i32
      %mul3A_289 = arith.constant 128 : i32
      %mul3A_290 = arith.muli %add3A_288, %mul3A_289 : i32
      %dma_start3A_291 = tpu.memref_slice %arg6[%mul3A_290] : memref<5008xi32, #tpu.memory_space<vmem>> -> memref<128xi32, #tpu.memory_space<vmem>>
      %dma_start3A_292 = arith.constant 0 : i32
      %dma_start3A_293 = arith.constant 0 : i32
      %dma_start3A_294 = tpu.memref_slice %arg2[%dma_start3A_292, %dma_start3A_293] : memref<10000x64xf32, #tpu.memory_space<hbm>> -> memref<10000x64xf32, #tpu.memory_space<hbm>>
      tpu.enqueue_indirect_dma source(%dma_start3A_294 : memref<10000x64xf32, #tpu.memory_space<hbm>>) target(%arg10 : memref<128x64xf32, #tpu.memory_space<vmem>>) offsets(%dma_start3A_291 : memref<128xi32, #tpu.memory_space<vmem>>) semaphore(%arg14 : memref<!tpu.dma_semaphore, #tpu.memory_space<semaphore_mem>>)
      %mul3A_295 = arith.constant 128 : i32
      %mul3A_296 = arith.muli %add3A_282, %mul3A_295 : i32
      %dma_wait3A_297 = tpu.memref_slice %arg6[%mul3A_296] : memref<5008xi32, #tpu.memory_space<vmem>> -> memref<128xi32, #tpu.memory_space<vmem>>
      %dma_wait3A_298 = arith.constant 0 : i32
      %dma_wait3A_299 = arith.constant 0 : i32
      %dma_wait3A_300 = tpu.memref_slice %arg2[%dma_wait3A_298, %dma_wait3A_299] : memref<10000x64xf32, #tpu.memory_space<hbm>> -> memref<10000x64xf32, #tpu.memory_space<hbm>>
      tpu.wait_indirect_dma semaphore(%arg12 : memref<!tpu.dma_semaphore, #tpu.memory_space<semaphore_mem>>) src(%dma_wait3A_300 : memref<10000x64xf32, #tpu.memory_space<hbm>>) dst(%arg8 : memref<128x64xf32, #tpu.memory_space<vmem>>)
      %mul3A_301 = arith.constant 128 : i32
      %mul3A_302 = arith.muli %add3A_282, %mul3A_301 : i32
      %dma_start3A_303 = tpu.memref_slice %arg7[%mul3A_302] : memref<5008xi32, #tpu.memory_space<vmem>> -> memref<128xi32, #tpu.memory_space<vmem>>
      %dma_start3A_304 = arith.constant 0 : i32
      %dma_start3A_305 = arith.constant 0 : i32
      %dma_start3A_306 = tpu.memref_slice %arg11[%dma_start3A_304, %dma_start3A_305] : memref<10000x64xf32, #tpu.memory_space<vmem_shared>> -> memref<10000x64xf32, #tpu.memory_space<vmem_shared>>
      tpu.enqueue_indirect_dma source(%arg8 : memref<128x64xf32, #tpu.memory_space<vmem>>) target(%dma_start3A_306 : memref<10000x64xf32, #tpu.memory_space<vmem_shared>>) offsets(%dma_start3A_303 : memref<128xi32, #tpu.memory_space<vmem>>) semaphore(%arg15 : memref<!tpu.dma_semaphore, #tpu.memory_space<semaphore_mem>>) {add = true}
      %mul3A_307 = arith.constant 3 : i32
      %mul3A_308 = arith.muli %mul3A_307, %scan3A_278 : i32
      %add3A_309 = arith.constant 1 : i32
      %add3A_310 = arith.addi %mul3A_308, %add3A_309 : i32
      %sub3A_311 = arith.constant 1 : i32
      %sub3A_312 = arith.subi %add3A_310, %sub3A_311 : i32
      %mul3A_313 = arith.constant 128 : i32
      %mul3A_314 = arith.muli %sub3A_312, %mul3A_313 : i32
      %dma_wait3A_315 = tpu.memref_slice %arg7[%mul3A_314] : memref<5008xi32, #tpu.memory_space<vmem>> -> memref<128xi32, #tpu.memory_space<vmem>>
      %dma_wait3A_316 = arith.constant 0 : i32
      %dma_wait3A_317 = arith.constant 0 : i32
      %dma_wait3A_318 = tpu.memref_slice %arg11[%dma_wait3A_316, %dma_wait3A_317] : memref<10000x64xf32, #tpu.memory_space<vmem_shared>> -> memref<10000x64xf32, #tpu.memory_space<vmem_shared>>
      tpu.wait_indirect_dma semaphore(%arg15 : memref<!tpu.dma_semaphore, #tpu.memory_space<semaphore_mem>>) src(%arg8 : memref<128x64xf32, #tpu.memory_space<vmem>>) dst(%dma_wait3A_318 : memref<10000x64xf32, #tpu.memory_space<vmem_shared>>)
      %add3A_319 = arith.constant 2 : i32
      %add3A_320 = arith.addi %add3A_310, %add3A_319 : i32
      %mul3A_321 = arith.constant 128 : i32
      %mul3A_322 = arith.muli %add3A_320, %mul3A_321 : i32
      %dma_start3A_323 = tpu.memref_slice %arg6[%mul3A_322] : memref<5008xi32, #tpu.memory_space<vmem>> -> memref<128xi32, #tpu.memory_space<vmem>>
      %dma_start3A_324 = arith.constant 0 : i32
      %dma_start3A_325 = arith.constant 0 : i32
      %dma_start3A_326 = tpu.memref_slice %arg2[%dma_start3A_324, %dma_start3A_325] : memref<10000x64xf32, #tpu.memory_space<hbm>> -> memref<10000x64xf32, #tpu.memory_space<hbm>>
      tpu.enqueue_indirect_dma source(%dma_start3A_326 : memref<10000x64xf32, #tpu.memory_space<hbm>>) target(%arg8 : memref<128x64xf32, #tpu.memory_space<vmem>>) offsets(%dma_start3A_323 : memref<128xi32, #tpu.memory_space<vmem>>) semaphore(%arg12 : memref<!tpu.dma_semaphore, #tpu.memory_space<semaphore_mem>>)
      %mul3A_327 = arith.constant 128 : i32
      %mul3A_328 = arith.muli %add3A_310, %mul3A_327 : i32
      %dma_wait3A_329 = tpu.memref_slice %arg6[%mul3A_328] : memref<5008xi32, #tpu.memory_space<vmem>> -> memref<128xi32, #tpu.memory_space<vmem>>
      %dma_wait3A_330 = arith.constant 0 : i32
      %dma_wait3A_331 = arith.constant 0 : i32
      %dma_wait3A_332 = tpu.memref_slice %arg2[%dma_wait3A_330, %dma_wait3A_331] : memref<10000x64xf32, #tpu.memory_space<hbm>> -> memref<10000x64xf32, #tpu.memory_space<hbm>>
      tpu.wait_indirect_dma semaphore(%arg13 : memref<!tpu.dma_semaphore, #tpu.memory_space<semaphore_mem>>) src(%dma_wait3A_332 : memref<10000x64xf32, #tpu.memory_space<hbm>>) dst(%arg9 : memref<128x64xf32, #tpu.memory_space<vmem>>)
      %mul3A_333 = arith.constant 128 : i32
      %mul3A_334 = arith.muli %add3A_310, %mul3A_333 : i32
      %dma_start3A_335 = tpu.memref_slice %arg7[%mul3A_334] : memref<5008xi32, #tpu.memory_space<vmem>> -> memref<128xi32, #tpu.memory_space<vmem>>
      %dma_start3A_336 = arith.constant 0 : i32
      %dma_start3A_337 = arith.constant 0 : i32
      %dma_start3A_338 = tpu.memref_slice %arg11[%dma_start3A_336, %dma_start3A_337] : memref<10000x64xf32, #tpu.memory_space<vmem_shared>> -> memref<10000x64xf32, #tpu.memory_space<vmem_shared>>
      tpu.enqueue_indirect_dma source(%arg9 : memref<128x64xf32, #tpu.memory_space<vmem>>) target(%dma_start3A_338 : memref<10000x64xf32, #tpu.memory_space<vmem_shared>>) offsets(%dma_start3A_335 : memref<128xi32, #tpu.memory_space<vmem>>) semaphore(%arg16 : memref<!tpu.dma_semaphore, #tpu.memory_space<semaphore_mem>>) {add = true}
      %mul3A_339 = arith.constant 3 : i32
      %mul3A_340 = arith.muli %mul3A_339, %scan3A_278 : i32
      %add3A_341 = arith.constant 2 : i32
      %add3A_342 = arith.addi %mul3A_340, %add3A_341 : i32
      %sub3A_343 = arith.constant 1 : i32
      %sub3A_344 = arith.subi %add3A_342, %sub3A_343 : i32
      %mul3A_345 = arith.constant 128 : i32
      %mul3A_346 = arith.muli %sub3A_344, %mul3A_345 : i32
      %dma_wait3A_347 = tpu.memref_slice %arg7[%mul3A_346] : memref<5008xi32, #tpu.memory_space<vmem>> -> memref<128xi32, #tpu.memory_space<vmem>>
      %dma_wait3A_348 = arith.constant 0 : i32
      %dma_wait3A_349 = arith.constant 0 : i32
      %dma_wait3A_350 = tpu.memref_slice %arg11[%dma_wait3A_348, %dma_wait3A_349] : memref<10000x64xf32, #tpu.memory_space<vmem_shared>> -> memref<10000x64xf32, #tpu.memory_space<vmem_shared>>
      tpu.wait_indirect_dma semaphore(%arg16 : memref<!tpu.dma_semaphore, #tpu.memory_space<semaphore_mem>>) src(%arg9 : memref<128x64xf32, #tpu.memory_space<vmem>>) dst(%dma_wait3A_350 : memref<10000x64xf32, #tpu.memory_space<vmem_shared>>)
      %add3A_351 = arith.constant 2 : i32
      %add3A_352 = arith.addi %add3A_342, %add3A_351 : i32
      %mul3A_353 = arith.constant 128 : i32
      %mul3A_354 = arith.muli %add3A_352, %mul3A_353 : i32
      %dma_start3A_355 = tpu.memref_slice %arg6[%mul3A_354] : memref<5008xi32, #tpu.memory_space<vmem>> -> memref<128xi32, #tpu.memory_space<vmem>>
      %dma_start3A_356 = arith.constant 0 : i32
      %dma_start3A_357 = arith.constant 0 : i32
      %dma_start3A_358 = tpu.memref_slice %arg2[%dma_start3A_356, %dma_start3A_357] : memref<10000x64xf32, #tpu.memory_space<hbm>> -> memref<10000x64xf32, #tpu.memory_space<hbm>>
      tpu.enqueue_indirect_dma source(%dma_start3A_358 : memref<10000x64xf32, #tpu.memory_space<hbm>>) target(%arg9 : memref<128x64xf32, #tpu.memory_space<vmem>>) offsets(%dma_start3A_355 : memref<128xi32, #tpu.memory_space<vmem>>) semaphore(%arg13 : memref<!tpu.dma_semaphore, #tpu.memory_space<semaphore_mem>>)
      %mul3A_359 = arith.constant 128 : i32
      %mul3A_360 = arith.muli %add3A_342, %mul3A_359 : i32
      %dma_wait3A_361 = tpu.memref_slice %arg6[%mul3A_360] : memref<5008xi32, #tpu.memory_space<vmem>> -> memref<128xi32, #tpu.memory_space<vmem>>
      %dma_wait3A_362 = arith.constant 0 : i32
      %dma_wait3A_363 = arith.constant 0 : i32
      %dma_wait3A_364 = tpu.memref_slice %arg2[%dma_wait3A_362, %dma_wait3A_363] : memref<10000x64xf32, #tpu.memory_space<hbm>> -> memref<10000x64xf32, #tpu.memory_space<hbm>>
      tpu.wait_indirect_dma semaphore(%arg14 : memref<!tpu.dma_semaphore, #tpu.memory_space<semaphore_mem>>) src(%dma_wait3A_364 : memref<10000x64xf32, #tpu.memory_space<hbm>>) dst(%arg10 : memref<128x64xf32, #tpu.memory_space<vmem>>)
      %mul3A_365 = arith.constant 128 : i32
      %mul3A_366 = arith.muli %add3A_342, %mul3A_365 : i32
      %dma_start3A_367 = tpu.memref_slice %arg7[%mul3A_366] : memref<5008xi32, #tpu.memory_space<vmem>> -> memref<128xi32, #tpu.memory_space<vmem>>
      %dma_start3A_368 = arith.constant 0 : i32
      %dma_start3A_369 = arith.constant 0 : i32
      %dma_start3A_370 = tpu.memref_slice %arg11[%dma_start3A_368, %dma_start3A_369] : memref<10000x64xf32, #tpu.memory_space<vmem_shared>> -> memref<10000x64xf32, #tpu.memory_space<vmem_shared>>
      tpu.enqueue_indirect_dma source(%arg10 : memref<128x64xf32, #tpu.memory_space<vmem>>) target(%dma_start3A_370 : memref<10000x64xf32, #tpu.memory_space<vmem_shared>>) offsets(%dma_start3A_367 : memref<128xi32, #tpu.memory_space<vmem>>) semaphore(%arg17 : memref<!tpu.dma_semaphore, #tpu.memory_space<semaphore_mem>>) {add = true}
    }
    %scan3A_181 = arith.constant 12 : i32
    %dma_wait3A_182 = arith.constant 4480 : i32
    %dma_wait3A_183 = tpu.memref_slice %arg7[%dma_wait3A_182] : memref<5008xi32, #tpu.memory_space<vmem>> -> memref<128xi32, #tpu.memory_space<vmem>>
    %dma_wait3A_184 = arith.constant 0 : i32
    %dma_wait3A_185 = arith.constant 0 : i32
    %dma_wait3A_186 = tpu.memref_slice %arg11[%dma_wait3A_184, %dma_wait3A_185] : memref<10000x64xf32, #tpu.memory_space<vmem_shared>> -> memref<10000x64xf32, #tpu.memory_space<vmem_shared>>
    tpu.wait_indirect_dma semaphore(%arg17 : memref<!tpu.dma_semaphore, #tpu.memory_space<semaphore_mem>>) src(%arg10 : memref<128x64xf32, #tpu.memory_space<vmem>>) dst(%dma_wait3A_186 : memref<10000x64xf32, #tpu.memory_space<vmem_shared>>)
    %dma_start3A_187 = arith.constant 4864 : i32
    %dma_start3A_188 = tpu.memref_slice %arg6[%dma_start3A_187] : memref<5008xi32, #tpu.memory_space<vmem>> -> memref<128xi32, #tpu.memory_space<vmem>>
    %dma_start3A_189 = arith.constant 0 : i32
    %dma_start3A_190 = arith.constant 0 : i32
    %dma_start3A_191 = tpu.memref_slice %arg2[%dma_start3A_189, %dma_start3A_190] : memref<10000x64xf32, #tpu.memory_space<hbm>> -> memref<10000x64xf32, #tpu.memory_space<hbm>>
    tpu.enqueue_indirect_dma source(%dma_start3A_191 : memref<10000x64xf32, #tpu.memory_space<hbm>>) target(%arg10 : memref<128x64xf32, #tpu.memory_space<vmem>>) offsets(%dma_start3A_188 : memref<128xi32, #tpu.memory_space<vmem>>) semaphore(%arg14 : memref<!tpu.dma_semaphore, #tpu.memory_space<semaphore_mem>>)
    %dma_wait3A_192 = arith.constant 4608 : i32
    %dma_wait3A_193 = tpu.memref_slice %arg6[%dma_wait3A_192] : memref<5008xi32, #tpu.memory_space<vmem>> -> memref<128xi32, #tpu.memory_space<vmem>>
    %dma_wait3A_194 = arith.constant 0 : i32
    %dma_wait3A_195 = arith.constant 0 : i32
    %dma_wait3A_196 = tpu.memref_slice %arg2[%dma_wait3A_194, %dma_wait3A_195] : memref<10000x64xf32, #tpu.memory_space<hbm>> -> memref<10000x64xf32, #tpu.memory_space<hbm>>
    tpu.wait_indirect_dma semaphore(%arg12 : memref<!tpu.dma_semaphore, #tpu.memory_space<semaphore_mem>>) src(%dma_wait3A_196 : memref<10000x64xf32, #tpu.memory_space<hbm>>) dst(%arg8 : memref<128x64xf32, #tpu.memory_space<vmem>>)
    %dma_start3A_197 = arith.constant 4608 : i32
    %dma_start3A_198 = tpu.memref_slice %arg7[%dma_start3A_197] : memref<5008xi32, #tpu.memory_space<vmem>> -> memref<128xi32, #tpu.memory_space<vmem>>
    %dma_start3A_199 = arith.constant 0 : i32
    %dma_start3A_200 = arith.constant 0 : i32
    %dma_start3A_201 = tpu.memref_slice %arg11[%dma_start3A_199, %dma_start3A_200] : memref<10000x64xf32, #tpu.memory_space<vmem_shared>> -> memref<10000x64xf32, #tpu.memory_space<vmem_shared>>
    tpu.enqueue_indirect_dma source(%arg8 : memref<128x64xf32, #tpu.memory_space<vmem>>) target(%dma_start3A_201 : memref<10000x64xf32, #tpu.memory_space<vmem_shared>>) offsets(%dma_start3A_198 : memref<128xi32, #tpu.memory_space<vmem>>) semaphore(%arg15 : memref<!tpu.dma_semaphore, #tpu.memory_space<semaphore_mem>>) {add = true}
    %dma_wait3A_202 = arith.constant 4608 : i32
    %dma_wait3A_203 = tpu.memref_slice %arg7[%dma_wait3A_202] : memref<5008xi32, #tpu.memory_space<vmem>> -> memref<128xi32, #tpu.memory_space<vmem>>
    %dma_wait3A_204 = arith.constant 0 : i32
    %dma_wait3A_205 = arith.constant 0 : i32
    %dma_wait3A_206 = tpu.memref_slice %arg11[%dma_wait3A_204, %dma_wait3A_205] : memref<10000x64xf32, #tpu.memory_space<vmem_shared>> -> memref<10000x64xf32, #tpu.memory_space<vmem_shared>>
    tpu.wait_indirect_dma semaphore(%arg15 : memref<!tpu.dma_semaphore, #tpu.memory_space<semaphore_mem>>) src(%arg8 : memref<128x64xf32, #tpu.memory_space<vmem>>) dst(%dma_wait3A_206 : memref<10000x64xf32, #tpu.memory_space<vmem_shared>>)
    %dma_wait3A_207 = arith.constant 4736 : i32
    %dma_wait3A_208 = tpu.memref_slice %arg6[%dma_wait3A_207] : memref<5008xi32, #tpu.memory_space<vmem>> -> memref<128xi32, #tpu.memory_space<vmem>>
    %dma_wait3A_209 = arith.constant 0 : i32
    %dma_wait3A_210 = arith.constant 0 : i32
    %dma_wait3A_211 = tpu.memref_slice %arg2[%dma_wait3A_209, %dma_wait3A_210] : memref<10000x64xf32, #tpu.memory_space<hbm>> -> memref<10000x64xf32, #tpu.memory_space<hbm>>
    tpu.wait_indirect_dma semaphore(%arg13 : memref<!tpu.dma_semaphore, #tpu.memory_space<semaphore_mem>>) src(%dma_wait3A_211 : memref<10000x64xf32, #tpu.memory_space<hbm>>) dst(%arg9 : memref<128x64xf32, #tpu.memory_space<vmem>>)
    %dma_start3A_212 = arith.constant 4736 : i32
    %dma_start3A_213 = tpu.memref_slice %arg7[%dma_start3A_212] : memref<5008xi32, #tpu.memory_space<vmem>> -> memref<128xi32, #tpu.memory_space<vmem>>
    %dma_start3A_214 = arith.constant 0 : i32
    %dma_start3A_215 = arith.constant 0 : i32
    %dma_start3A_216 = tpu.memref_slice %arg11[%dma_start3A_214, %dma_start3A_215] : memref<10000x64xf32, #tpu.memory_space<vmem_shared>> -> memref<10000x64xf32, #tpu.memory_space<vmem_shared>>
    tpu.enqueue_indirect_dma source(%arg9 : memref<128x64xf32, #tpu.memory_space<vmem>>) target(%dma_start3A_216 : memref<10000x64xf32, #tpu.memory_space<vmem_shared>>) offsets(%dma_start3A_213 : memref<128xi32, #tpu.memory_space<vmem>>) semaphore(%arg16 : memref<!tpu.dma_semaphore, #tpu.memory_space<semaphore_mem>>) {add = true}
    %dma_wait3A_217 = arith.constant 4736 : i32
    %dma_wait3A_218 = tpu.memref_slice %arg7[%dma_wait3A_217] : memref<5008xi32, #tpu.memory_space<vmem>> -> memref<128xi32, #tpu.memory_space<vmem>>
    %dma_wait3A_219 = arith.constant 0 : i32
    %dma_wait3A_220 = arith.constant 0 : i32
    %dma_wait3A_221 = tpu.memref_slice %arg11[%dma_wait3A_219, %dma_wait3A_220] : memref<10000x64xf32, #tpu.memory_space<vmem_shared>> -> memref<10000x64xf32, #tpu.memory_space<vmem_shared>>
    tpu.wait_indirect_dma semaphore(%arg16 : memref<!tpu.dma_semaphore, #tpu.memory_space<semaphore_mem>>) src(%arg9 : memref<128x64xf32, #tpu.memory_space<vmem>>) dst(%dma_wait3A_221 : memref<10000x64xf32, #tpu.memory_space<vmem_shared>>)
    %dma_wait3A_222 = arith.constant 4864 : i32
    %dma_wait3A_223 = tpu.memref_slice %arg6[%dma_wait3A_222] : memref<5008xi32, #tpu.memory_space<vmem>> -> memref<128xi32, #tpu.memory_space<vmem>>
    %dma_wait3A_224 = arith.constant 0 : i32
    %dma_wait3A_225 = arith.constant 0 : i32
    %dma_wait3A_226 = tpu.memref_slice %arg2[%dma_wait3A_224, %dma_wait3A_225] : memref<10000x64xf32, #tpu.memory_space<hbm>> -> memref<10000x64xf32, #tpu.memory_space<hbm>>
    tpu.wait_indirect_dma semaphore(%arg14 : memref<!tpu.dma_semaphore, #tpu.memory_space<semaphore_mem>>) src(%dma_wait3A_226 : memref<10000x64xf32, #tpu.memory_space<hbm>>) dst(%arg10 : memref<128x64xf32, #tpu.memory_space<vmem>>)
    %dma_start3A_227 = arith.constant 4864 : i32
    %dma_start3A_228 = tpu.memref_slice %arg7[%dma_start3A_227] : memref<5008xi32, #tpu.memory_space<vmem>> -> memref<128xi32, #tpu.memory_space<vmem>>
    %dma_start3A_229 = arith.constant 0 : i32
    %dma_start3A_230 = arith.constant 0 : i32
    %dma_start3A_231 = tpu.memref_slice %arg11[%dma_start3A_229, %dma_start3A_230] : memref<10000x64xf32, #tpu.memory_space<vmem_shared>> -> memref<10000x64xf32, #tpu.memory_space<vmem_shared>>
    tpu.enqueue_indirect_dma source(%arg10 : memref<128x64xf32, #tpu.memory_space<vmem>>) target(%dma_start3A_231 : memref<10000x64xf32, #tpu.memory_space<vmem_shared>>) offsets(%dma_start3A_228 : memref<128xi32, #tpu.memory_space<vmem>>) semaphore(%arg17 : memref<!tpu.dma_semaphore, #tpu.memory_space<semaphore_mem>>) {add = true}
    %dma_wait3A_232 = arith.constant 4864 : i32
    %dma_wait3A_233 = tpu.memref_slice %arg7[%dma_wait3A_232] : memref<5008xi32, #tpu.memory_space<vmem>> -> memref<128xi32, #tpu.memory_space<vmem>>
    %dma_wait3A_234 = arith.constant 0 : i32
    %dma_wait3A_235 = arith.constant 0 : i32
    %dma_wait3A_236 = tpu.memref_slice %arg11[%dma_wait3A_234, %dma_wait3A_235] : memref<10000x64xf32, #tpu.memory_space<vmem_shared>> -> memref<10000x64xf32, #tpu.memory_space<vmem_shared>>
    tpu.wait_indirect_dma semaphore(%arg17 : memref<!tpu.dma_semaphore, #tpu.memory_space<semaphore_mem>>) src(%arg10 : memref<128x64xf32, #tpu.memory_space<vmem>>) dst(%dma_wait3A_236 : memref<10000x64xf32, #tpu.memory_space<vmem_shared>>)
    %dma_start3A_237 = arith.constant 0 : i32
    %dma_start3A_238 = arith.constant 0 : i32
    %dma_start3A_239 = tpu.memref_slice %arg10[%dma_start3A_237, %dma_start3A_238] : memref<128x64xf32, #tpu.memory_space<vmem>> -> memref<16x64xf32, #tpu.memory_space<vmem>>
    %dma_start3A_240 = arith.constant 4992 : i32
    %dma_start3A_241 = tpu.memref_slice %arg6[%dma_start3A_240] : memref<5008xi32, #tpu.memory_space<vmem>> -> memref<16xi32, #tpu.memory_space<vmem>>
    %dma_start3A_242 = arith.constant 0 : i32
    %dma_start3A_243 = arith.constant 0 : i32
    %dma_start3A_244 = tpu.memref_slice %arg2[%dma_start3A_242, %dma_start3A_243] : memref<10000x64xf32, #tpu.memory_space<hbm>> -> memref<10000x64xf32, #tpu.memory_space<hbm>>
    tpu.enqueue_indirect_dma source(%dma_start3A_244 : memref<10000x64xf32, #tpu.memory_space<hbm>>) target(%dma_start3A_239 : memref<16x64xf32, #tpu.memory_space<vmem>>) offsets(%dma_start3A_241 : memref<16xi32, #tpu.memory_space<vmem>>) semaphore(%arg14 : memref<!tpu.dma_semaphore, #tpu.memory_space<semaphore_mem>>)
    %dma_wait3A_245 = arith.constant 0 : i32
    %dma_wait3A_246 = arith.constant 0 : i32
    %dma_wait3A_247 = tpu.memref_slice %arg10[%dma_wait3A_245, %dma_wait3A_246] : memref<128x64xf32, #tpu.memory_space<vmem>> -> memref<16x64xf32, #tpu.memory_space<vmem>>
    %dma_wait3A_248 = arith.constant 4992 : i32
    %dma_wait3A_249 = tpu.memref_slice %arg6[%dma_wait3A_248] : memref<5008xi32, #tpu.memory_space<vmem>> -> memref<16xi32, #tpu.memory_space<vmem>>
    %dma_wait3A_250 = arith.constant 0 : i32
    %dma_wait3A_251 = arith.constant 0 : i32
    %dma_wait3A_252 = tpu.memref_slice %arg2[%dma_wait3A_250, %dma_wait3A_251] : memref<10000x64xf32, #tpu.memory_space<hbm>> -> memref<10000x64xf32, #tpu.memory_space<hbm>>
    tpu.wait_indirect_dma semaphore(%arg14 : memref<!tpu.dma_semaphore, #tpu.memory_space<semaphore_mem>>) src(%dma_wait3A_252 : memref<10000x64xf32, #tpu.memory_space<hbm>>) dst(%dma_wait3A_247 : memref<16x64xf32, #tpu.memory_space<vmem>>)
    %dma_start3A_253 = arith.constant 0 : i32
    %dma_start3A_254 = arith.constant 0 : i32
    %dma_start3A_255 = tpu.memref_slice %arg10[%dma_start3A_253, %dma_start3A_254] : memref<128x64xf32, #tpu.memory_space<vmem>> -> memref<16x64xf32, #tpu.memory_space<vmem>>
    %dma_start3A_256 = arith.constant 4992 : i32
    %dma_start3A_257 = tpu.memref_slice %arg7[%dma_start3A_256] : memref<5008xi32, #tpu.memory_space<vmem>> -> memref<16xi32, #tpu.memory_space<vmem>>
    %dma_start3A_258 = arith.constant 0 : i32
    %dma_start3A_259 = arith.constant 0 : i32
    %dma_start3A_260 = tpu.memref_slice %arg11[%dma_start3A_258, %dma_start3A_259] : memref<10000x64xf32, #tpu.memory_space<vmem_shared>> -> memref<10000x64xf32, #tpu.memory_space<vmem_shared>>
    tpu.enqueue_indirect_dma source(%dma_start3A_255 : memref<16x64xf32, #tpu.memory_space<vmem>>) target(%dma_start3A_260 : memref<10000x64xf32, #tpu.memory_space<vmem_shared>>) offsets(%dma_start3A_257 : memref<16xi32, #tpu.memory_space<vmem>>) semaphore(%arg17 : memref<!tpu.dma_semaphore, #tpu.memory_space<semaphore_mem>>) {add = true}
    %dma_wait3A_261 = arith.constant 0 : i32
    %dma_wait3A_262 = arith.constant 0 : i32
    %dma_wait3A_263 = tpu.memref_slice %arg10[%dma_wait3A_261, %dma_wait3A_262] : memref<128x64xf32, #tpu.memory_space<vmem>> -> memref<16x64xf32, #tpu.memory_space<vmem>>
    %dma_wait3A_264 = arith.constant 4992 : i32
    %dma_wait3A_265 = tpu.memref_slice %arg7[%dma_wait3A_264] : memref<5008xi32, #tpu.memory_space<vmem>> -> memref<16xi32, #tpu.memory_space<vmem>>
    %dma_wait3A_266 = arith.constant 0 : i32
    %dma_wait3A_267 = arith.constant 0 : i32
    %dma_wait3A_268 = tpu.memref_slice %arg11[%dma_wait3A_266, %dma_wait3A_267] : memref<10000x64xf32, #tpu.memory_space<vmem_shared>> -> memref<10000x64xf32, #tpu.memory_space<vmem_shared>>
    tpu.wait_indirect_dma semaphore(%arg17 : memref<!tpu.dma_semaphore, #tpu.memory_space<semaphore_mem>>) src(%dma_wait3A_263 : memref<16x64xf32, #tpu.memory_space<vmem>>) dst(%dma_wait3A_268 : memref<10000x64xf32, #tpu.memory_space<vmem_shared>>)
    %barrier3A_269 = arith.constant 0 : index
    tpu.barrier barrier_id(%barrier3A_269)
    %mul3A_270 = arith.constant 10000 : i32
    %mul3A_271 = arith.muli %arg0, %mul3A_270 : i32
    %add3A_272 = arith.addi %mul3A_271, %mul3A_2 : i32
    "tpu.region"() ({
      %run_scoped3A = tpu.sem_alloc : memref<!tpu.dma_semaphore, #tpu.memory_space<semaphore_mem>>
      %dma_start3A_278 = arith.constant 0 : i32
      %dma_start3A_279 = tpu.memref_slice %arg5[%add3A_272, %dma_start3A_278] : memref<20000x128xf32, #tpu.memory_space<hbm>> -> memref<624x64xf32, #tpu.memory_space<hbm>>
      %dma_start3A_280 = arith.constant 0 : i32
      %dma_start3A_281 = tpu.memref_slice %arg11[%mul3A_2, %dma_start3A_280] : memref<10000x64xf32, #tpu.memory_space<vmem_shared>> -> memref<624x64xf32, #tpu.memory_space<vmem_shared>>
      tpu.enqueue_dma source(%dma_start3A_281 : memref<624x64xf32, #tpu.memory_space<vmem_shared>>) target(%dma_start3A_279 : memref<624x64xf32, #tpu.memory_space<hbm>>) target_semaphore(%run_scoped3A : memref<!tpu.dma_semaphore, #tpu.memory_space<semaphore_mem>>)
      %dma_wait3A_282 = arith.constant 0 : i32
      %dma_wait3A_283 = tpu.memref_slice %arg5[%add3A_272, %dma_wait3A_282] : memref<20000x128xf32, #tpu.memory_space<hbm>> -> memref<624x64xf32, #tpu.memory_space<hbm>>
      %dma_wait3A_284 = arith.constant 0 : i32
      %dma_wait3A_285 = tpu.memref_slice %arg11[%mul3A_2, %dma_wait3A_284] : memref<10000x64xf32, #tpu.memory_space<vmem_shared>> -> memref<624x64xf32, #tpu.memory_space<vmem_shared>>
      tpu.wait_dma2 semaphore(%run_scoped3A : memref<!tpu.dma_semaphore, #tpu.memory_space<semaphore_mem>>) src(%dma_wait3A_285 : memref<624x64xf32, #tpu.memory_space<vmem_shared>>) dst(%dma_wait3A_283 : memref<624x64xf32, #tpu.memory_space<hbm>>)
      tpu.yield
    }) : () -> ()
    %eq3A_273 = arith.constant 0 : i32
    %eq3A_274 = arith.cmpi eq, %arg1, %eq3A_273 : i32
    %convert_element_type3A_275 = arith.extui %eq3A_274 : i1 to i32
    %cond3A_276 = arith.constant 0 : i32
    %cond3A_277 = arith.cmpi ne, %convert_element_type3A_275, %cond3A_276 : i32
    scf.if %cond3A_277 {
      %mul3A_278 = arith.constant 10000 : i32
      %mul3A_279 = arith.muli %arg0, %mul3A_278 : i32
      %add3A_280 = arith.constant 9984 : i32
      %add3A_281 = arith.addi %mul3A_279, %add3A_280 : i32
      "tpu.region"() ({
        %run_scoped3A = tpu.sem_alloc : memref<!tpu.dma_semaphore, #tpu.memory_space<semaphore_mem>>
        %dma_start3A_282 = arith.constant 0 : i32
        %dma_start3A_283 = tpu.memref_slice %arg5[%add3A_281, %dma_start3A_282] : memref<20000x128xf32, #tpu.memory_space<hbm>> -> memref<16x64xf32, #tpu.memory_space<hbm>>
        %dma_start3A_284 = arith.constant 9984 : i32
        %dma_start3A_285 = arith.constant 0 : i32
        %dma_start3A_286 = tpu.memref_slice %arg11[%dma_start3A_284, %dma_start3A_285] : memref<10000x64xf32, #tpu.memory_space<vmem_shared>> -> memref<16x64xf32, #tpu.memory_space<vmem_shared>>
        tpu.enqueue_dma source(%dma_start3A_286 : memref<16x64xf32, #tpu.memory_space<vmem_shared>>) target(%dma_start3A_283 : memref<16x64xf32, #tpu.memory_space<hbm>>) target_semaphore(%run_scoped3A : memref<!tpu.dma_semaphore, #tpu.memory_space<semaphore_mem>>)
        %dma_wait3A_287 = arith.constant 0 : i32
        %dma_wait3A_288 = tpu.memref_slice %arg5[%add3A_281, %dma_wait3A_287] : memref<20000x128xf32, #tpu.memory_space<hbm>> -> memref<16x64xf32, #tpu.memory_space<hbm>>
        %dma_wait3A_289 = arith.constant 9984 : i32
        %dma_wait3A_290 = arith.constant 0 : i32
        %dma_wait3A_291 = tpu.memref_slice %arg11[%dma_wait3A_289, %dma_wait3A_290] : memref<10000x64xf32, #tpu.memory_space<vmem_shared>> -> memref<16x64xf32, #tpu.memory_space<vmem_shared>>
        tpu.wait_dma2 semaphore(%run_scoped3A : memref<!tpu.dma_semaphore, #tpu.memory_space<semaphore_mem>>) src(%dma_wait3A_291 : memref<16x64xf32, #tpu.memory_space<vmem_shared>>) dst(%dma_wait3A_288 : memref<16x64xf32, #tpu.memory_space<hbm>>)
        tpu.yield
      }) : () -> ()
    } else {
    }
    return
  }
}

#map = affine_map<(d0, d1) -> (0, 0)>
#map1 = affine_map<(d0, d1) -> (0)>
module attributes {stable_mosaic.version = 14 : i64} {
  func.func @body_wrap(%arg0: i32, %arg1: i32, %arg2: memref<10000x128xf32, #tpu.memory_space<hbm>>, %arg3: memref<320000xi32, #tpu.memory_space<hbm>>, %arg4: memref<320000xi32, #tpu.memory_space<hbm>>, %arg5: memref<10000x8xf32, #tpu.memory_space<hbm>>, %arg6: memref<80x8xf32, #tpu.memory_space<hbm>>, %arg7: memref<20000x128xf32, #tpu.memory_space<hbm>>, %arg8: memref<20000x128xf32, #tpu.memory_space<hbm>>, %arg9: memref<5040xi32, #tpu.memory_space<vmem>>, %arg10: memref<5040xi32, #tpu.memory_space<vmem>>, %arg11: memref<80x128xf32, #tpu.memory_space<vmem>>, %arg12: memref<80x128xf32, #tpu.memory_space<vmem>>, %arg13: memref<80x128xf32, #tpu.memory_space<vmem>>, %arg14: memref<10000x128xf32, #tpu.memory_space<vmem_shared>>, %arg15: memref<!tpu.dma_semaphore, #tpu.memory_space<semaphore_mem>>, %arg16: memref<!tpu.dma_semaphore, #tpu.memory_space<semaphore_mem>>, %arg17: memref<!tpu.dma_semaphore, #tpu.memory_space<semaphore_mem>>, %arg18: memref<!tpu.dma_semaphore, #tpu.memory_space<semaphore_mem>>, %arg19: memref<!tpu.dma_semaphore, #tpu.memory_space<semaphore_mem>>, %arg20: memref<!tpu.dma_semaphore, #tpu.memory_space<semaphore_mem>>, %arg21: memref<80x8xf32, #tpu.memory_space<vmem>>, %arg22: memref<10000x8xf32, #tpu.memory_space<vmem_shared>>, %arg23: memref<!tpu.dma_semaphore, #tpu.memory_space<semaphore_mem>>, %arg24: memref<!tpu.dma_semaphore, #tpu.memory_space<semaphore_mem>>, %arg25: memref<!tpu.dma_semaphore, #tpu.memory_space<semaphore_mem>>) attributes {dimension_semantics = [#tpu.dimension_semantics<core_parallel>, #tpu.dimension_semantics<subcore_parallel>], iteration_bounds = array<i64: 2, 16>, scalar_prefetch = 0 : i64, scratch_operands = 17 : i64, tpu.core_type = #tpu.core_type<sc_vector_subcore>, window_params = [{transform_indices = #map}, {transform_indices = #map1}, {transform_indices = #map1}, {transform_indices = #map}, {transform_indices = #map}, {transform_indices = #map}, {transform_indices = #map}]} {
    %mul3A = arith.constant 16 : i32
    %mul3A_0 = arith.muli %arg0, %mul3A : i32
    %add3A = arith.addi %mul3A_0, %arg1 : i32
    %mul3A_1 = arith.constant 624 : i32
    %mul3A_2 = arith.muli %arg1, %mul3A_1 : i32
    %scan3A = arith.constant 0 : i32
    %scan3A_3 = arith.constant 80 : i32
    %scan3A_4 = arith.addi %scan3A, %scan3A_3 : i32
    %scan3A_5 = arith.constant 1 : i32
    scf.for %scan3A_332 = %scan3A to %scan3A_4 step %scan3A_5  : i32 {
      %broadcast_in_dim3A = arith.constant 0.000000e+00 : f32
      %broadcast_in_dim3A_333 = vector.broadcast %broadcast_in_dim3A : f32 to vector<16xf32>
      %swap3A = arith.index_cast %scan3A_332 : i32 to index
      %swap3A_334 = arith.constant 0 : index
      %swap3A_335 = tpu.vector_load %arg11[%swap3A, %swap3A_334] {strides = array<i32>} : memref<80x128xf32, #tpu.memory_space<vmem>>, vector<1x16xf32>,
      %swap3A_336 = vector.shape_cast %swap3A_335 : vector<1x16xf32> to vector<16xf32>
      %swap3A_337 = vector.shape_cast %broadcast_in_dim3A_333 : vector<16xf32> to vector<1x16xf32>
      tpu.vector_store %arg11[%swap3A, %swap3A_334], %swap3A_337 {strides = array<i32>} : memref<80x128xf32, #tpu.memory_space<vmem>>, vector<1x16xf32>,
      %broadcast_in_dim3A_338 = arith.constant 0.000000e+00 : f32
      %broadcast_in_dim3A_339 = vector.broadcast %broadcast_in_dim3A_338 : f32 to vector<16xf32>
      %swap3A_340 = arith.index_cast %scan3A_332 : i32 to index
      %swap3A_341 = arith.constant 16 : index
      %swap3A_342 = tpu.vector_load %arg11[%swap3A_340, %swap3A_341] {strides = array<i32>} : memref<80x128xf32, #tpu.memory_space<vmem>>, vector<1x16xf32>,
      %swap3A_343 = vector.shape_cast %swap3A_342 : vector<1x16xf32> to vector<16xf32>
      %swap3A_344 = vector.shape_cast %broadcast_in_dim3A_339 : vector<16xf32> to vector<1x16xf32>
      tpu.vector_store %arg11[%swap3A_340, %swap3A_341], %swap3A_344 {strides = array<i32>} : memref<80x128xf32, #tpu.memory_space<vmem>>, vector<1x16xf32>,
      %broadcast_in_dim3A_345 = arith.constant 0.000000e+00 : f32
      %broadcast_in_dim3A_346 = vector.broadcast %broadcast_in_dim3A_345 : f32 to vector<16xf32>
      %swap3A_347 = arith.index_cast %scan3A_332 : i32 to index
      %swap3A_348 = arith.constant 32 : index
      %swap3A_349 = tpu.vector_load %arg11[%swap3A_347, %swap3A_348] {strides = array<i32>} : memref<80x128xf32, #tpu.memory_space<vmem>>, vector<1x16xf32>,
      %swap3A_350 = vector.shape_cast %swap3A_349 : vector<1x16xf32> to vector<16xf32>
      %swap3A_351 = vector.shape_cast %broadcast_in_dim3A_346 : vector<16xf32> to vector<1x16xf32>
      tpu.vector_store %arg11[%swap3A_347, %swap3A_348], %swap3A_351 {strides = array<i32>} : memref<80x128xf32, #tpu.memory_space<vmem>>, vector<1x16xf32>,
      %broadcast_in_dim3A_352 = arith.constant 0.000000e+00 : f32
      %broadcast_in_dim3A_353 = vector.broadcast %broadcast_in_dim3A_352 : f32 to vector<16xf32>
      %swap3A_354 = arith.index_cast %scan3A_332 : i32 to index
      %swap3A_355 = arith.constant 48 : index
      %swap3A_356 = tpu.vector_load %arg11[%swap3A_354, %swap3A_355] {strides = array<i32>} : memref<80x128xf32, #tpu.memory_space<vmem>>, vector<1x16xf32>,
      %swap3A_357 = vector.shape_cast %swap3A_356 : vector<1x16xf32> to vector<16xf32>
      %swap3A_358 = vector.shape_cast %broadcast_in_dim3A_353 : vector<16xf32> to vector<1x16xf32>
      tpu.vector_store %arg11[%swap3A_354, %swap3A_355], %swap3A_358 {strides = array<i32>} : memref<80x128xf32, #tpu.memory_space<vmem>>, vector<1x16xf32>,
      %broadcast_in_dim3A_359 = arith.constant 0.000000e+00 : f32
      %broadcast_in_dim3A_360 = vector.broadcast %broadcast_in_dim3A_359 : f32 to vector<16xf32>
      %swap3A_361 = arith.index_cast %scan3A_332 : i32 to index
      %swap3A_362 = arith.constant 64 : index
      %swap3A_363 = tpu.vector_load %arg11[%swap3A_361, %swap3A_362] {strides = array<i32>} : memref<80x128xf32, #tpu.memory_space<vmem>>, vector<1x16xf32>,
      %swap3A_364 = vector.shape_cast %swap3A_363 : vector<1x16xf32> to vector<16xf32>
      %swap3A_365 = vector.shape_cast %broadcast_in_dim3A_360 : vector<16xf32> to vector<1x16xf32>
      tpu.vector_store %arg11[%swap3A_361, %swap3A_362], %swap3A_365 {strides = array<i32>} : memref<80x128xf32, #tpu.memory_space<vmem>>, vector<1x16xf32>,
      %broadcast_in_dim3A_366 = arith.constant 0.000000e+00 : f32
      %broadcast_in_dim3A_367 = vector.broadcast %broadcast_in_dim3A_366 : f32 to vector<16xf32>
      %swap3A_368 = arith.index_cast %scan3A_332 : i32 to index
      %swap3A_369 = arith.constant 80 : index
      %swap3A_370 = tpu.vector_load %arg11[%swap3A_368, %swap3A_369] {strides = array<i32>} : memref<80x128xf32, #tpu.memory_space<vmem>>, vector<1x16xf32>,
      %swap3A_371 = vector.shape_cast %swap3A_370 : vector<1x16xf32> to vector<16xf32>
      %swap3A_372 = vector.shape_cast %broadcast_in_dim3A_367 : vector<16xf32> to vector<1x16xf32>
      tpu.vector_store %arg11[%swap3A_368, %swap3A_369], %swap3A_372 {strides = array<i32>} : memref<80x128xf32, #tpu.memory_space<vmem>>, vector<1x16xf32>,
      %broadcast_in_dim3A_373 = arith.constant 0.000000e+00 : f32
      %broadcast_in_dim3A_374 = vector.broadcast %broadcast_in_dim3A_373 : f32 to vector<16xf32>
      %swap3A_375 = arith.index_cast %scan3A_332 : i32 to index
      %swap3A_376 = arith.constant 96 : index
      %swap3A_377 = tpu.vector_load %arg11[%swap3A_375, %swap3A_376] {strides = array<i32>} : memref<80x128xf32, #tpu.memory_space<vmem>>, vector<1x16xf32>,
      %swap3A_378 = vector.shape_cast %swap3A_377 : vector<1x16xf32> to vector<16xf32>
      %swap3A_379 = vector.shape_cast %broadcast_in_dim3A_374 : vector<16xf32> to vector<1x16xf32>
      tpu.vector_store %arg11[%swap3A_375, %swap3A_376], %swap3A_379 {strides = array<i32>} : memref<80x128xf32, #tpu.memory_space<vmem>>, vector<1x16xf32>,
      %broadcast_in_dim3A_380 = arith.constant 0.000000e+00 : f32
      %broadcast_in_dim3A_381 = vector.broadcast %broadcast_in_dim3A_380 : f32 to vector<16xf32>
      %swap3A_382 = arith.index_cast %scan3A_332 : i32 to index
      %swap3A_383 = arith.constant 112 : index
      %swap3A_384 = tpu.vector_load %arg11[%swap3A_382, %swap3A_383] {strides = array<i32>} : memref<80x128xf32, #tpu.memory_space<vmem>>, vector<1x16xf32>,
      %swap3A_385 = vector.shape_cast %swap3A_384 : vector<1x16xf32> to vector<16xf32>
      %swap3A_386 = vector.shape_cast %broadcast_in_dim3A_381 : vector<16xf32> to vector<1x16xf32>
      tpu.vector_store %arg11[%swap3A_382, %swap3A_383], %swap3A_386 {strides = array<i32>} : memref<80x128xf32, #tpu.memory_space<vmem>>, vector<1x16xf32>,
    }
    %scan3A_6 = arith.constant 80 : i32
    %add3A_7 = arith.constant 0 : i32
    %add3A_8 = arith.addi %mul3A_2, %add3A_7 : i32
    %dma_start3A = arith.constant 0 : i32
    %dma_start3A_9 = tpu.memref_slice %arg14[%add3A_8, %dma_start3A] : memref<10000x128xf32, #tpu.memory_space<vmem_shared>> -> memref<80x128xf32, #tpu.memory_space<vmem_shared>>
    %dma_start3A_10 = arith.constant 0 : i32
    %dma_start3A_11 = tpu.memref_slice %arg14[%add3A_8, %dma_start3A_10] : memref<10000x128xf32, #tpu.memory_space<vmem_shared>> -> memref<80x128xf32, #tpu.memory_space<vmem_shared>>
    tpu.enqueue_dma source(%arg11 : memref<80x128xf32, #tpu.memory_space<vmem>>) target(%dma_start3A_11 : memref<80x128xf32, #tpu.memory_space<vmem_shared>>) target_semaphore(%arg15 : memref<!tpu.dma_semaphore, #tpu.memory_space<semaphore_mem>>)
    %add3A_12 = arith.constant 80 : i32
    %add3A_13 = arith.addi %mul3A_2, %add3A_12 : i32
    %dma_start3A_14 = arith.constant 0 : i32
    %dma_start3A_15 = tpu.memref_slice %arg14[%add3A_13, %dma_start3A_14] : memref<10000x128xf32, #tpu.memory_space<vmem_shared>> -> memref<80x128xf32, #tpu.memory_space<vmem_shared>>
    %dma_start3A_16 = arith.constant 0 : i32
    %dma_start3A_17 = tpu.memref_slice %arg14[%add3A_13, %dma_start3A_16] : memref<10000x128xf32, #tpu.memory_space<vmem_shared>> -> memref<80x128xf32, #tpu.memory_space<vmem_shared>>
    tpu.enqueue_dma source(%arg11 : memref<80x128xf32, #tpu.memory_space<vmem>>) target(%dma_start3A_17 : memref<80x128xf32, #tpu.memory_space<vmem_shared>>) target_semaphore(%arg15 : memref<!tpu.dma_semaphore, #tpu.memory_space<semaphore_mem>>)
    %add3A_18 = arith.constant 160 : i32
    %add3A_19 = arith.addi %mul3A_2, %add3A_18 : i32
    %dma_start3A_20 = arith.constant 0 : i32
    %dma_start3A_21 = tpu.memref_slice %arg14[%add3A_19, %dma_start3A_20] : memref<10000x128xf32, #tpu.memory_space<vmem_shared>> -> memref<80x128xf32, #tpu.memory_space<vmem_shared>>
    %dma_start3A_22 = arith.constant 0 : i32
    %dma_start3A_23 = tpu.memref_slice %arg14[%add3A_19, %dma_start3A_22] : memref<10000x128xf32, #tpu.memory_space<vmem_shared>> -> memref<80x128xf32, #tpu.memory_space<vmem_shared>>
    tpu.enqueue_dma source(%arg11 : memref<80x128xf32, #tpu.memory_space<vmem>>) target(%dma_start3A_23 : memref<80x128xf32, #tpu.memory_space<vmem_shared>>) target_semaphore(%arg15 : memref<!tpu.dma_semaphore, #tpu.memory_space<semaphore_mem>>)
    %add3A_24 = arith.constant 240 : i32
    %add3A_25 = arith.addi %mul3A_2, %add3A_24 : i32
    %dma_start3A_26 = arith.constant 0 : i32
    %dma_start3A_27 = tpu.memref_slice %arg14[%add3A_25, %dma_start3A_26] : memref<10000x128xf32, #tpu.memory_space<vmem_shared>> -> memref<80x128xf32, #tpu.memory_space<vmem_shared>>
    %dma_start3A_28 = arith.constant 0 : i32
    %dma_start3A_29 = tpu.memref_slice %arg14[%add3A_25, %dma_start3A_28] : memref<10000x128xf32, #tpu.memory_space<vmem_shared>> -> memref<80x128xf32, #tpu.memory_space<vmem_shared>>
    tpu.enqueue_dma source(%arg11 : memref<80x128xf32, #tpu.memory_space<vmem>>) target(%dma_start3A_29 : memref<80x128xf32, #tpu.memory_space<vmem_shared>>) target_semaphore(%arg15 : memref<!tpu.dma_semaphore, #tpu.memory_space<semaphore_mem>>)
    %add3A_30 = arith.constant 320 : i32
    %add3A_31 = arith.addi %mul3A_2, %add3A_30 : i32
    %dma_start3A_32 = arith.constant 0 : i32
    %dma_start3A_33 = tpu.memref_slice %arg14[%add3A_31, %dma_start3A_32] : memref<10000x128xf32, #tpu.memory_space<vmem_shared>> -> memref<80x128xf32, #tpu.memory_space<vmem_shared>>
    %dma_start3A_34 = arith.constant 0 : i32
    %dma_start3A_35 = tpu.memref_slice %arg14[%add3A_31, %dma_start3A_34] : memref<10000x128xf32, #tpu.memory_space<vmem_shared>> -> memref<80x128xf32, #tpu.memory_space<vmem_shared>>
    tpu.enqueue_dma source(%arg11 : memref<80x128xf32, #tpu.memory_space<vmem>>) target(%dma_start3A_35 : memref<80x128xf32, #tpu.memory_space<vmem_shared>>) target_semaphore(%arg15 : memref<!tpu.dma_semaphore, #tpu.memory_space<semaphore_mem>>)
    %add3A_36 = arith.constant 400 : i32
    %add3A_37 = arith.addi %mul3A_2, %add3A_36 : i32
    %dma_start3A_38 = arith.constant 0 : i32
    %dma_start3A_39 = tpu.memref_slice %arg14[%add3A_37, %dma_start3A_38] : memref<10000x128xf32, #tpu.memory_space<vmem_shared>> -> memref<80x128xf32, #tpu.memory_space<vmem_shared>>
    %dma_start3A_40 = arith.constant 0 : i32
    %dma_start3A_41 = tpu.memref_slice %arg14[%add3A_37, %dma_start3A_40] : memref<10000x128xf32, #tpu.memory_space<vmem_shared>> -> memref<80x128xf32, #tpu.memory_space<vmem_shared>>
    tpu.enqueue_dma source(%arg11 : memref<80x128xf32, #tpu.memory_space<vmem>>) target(%dma_start3A_41 : memref<80x128xf32, #tpu.memory_space<vmem_shared>>) target_semaphore(%arg15 : memref<!tpu.dma_semaphore, #tpu.memory_space<semaphore_mem>>)
    %add3A_42 = arith.constant 480 : i32
    %add3A_43 = arith.addi %mul3A_2, %add3A_42 : i32
    %dma_start3A_44 = arith.constant 0 : i32
    %dma_start3A_45 = tpu.memref_slice %arg14[%add3A_43, %dma_start3A_44] : memref<10000x128xf32, #tpu.memory_space<vmem_shared>> -> memref<80x128xf32, #tpu.memory_space<vmem_shared>>
    %dma_start3A_46 = arith.constant 0 : i32
    %dma_start3A_47 = tpu.memref_slice %arg14[%add3A_43, %dma_start3A_46] : memref<10000x128xf32, #tpu.memory_space<vmem_shared>> -> memref<80x128xf32, #tpu.memory_space<vmem_shared>>
    tpu.enqueue_dma source(%arg11 : memref<80x128xf32, #tpu.memory_space<vmem>>) target(%dma_start3A_47 : memref<80x128xf32, #tpu.memory_space<vmem_shared>>) target_semaphore(%arg15 : memref<!tpu.dma_semaphore, #tpu.memory_space<semaphore_mem>>)
    %add3A_48 = arith.constant 624 : i32
    %add3A_49 = arith.addi %mul3A_2, %add3A_48 : i32
    %sub3A = arith.constant 64 : i32
    %sub3A_50 = arith.subi %add3A_49, %sub3A : i32
    %dma_start3A_51 = arith.constant 0 : i32
    %dma_start3A_52 = arith.constant 0 : i32
    %dma_start3A_53 = tpu.memref_slice %arg11[%dma_start3A_51, %dma_start3A_52] : memref<80x128xf32, #tpu.memory_space<vmem>> -> memref<64x128xf32, #tpu.memory_space<vmem>>
    %dma_start3A_54 = arith.constant 0 : i32
    %dma_start3A_55 = tpu.memref_slice %arg14[%sub3A_50, %dma_start3A_54] : memref<10000x128xf32, #tpu.memory_space<vmem_shared>> -> memref<64x128xf32, #tpu.memory_space<vmem_shared>>
    %dma_start3A_56 = arith.constant 0 : i32
    %dma_start3A_57 = tpu.memref_slice %arg14[%sub3A_50, %dma_start3A_56] : memref<10000x128xf32, #tpu.memory_space<vmem_shared>> -> memref<64x128xf32, #tpu.memory_space<vmem_shared>>
    %dma_start3A_58 = arith.constant 0 : i32
    %dma_start3A_59 = arith.constant 0 : i32
    %dma_start3A_60 = tpu.memref_slice %arg11[%dma_start3A_58, %dma_start3A_59] : memref<80x128xf32, #tpu.memory_space<vmem>> -> memref<64x128xf32, #tpu.memory_space<vmem>>
    tpu.enqueue_dma source(%dma_start3A_60 : memref<64x128xf32, #tpu.memory_space<vmem>>) target(%dma_start3A_57 : memref<64x128xf32, #tpu.memory_space<vmem_shared>>) target_semaphore(%arg15 : memref<!tpu.dma_semaphore, #tpu.memory_space<semaphore_mem>>)
    %eq3A = arith.constant 0 : i32
    %eq3A_61 = arith.cmpi eq, %arg1, %eq3A : i32
    %convert_element_type3A = arith.extui %eq3A_61 : i1 to i32
    %cond3A = arith.constant 0 : i32
    %cond3A_62 = arith.cmpi ne, %convert_element_type3A, %cond3A : i32
    scf.if %cond3A_62 {
      %dma_start3A_332 = arith.constant 0 : i32
      %dma_start3A_333 = arith.constant 0 : i32
      %dma_start3A_334 = tpu.memref_slice %arg11[%dma_start3A_332, %dma_start3A_333] : memref<80x128xf32, #tpu.memory_space<vmem>> -> memref<16x128xf32, #tpu.memory_space<vmem>>
      %dma_start3A_335 = arith.constant 9984 : i32
      %dma_start3A_336 = arith.constant 0 : i32
      %dma_start3A_337 = tpu.memref_slice %arg14[%dma_start3A_335, %dma_start3A_336] : memref<10000x128xf32, #tpu.memory_space<vmem_shared>> -> memref<16x128xf32, #tpu.memory_space<vmem_shared>>
      %dma_start3A_338 = arith.constant 9984 : i32
      %dma_start3A_339 = arith.constant 0 : i32
      %dma_start3A_340 = tpu.memref_slice %arg14[%dma_start3A_338, %dma_start3A_339] : memref<10000x128xf32, #tpu.memory_space<vmem_shared>> -> memref<16x128xf32, #tpu.memory_space<vmem_shared>>
      %dma_start3A_341 = arith.constant 0 : i32
      %dma_start3A_342 = arith.constant 0 : i32
      %dma_start3A_343 = tpu.memref_slice %arg11[%dma_start3A_341, %dma_start3A_342] : memref<80x128xf32, #tpu.memory_space<vmem>> -> memref<16x128xf32, #tpu.memory_space<vmem>>
      tpu.enqueue_dma source(%dma_start3A_343 : memref<16x128xf32, #tpu.memory_space<vmem>>) target(%dma_start3A_340 : memref<16x128xf32, #tpu.memory_space<vmem_shared>>) target_semaphore(%arg15 : memref<!tpu.dma_semaphore, #tpu.memory_space<semaphore_mem>>)
    } else {
    }
    %add3A_63 = arith.constant 0 : i32
    %add3A_64 = arith.addi %mul3A_2, %add3A_63 : i32
    %dma_wait3A = arith.constant 0 : i32
    %dma_wait3A_65 = tpu.memref_slice %arg14[%add3A_64, %dma_wait3A] : memref<10000x128xf32, #tpu.memory_space<vmem_shared>> -> memref<80x128xf32, #tpu.memory_space<vmem_shared>>
    %dma_wait3A_66 = arith.constant 0 : i32
    %dma_wait3A_67 = tpu.memref_slice %arg14[%add3A_64, %dma_wait3A_66] : memref<10000x128xf32, #tpu.memory_space<vmem_shared>> -> memref<80x128xf32, #tpu.memory_space<vmem_shared>>
    tpu.wait_dma2 semaphore(%arg15 : memref<!tpu.dma_semaphore, #tpu.memory_space<semaphore_mem>>) src(%arg11 : memref<80x128xf32, #tpu.memory_space<vmem>>) dst(%dma_wait3A_67 : memref<80x128xf32, #tpu.memory_space<vmem_shared>>)
    %add3A_68 = arith.constant 80 : i32
    %add3A_69 = arith.addi %mul3A_2, %add3A_68 : i32
    %dma_wait3A_70 = arith.constant 0 : i32
    %dma_wait3A_71 = tpu.memref_slice %arg14[%add3A_69, %dma_wait3A_70] : memref<10000x128xf32, #tpu.memory_space<vmem_shared>> -> memref<80x128xf32, #tpu.memory_space<vmem_shared>>
    %dma_wait3A_72 = arith.constant 0 : i32
    %dma_wait3A_73 = tpu.memref_slice %arg14[%add3A_69, %dma_wait3A_72] : memref<10000x128xf32, #tpu.memory_space<vmem_shared>> -> memref<80x128xf32, #tpu.memory_space<vmem_shared>>
    tpu.wait_dma2 semaphore(%arg15 : memref<!tpu.dma_semaphore, #tpu.memory_space<semaphore_mem>>) src(%arg11 : memref<80x128xf32, #tpu.memory_space<vmem>>) dst(%dma_wait3A_73 : memref<80x128xf32, #tpu.memory_space<vmem_shared>>)
    %add3A_74 = arith.constant 160 : i32
    %add3A_75 = arith.addi %mul3A_2, %add3A_74 : i32
    %dma_wait3A_76 = arith.constant 0 : i32
    %dma_wait3A_77 = tpu.memref_slice %arg14[%add3A_75, %dma_wait3A_76] : memref<10000x128xf32, #tpu.memory_space<vmem_shared>> -> memref<80x128xf32, #tpu.memory_space<vmem_shared>>
    %dma_wait3A_78 = arith.constant 0 : i32
    %dma_wait3A_79 = tpu.memref_slice %arg14[%add3A_75, %dma_wait3A_78] : memref<10000x128xf32, #tpu.memory_space<vmem_shared>> -> memref<80x128xf32, #tpu.memory_space<vmem_shared>>
    tpu.wait_dma2 semaphore(%arg15 : memref<!tpu.dma_semaphore, #tpu.memory_space<semaphore_mem>>) src(%arg11 : memref<80x128xf32, #tpu.memory_space<vmem>>) dst(%dma_wait3A_79 : memref<80x128xf32, #tpu.memory_space<vmem_shared>>)
    %add3A_80 = arith.constant 240 : i32
    %add3A_81 = arith.addi %mul3A_2, %add3A_80 : i32
    %dma_wait3A_82 = arith.constant 0 : i32
    %dma_wait3A_83 = tpu.memref_slice %arg14[%add3A_81, %dma_wait3A_82] : memref<10000x128xf32, #tpu.memory_space<vmem_shared>> -> memref<80x128xf32, #tpu.memory_space<vmem_shared>>
    %dma_wait3A_84 = arith.constant 0 : i32
    %dma_wait3A_85 = tpu.memref_slice %arg14[%add3A_81, %dma_wait3A_84] : memref<10000x128xf32, #tpu.memory_space<vmem_shared>> -> memref<80x128xf32, #tpu.memory_space<vmem_shared>>
    tpu.wait_dma2 semaphore(%arg15 : memref<!tpu.dma_semaphore, #tpu.memory_space<semaphore_mem>>) src(%arg11 : memref<80x128xf32, #tpu.memory_space<vmem>>) dst(%dma_wait3A_85 : memref<80x128xf32, #tpu.memory_space<vmem_shared>>)
    %add3A_86 = arith.constant 320 : i32
    %add3A_87 = arith.addi %mul3A_2, %add3A_86 : i32
    %dma_wait3A_88 = arith.constant 0 : i32
    %dma_wait3A_89 = tpu.memref_slice %arg14[%add3A_87, %dma_wait3A_88] : memref<10000x128xf32, #tpu.memory_space<vmem_shared>> -> memref<80x128xf32, #tpu.memory_space<vmem_shared>>
    %dma_wait3A_90 = arith.constant 0 : i32
    %dma_wait3A_91 = tpu.memref_slice %arg14[%add3A_87, %dma_wait3A_90] : memref<10000x128xf32, #tpu.memory_space<vmem_shared>> -> memref<80x128xf32, #tpu.memory_space<vmem_shared>>
    tpu.wait_dma2 semaphore(%arg15 : memref<!tpu.dma_semaphore, #tpu.memory_space<semaphore_mem>>) src(%arg11 : memref<80x128xf32, #tpu.memory_space<vmem>>) dst(%dma_wait3A_91 : memref<80x128xf32, #tpu.memory_space<vmem_shared>>)
    %add3A_92 = arith.constant 400 : i32
    %add3A_93 = arith.addi %mul3A_2, %add3A_92 : i32
    %dma_wait3A_94 = arith.constant 0 : i32
    %dma_wait3A_95 = tpu.memref_slice %arg14[%add3A_93, %dma_wait3A_94] : memref<10000x128xf32, #tpu.memory_space<vmem_shared>> -> memref<80x128xf32, #tpu.memory_space<vmem_shared>>
    %dma_wait3A_96 = arith.constant 0 : i32
    %dma_wait3A_97 = tpu.memref_slice %arg14[%add3A_93, %dma_wait3A_96] : memref<10000x128xf32, #tpu.memory_space<vmem_shared>> -> memref<80x128xf32, #tpu.memory_space<vmem_shared>>
    tpu.wait_dma2 semaphore(%arg15 : memref<!tpu.dma_semaphore, #tpu.memory_space<semaphore_mem>>) src(%arg11 : memref<80x128xf32, #tpu.memory_space<vmem>>) dst(%dma_wait3A_97 : memref<80x128xf32, #tpu.memory_space<vmem_shared>>)
    %add3A_98 = arith.constant 480 : i32
    %add3A_99 = arith.addi %mul3A_2, %add3A_98 : i32
    %dma_wait3A_100 = arith.constant 0 : i32
    %dma_wait3A_101 = tpu.memref_slice %arg14[%add3A_99, %dma_wait3A_100] : memref<10000x128xf32, #tpu.memory_space<vmem_shared>> -> memref<80x128xf32, #tpu.memory_space<vmem_shared>>
    %dma_wait3A_102 = arith.constant 0 : i32
    %dma_wait3A_103 = tpu.memref_slice %arg14[%add3A_99, %dma_wait3A_102] : memref<10000x128xf32, #tpu.memory_space<vmem_shared>> -> memref<80x128xf32, #tpu.memory_space<vmem_shared>>
    tpu.wait_dma2 semaphore(%arg15 : memref<!tpu.dma_semaphore, #tpu.memory_space<semaphore_mem>>) src(%arg11 : memref<80x128xf32, #tpu.memory_space<vmem>>) dst(%dma_wait3A_103 : memref<80x128xf32, #tpu.memory_space<vmem_shared>>)
    %add3A_104 = arith.constant 624 : i32
    %add3A_105 = arith.addi %mul3A_2, %add3A_104 : i32
    %sub3A_106 = arith.constant 64 : i32
    %sub3A_107 = arith.subi %add3A_105, %sub3A_106 : i32
    %dma_wait3A_108 = arith.constant 0 : i32
    %dma_wait3A_109 = arith.constant 0 : i32
    %dma_wait3A_110 = tpu.memref_slice %arg11[%dma_wait3A_108, %dma_wait3A_109] : memref<80x128xf32, #tpu.memory_space<vmem>> -> memref<64x128xf32, #tpu.memory_space<vmem>>
    %dma_wait3A_111 = arith.constant 0 : i32
    %dma_wait3A_112 = tpu.memref_slice %arg14[%sub3A_107, %dma_wait3A_111] : memref<10000x128xf32, #tpu.memory_space<vmem_shared>> -> memref<64x128xf32, #tpu.memory_space<vmem_shared>>
    %dma_wait3A_113 = arith.constant 0 : i32
    %dma_wait3A_114 = tpu.memref_slice %arg14[%sub3A_107, %dma_wait3A_113] : memref<10000x128xf32, #tpu.memory_space<vmem_shared>> -> memref<64x128xf32, #tpu.memory_space<vmem_shared>>
    %dma_wait3A_115 = arith.constant 0 : i32
    %dma_wait3A_116 = arith.constant 0 : i32
    %dma_wait3A_117 = tpu.memref_slice %arg11[%dma_wait3A_115, %dma_wait3A_116] : memref<80x128xf32, #tpu.memory_space<vmem>> -> memref<64x128xf32, #tpu.memory_space<vmem>>
    tpu.wait_dma2 semaphore(%arg15 : memref<!tpu.dma_semaphore, #tpu.memory_space<semaphore_mem>>) src(%dma_wait3A_117 : memref<64x128xf32, #tpu.memory_space<vmem>>) dst(%dma_wait3A_114 : memref<64x128xf32, #tpu.memory_space<vmem_shared>>)
    %eq3A_118 = arith.constant 0 : i32
    %eq3A_119 = arith.cmpi eq, %arg1, %eq3A_118 : i32
    %convert_element_type3A_120 = arith.extui %eq3A_119 : i1 to i32
    %cond3A_121 = arith.constant 0 : i32
    %cond3A_122 = arith.cmpi ne, %convert_element_type3A_120, %cond3A_121 : i32
    scf.if %cond3A_122 {
      %dma_wait3A_332 = arith.constant 0 : i32
      %dma_wait3A_333 = arith.constant 0 : i32
      %dma_wait3A_334 = tpu.memref_slice %arg11[%dma_wait3A_332, %dma_wait3A_333] : memref<80x128xf32, #tpu.memory_space<vmem>> -> memref<16x128xf32, #tpu.memory_space<vmem>>
      %dma_wait3A_335 = arith.constant 9984 : i32
      %dma_wait3A_336 = arith.constant 0 : i32
      %dma_wait3A_337 = tpu.memref_slice %arg14[%dma_wait3A_335, %dma_wait3A_336] : memref<10000x128xf32, #tpu.memory_space<vmem_shared>> -> memref<16x128xf32, #tpu.memory_space<vmem_shared>>
      %dma_wait3A_338 = arith.constant 9984 : i32
      %dma_wait3A_339 = arith.constant 0 : i32
      %dma_wait3A_340 = tpu.memref_slice %arg14[%dma_wait3A_338, %dma_wait3A_339] : memref<10000x128xf32, #tpu.memory_space<vmem_shared>> -> memref<16x128xf32, #tpu.memory_space<vmem_shared>>
      %dma_wait3A_341 = arith.constant 0 : i32
      %dma_wait3A_342 = arith.constant 0 : i32
      %dma_wait3A_343 = tpu.memref_slice %arg11[%dma_wait3A_341, %dma_wait3A_342] : memref<80x128xf32, #tpu.memory_space<vmem>> -> memref<16x128xf32, #tpu.memory_space<vmem>>
      tpu.wait_dma2 semaphore(%arg15 : memref<!tpu.dma_semaphore, #tpu.memory_space<semaphore_mem>>) src(%dma_wait3A_343 : memref<16x128xf32, #tpu.memory_space<vmem>>) dst(%dma_wait3A_340 : memref<16x128xf32, #tpu.memory_space<vmem_shared>>)
    } else {
    }
    "tpu.region"() ({
      %run_scoped3A = tpu.sem_alloc : memref<!tpu.dma_semaphore, #tpu.memory_space<semaphore_mem>>
      %dma_start3A_332 = arith.constant 0 : i32
      %dma_start3A_333 = tpu.memref_slice %arg22[%mul3A_2, %dma_start3A_332] : memref<10000x8xf32, #tpu.memory_space<vmem_shared>> -> memref<624x8xf32, #tpu.memory_space<vmem_shared>>
      %dma_start3A_334 = arith.constant 0 : i32
      %dma_start3A_335 = tpu.memref_slice %arg5[%mul3A_2, %dma_start3A_334] : memref<10000x8xf32, #tpu.memory_space<hbm>> -> memref<624x8xf32, #tpu.memory_space<hbm>>
      tpu.enqueue_dma source(%dma_start3A_335 : memref<624x8xf32, #tpu.memory_space<hbm>>) target(%dma_start3A_333 : memref<624x8xf32, #tpu.memory_space<vmem_shared>>) target_semaphore(%run_scoped3A : memref<!tpu.dma_semaphore, #tpu.memory_space<semaphore_mem>>)
      %dma_wait3A_336 = arith.constant 0 : i32
      %dma_wait3A_337 = tpu.memref_slice %arg22[%mul3A_2, %dma_wait3A_336] : memref<10000x8xf32, #tpu.memory_space<vmem_shared>> -> memref<624x8xf32, #tpu.memory_space<vmem_shared>>
      %dma_wait3A_338 = arith.constant 0 : i32
      %dma_wait3A_339 = tpu.memref_slice %arg5[%mul3A_2, %dma_wait3A_338] : memref<10000x8xf32, #tpu.memory_space<hbm>> -> memref<624x8xf32, #tpu.memory_space<hbm>>
      tpu.wait_dma2 semaphore(%run_scoped3A : memref<!tpu.dma_semaphore, #tpu.memory_space<semaphore_mem>>) src(%dma_wait3A_339 : memref<624x8xf32, #tpu.memory_space<hbm>>) dst(%dma_wait3A_337 : memref<624x8xf32, #tpu.memory_space<vmem_shared>>)
      tpu.yield
    }) : () -> ()
    %eq3A_123 = arith.constant 0 : i32
    %eq3A_124 = arith.cmpi eq, %arg1, %eq3A_123 : i32
    %convert_element_type3A_125 = arith.extui %eq3A_124 : i1 to i32
    %cond3A_126 = arith.constant 0 : i32
    %cond3A_127 = arith.cmpi ne, %convert_element_type3A_125, %cond3A_126 : i32
    scf.if %cond3A_127 {
      "tpu.region"() ({
        %run_scoped3A = tpu.sem_alloc : memref<!tpu.dma_semaphore, #tpu.memory_space<semaphore_mem>>
        %dma_start3A_332 = arith.constant 9984 : i32
        %dma_start3A_333 = arith.constant 0 : i32
        %dma_start3A_334 = tpu.memref_slice %arg22[%dma_start3A_332, %dma_start3A_333] : memref<10000x8xf32, #tpu.memory_space<vmem_shared>> -> memref<16x8xf32, #tpu.memory_space<vmem_shared>>
        %dma_start3A_335 = arith.constant 9984 : i32
        %dma_start3A_336 = arith.constant 0 : i32
        %dma_start3A_337 = tpu.memref_slice %arg5[%dma_start3A_335, %dma_start3A_336] : memref<10000x8xf32, #tpu.memory_space<hbm>> -> memref<16x8xf32, #tpu.memory_space<hbm>>
        tpu.enqueue_dma source(%dma_start3A_337 : memref<16x8xf32, #tpu.memory_space<hbm>>) target(%dma_start3A_334 : memref<16x8xf32, #tpu.memory_space<vmem_shared>>) target_semaphore(%run_scoped3A : memref<!tpu.dma_semaphore, #tpu.memory_space<semaphore_mem>>)
        %dma_wait3A_338 = arith.constant 9984 : i32
        %dma_wait3A_339 = arith.constant 0 : i32
        %dma_wait3A_340 = tpu.memref_slice %arg22[%dma_wait3A_338, %dma_wait3A_339] : memref<10000x8xf32, #tpu.memory_space<vmem_shared>> -> memref<16x8xf32, #tpu.memory_space<vmem_shared>>
        %dma_wait3A_341 = arith.constant 9984 : i32
        %dma_wait3A_342 = arith.constant 0 : i32
        %dma_wait3A_343 = tpu.memref_slice %arg5[%dma_wait3A_341, %dma_wait3A_342] : memref<10000x8xf32, #tpu.memory_space<hbm>> -> memref<16x8xf32, #tpu.memory_space<hbm>>
        tpu.wait_dma2 semaphore(%run_scoped3A : memref<!tpu.dma_semaphore, #tpu.memory_space<semaphore_mem>>) src(%dma_wait3A_343 : memref<16x8xf32, #tpu.memory_space<hbm>>) dst(%dma_wait3A_340 : memref<16x8xf32, #tpu.memory_space<vmem_shared>>)
        tpu.yield
      }) : () -> ()
    } else {
    }
    "tpu.region"() ({
      %run_scoped3A = tpu.sem_alloc : memref<!tpu.dma_semaphore, #tpu.memory_space<semaphore_mem>>
      tpu.enqueue_dma source(%arg6 : memref<80x8xf32, #tpu.memory_space<hbm>>) target(%arg21 : memref<80x8xf32, #tpu.memory_space<vmem>>) target_semaphore(%run_scoped3A : memref<!tpu.dma_semaphore, #tpu.memory_space<semaphore_mem>>)
      tpu.wait_dma2 semaphore(%run_scoped3A : memref<!tpu.dma_semaphore, #tpu.memory_space<semaphore_mem>>) src(%arg6 : memref<80x8xf32, #tpu.memory_space<hbm>>) dst(%arg21 : memref<80x8xf32, #tpu.memory_space<vmem>>)
      tpu.yield
    }) : () -> ()
    %barrier3A = arith.constant 0 : index
    tpu.barrier barrier_id(%barrier3A)
    %mul3A_128 = arith.constant 10000 : i32
    %mul3A_129 = arith.muli %add3A, %mul3A_128 : i32
    %add3A_130 = arith.constant 0 : i32
    %add3A_131 = arith.addi %mul3A_129, %add3A_130 : i32
    "tpu.region"() ({
      %run_scoped3A = tpu.sem_alloc : memref<!tpu.dma_semaphore, #tpu.memory_space<semaphore_mem>>
      %dma_start3A_332 = arith.constant 0 : i32
      %dma_start3A_333 = tpu.memref_slice %arg9[%dma_start3A_332] : memref<5040xi32, #tpu.memory_space<vmem>> -> memref<5040xi32, #tpu.memory_space<vmem>>
      %dma_start3A_334 = tpu.memref_slice %arg3[%add3A_131] : memref<320000xi32, #tpu.memory_space<hbm>> -> memref<5040xi32, #tpu.memory_space<hbm>>
      %dma_start3A_335 = arith.constant 0 : i32
      %dma_start3A_336 = tpu.memref_slice %arg9[%dma_start3A_335] : memref<5040xi32, #tpu.memory_space<vmem>> -> memref<5040xi32, #tpu.memory_space<vmem>>
      %dma_start3A_337 = tpu.memref_slice %arg3[%add3A_131] : memref<320000xi32, #tpu.memory_space<hbm>> -> memref<5040xi32, #tpu.memory_space<hbm>>
      tpu.enqueue_dma source(%dma_start3A_337 : memref<5040xi32, #tpu.memory_space<hbm>>) target(%dma_start3A_336 : memref<5040xi32, #tpu.memory_space<vmem>>) target_semaphore(%run_scoped3A : memref<!tpu.dma_semaphore, #tpu.memory_space<semaphore_mem>>)
      %dma_wait3A_338 = arith.constant 0 : i32
      %dma_wait3A_339 = tpu.memref_slice %arg9[%dma_wait3A_338] : memref<5040xi32, #tpu.memory_space<vmem>> -> memref<5040xi32, #tpu.memory_space<vmem>>
      %dma_wait3A_340 = tpu.memref_slice %arg3[%add3A_131] : memref<320000xi32, #tpu.memory_space<hbm>> -> memref<5040xi32, #tpu.memory_space<hbm>>
      %dma_wait3A_341 = arith.constant 0 : i32
      %dma_wait3A_342 = tpu.memref_slice %arg9[%dma_wait3A_341] : memref<5040xi32, #tpu.memory_space<vmem>> -> memref<5040xi32, #tpu.memory_space<vmem>>
      %dma_wait3A_343 = tpu.memref_slice %arg3[%add3A_131] : memref<320000xi32, #tpu.memory_space<hbm>> -> memref<5040xi32, #tpu.memory_space<hbm>>
      tpu.wait_dma2 semaphore(%run_scoped3A : memref<!tpu.dma_semaphore, #tpu.memory_space<semaphore_mem>>) src(%dma_wait3A_343 : memref<5040xi32, #tpu.memory_space<hbm>>) dst(%dma_wait3A_342 : memref<5040xi32, #tpu.memory_space<vmem>>)
      tpu.yield
    }) : () -> ()
    %add3A_132 = arith.constant 0 : i32
    %add3A_133 = arith.addi %mul3A_129, %add3A_132 : i32
    "tpu.region"() ({
      %run_scoped3A = tpu.sem_alloc : memref<!tpu.dma_semaphore, #tpu.memory_space<semaphore_mem>>
      %dma_start3A_332 = arith.constant 0 : i32
      %dma_start3A_333 = tpu.memref_slice %arg10[%dma_start3A_332] : memref<5040xi32, #tpu.memory_space<vmem>> -> memref<5040xi32, #tpu.memory_space<vmem>>
      %dma_start3A_334 = tpu.memref_slice %arg4[%add3A_133] : memref<320000xi32, #tpu.memory_space<hbm>> -> memref<5040xi32, #tpu.memory_space<hbm>>
      %dma_start3A_335 = arith.constant 0 : i32
      %dma_start3A_336 = tpu.memref_slice %arg10[%dma_start3A_335] : memref<5040xi32, #tpu.memory_space<vmem>> -> memref<5040xi32, #tpu.memory_space<vmem>>
      %dma_start3A_337 = tpu.memref_slice %arg4[%add3A_133] : memref<320000xi32, #tpu.memory_space<hbm>> -> memref<5040xi32, #tpu.memory_space<hbm>>
      tpu.enqueue_dma source(%dma_start3A_337 : memref<5040xi32, #tpu.memory_space<hbm>>) target(%dma_start3A_336 : memref<5040xi32, #tpu.memory_space<vmem>>) target_semaphore(%run_scoped3A : memref<!tpu.dma_semaphore, #tpu.memory_space<semaphore_mem>>)
      %dma_wait3A_338 = arith.constant 0 : i32
      %dma_wait3A_339 = tpu.memref_slice %arg10[%dma_wait3A_338] : memref<5040xi32, #tpu.memory_space<vmem>> -> memref<5040xi32, #tpu.memory_space<vmem>>
      %dma_wait3A_340 = tpu.memref_slice %arg4[%add3A_133] : memref<320000xi32, #tpu.memory_space<hbm>> -> memref<5040xi32, #tpu.memory_space<hbm>>
      %dma_wait3A_341 = arith.constant 0 : i32
      %dma_wait3A_342 = tpu.memref_slice %arg10[%dma_wait3A_341] : memref<5040xi32, #tpu.memory_space<vmem>> -> memref<5040xi32, #tpu.memory_space<vmem>>
      %dma_wait3A_343 = tpu.memref_slice %arg4[%add3A_133] : memref<320000xi32, #tpu.memory_space<hbm>> -> memref<5040xi32, #tpu.memory_space<hbm>>
      tpu.wait_dma2 semaphore(%run_scoped3A : memref<!tpu.dma_semaphore, #tpu.memory_space<semaphore_mem>>) src(%dma_wait3A_343 : memref<5040xi32, #tpu.memory_space<hbm>>) dst(%dma_wait3A_342 : memref<5040xi32, #tpu.memory_space<vmem>>)
      tpu.yield
    }) : () -> ()
    %dma_start3A_134 = arith.constant 0 : i32
    %dma_start3A_135 = tpu.memref_slice %arg9[%dma_start3A_134] : memref<5040xi32, #tpu.memory_space<vmem>> -> memref<80xi32, #tpu.memory_space<vmem>>
    %dma_start3A_136 = arith.constant 0 : i32
    %dma_start3A_137 = arith.constant 0 : i32
    %dma_start3A_138 = tpu.memref_slice %arg2[%dma_start3A_136, %dma_start3A_137] : memref<10000x128xf32, #tpu.memory_space<hbm>> -> memref<10000x128xf32, #tpu.memory_space<hbm>>
    tpu.enqueue_indirect_dma source(%dma_start3A_138 : memref<10000x128xf32, #tpu.memory_space<hbm>>) target(%arg11 : memref<80x128xf32, #tpu.memory_space<vmem>>) offsets(%dma_start3A_135 : memref<80xi32, #tpu.memory_space<vmem>>) semaphore(%arg15 : memref<!tpu.dma_semaphore, #tpu.memory_space<semaphore_mem>>)
    %dma_start3A_139 = arith.constant 80 : i32
    %dma_start3A_140 = tpu.memref_slice %arg9[%dma_start3A_139] : memref<5040xi32, #tpu.memory_space<vmem>> -> memref<80xi32, #tpu.memory_space<vmem>>
    %dma_start3A_141 = arith.constant 0 : i32
    %dma_start3A_142 = arith.constant 0 : i32
    %dma_start3A_143 = tpu.memref_slice %arg2[%dma_start3A_141, %dma_start3A_142] : memref<10000x128xf32, #tpu.memory_space<hbm>> -> memref<10000x128xf32, #tpu.memory_space<hbm>>
    tpu.enqueue_indirect_dma source(%dma_start3A_143 : memref<10000x128xf32, #tpu.memory_space<hbm>>) target(%arg12 : memref<80x128xf32, #tpu.memory_space<vmem>>) offsets(%dma_start3A_140 : memref<80xi32, #tpu.memory_space<vmem>>) semaphore(%arg16 : memref<!tpu.dma_semaphore, #tpu.memory_space<semaphore_mem>>)
    %scan3A_144 = arith.constant 0 : i32
    %scan3A_145 = arith.constant 20 : i32
    %scan3A_146 = arith.addi %scan3A_144, %scan3A_145 : i32
    %scan3A_147 = arith.constant 1 : i32
    scf.for %scan3A_332 = %scan3A_144 to %scan3A_146 step %scan3A_147  : i32 {
      %mul3A_333 = arith.constant 3 : i32
      %mul3A_334 = arith.muli %mul3A_333, %scan3A_332 : i32
      %add3A_335 = arith.constant 0 : i32
      %add3A_336 = arith.addi %mul3A_334, %add3A_335 : i32
      %gt3A = arith.constant 0 : i32
      %gt3A_337 = arith.cmpi sgt, %scan3A_332, %gt3A : i32
      %convert_element_type3A_338 = arith.extui %gt3A_337 : i1 to i32
      %cond3A_339 = arith.constant 0 : i32
      %cond3A_340 = arith.cmpi ne, %convert_element_type3A_338, %cond3A_339 : i32
      scf.if %cond3A_340 {
        %sub3A_455 = arith.constant 1 : i32
        %sub3A_456 = arith.subi %add3A_336, %sub3A_455 : i32
        %mul3A_457 = arith.constant 80 : i32
        %mul3A_458 = arith.muli %sub3A_456, %mul3A_457 : i32
        %dma_wait3A_459 = tpu.memref_slice %arg10[%mul3A_458] : memref<5040xi32, #tpu.memory_space<vmem>> -> memref<80xi32, #tpu.memory_space<vmem>>
        %dma_wait3A_460 = arith.constant 0 : i32
        %dma_wait3A_461 = arith.constant 0 : i32
        %dma_wait3A_462 = tpu.memref_slice %arg14[%dma_wait3A_460, %dma_wait3A_461] : memref<10000x128xf32, #tpu.memory_space<vmem_shared>> -> memref<10000x128xf32, #tpu.memory_space<vmem_shared>>
        tpu.wait_indirect_dma semaphore(%arg20 : memref<!tpu.dma_semaphore, #tpu.memory_space<semaphore_mem>>) src(%arg13 : memref<80x128xf32, #tpu.memory_space<vmem>>) dst(%dma_wait3A_462 : memref<10000x128xf32, #tpu.memory_space<vmem_shared>>)
        %mul3A_463 = arith.constant 80 : i32
        %mul3A_464 = arith.muli %sub3A_456, %mul3A_463 : i32
        %dma_wait3A_465 = tpu.memref_slice %arg10[%mul3A_464] : memref<5040xi32, #tpu.memory_space<vmem>> -> memref<80xi32, #tpu.memory_space<vmem>>
        %dma_wait3A_466 = arith.constant 0 : i32
        %dma_wait3A_467 = arith.constant 0 : i32
        %dma_wait3A_468 = tpu.memref_slice %arg22[%dma_wait3A_466, %dma_wait3A_467] : memref<10000x8xf32, #tpu.memory_space<vmem_shared>> -> memref<10000x8xf32, #tpu.memory_space<vmem_shared>>
        tpu.wait_indirect_dma semaphore(%arg25 : memref<!tpu.dma_semaphore, #tpu.memory_space<semaphore_mem>>) src(%arg21 : memref<80x8xf32, #tpu.memory_space<vmem>>) dst(%dma_wait3A_468 : memref<10000x8xf32, #tpu.memory_space<vmem_shared>>)
      } else {
      }
      %add3A_341 = arith.constant 2 : i32
      %add3A_342 = arith.addi %add3A_336, %add3A_341 : i32
      %mul3A_343 = arith.constant 80 : i32
      %mul3A_344 = arith.muli %add3A_342, %mul3A_343 : i32
      %dma_start3A_345 = tpu.memref_slice %arg9[%mul3A_344] : memref<5040xi32, #tpu.memory_space<vmem>> -> memref<80xi32, #tpu.memory_space<vmem>>
      %dma_start3A_346 = arith.constant 0 : i32
      %dma_start3A_347 = arith.constant 0 : i32
      %dma_start3A_348 = tpu.memref_slice %arg2[%dma_start3A_346, %dma_start3A_347] : memref<10000x128xf32, #tpu.memory_space<hbm>> -> memref<10000x128xf32, #tpu.memory_space<hbm>>
      tpu.enqueue_indirect_dma source(%dma_start3A_348 : memref<10000x128xf32, #tpu.memory_space<hbm>>) target(%arg13 : memref<80x128xf32, #tpu.memory_space<vmem>>) offsets(%dma_start3A_345 : memref<80xi32, #tpu.memory_space<vmem>>) semaphore(%arg17 : memref<!tpu.dma_semaphore, #tpu.memory_space<semaphore_mem>>)
      %mul3A_349 = arith.constant 80 : i32
      %mul3A_350 = arith.muli %add3A_336, %mul3A_349 : i32
      %dma_wait3A_351 = tpu.memref_slice %arg9[%mul3A_350] : memref<5040xi32, #tpu.memory_space<vmem>> -> memref<80xi32, #tpu.memory_space<vmem>>
      %dma_wait3A_352 = arith.constant 0 : i32
      %dma_wait3A_353 = arith.constant 0 : i32
      %dma_wait3A_354 = tpu.memref_slice %arg2[%dma_wait3A_352, %dma_wait3A_353] : memref<10000x128xf32, #tpu.memory_space<hbm>> -> memref<10000x128xf32, #tpu.memory_space<hbm>>
      tpu.wait_indirect_dma semaphore(%arg15 : memref<!tpu.dma_semaphore, #tpu.memory_space<semaphore_mem>>) src(%dma_wait3A_354 : memref<10000x128xf32, #tpu.memory_space<hbm>>) dst(%arg11 : memref<80x128xf32, #tpu.memory_space<vmem>>)
      %mul3A_355 = arith.constant 80 : i32
      %mul3A_356 = arith.muli %add3A_336, %mul3A_355 : i32
      %dma_start3A_357 = tpu.memref_slice %arg10[%mul3A_356] : memref<5040xi32, #tpu.memory_space<vmem>> -> memref<80xi32, #tpu.memory_space<vmem>>
      %dma_start3A_358 = arith.constant 0 : i32
      %dma_start3A_359 = arith.constant 0 : i32
      %dma_start3A_360 = tpu.memref_slice %arg14[%dma_start3A_358, %dma_start3A_359] : memref<10000x128xf32, #tpu.memory_space<vmem_shared>> -> memref<10000x128xf32, #tpu.memory_space<vmem_shared>>
      tpu.enqueue_indirect_dma source(%arg11 : memref<80x128xf32, #tpu.memory_space<vmem>>) target(%dma_start3A_360 : memref<10000x128xf32, #tpu.memory_space<vmem_shared>>) offsets(%dma_start3A_357 : memref<80xi32, #tpu.memory_space<vmem>>) semaphore(%arg18 : memref<!tpu.dma_semaphore, #tpu.memory_space<semaphore_mem>>) {add = true}
      %mul3A_361 = arith.constant 80 : i32
      %mul3A_362 = arith.muli %add3A_336, %mul3A_361 : i32
      %dma_start3A_363 = tpu.memref_slice %arg10[%mul3A_362] : memref<5040xi32, #tpu.memory_space<vmem>> -> memref<80xi32, #tpu.memory_space<vmem>>
      %dma_start3A_364 = arith.constant 0 : i32
      %dma_start3A_365 = arith.constant 0 : i32
      %dma_start3A_366 = tpu.memref_slice %arg22[%dma_start3A_364, %dma_start3A_365] : memref<10000x8xf32, #tpu.memory_space<vmem_shared>> -> memref<10000x8xf32, #tpu.memory_space<vmem_shared>>
      tpu.enqueue_indirect_dma source(%arg21 : memref<80x8xf32, #tpu.memory_space<vmem>>) target(%dma_start3A_366 : memref<10000x8xf32, #tpu.memory_space<vmem_shared>>) offsets(%dma_start3A_363 : memref<80xi32, #tpu.memory_space<vmem>>) semaphore(%arg23 : memref<!tpu.dma_semaphore, #tpu.memory_space<semaphore_mem>>) {add = true}
      %mul3A_367 = arith.constant 3 : i32
      %mul3A_368 = arith.muli %mul3A_367, %scan3A_332 : i32
      %add3A_369 = arith.constant 1 : i32
      %add3A_370 = arith.addi %mul3A_368, %add3A_369 : i32
      %sub3A_371 = arith.constant 1 : i32
      %sub3A_372 = arith.subi %add3A_370, %sub3A_371 : i32
      %mul3A_373 = arith.constant 80 : i32
      %mul3A_374 = arith.muli %sub3A_372, %mul3A_373 : i32
      %dma_wait3A_375 = tpu.memref_slice %arg10[%mul3A_374] : memref<5040xi32, #tpu.memory_space<vmem>> -> memref<80xi32, #tpu.memory_space<vmem>>
      %dma_wait3A_376 = arith.constant 0 : i32
      %dma_wait3A_377 = arith.constant 0 : i32
      %dma_wait3A_378 = tpu.memref_slice %arg14[%dma_wait3A_376, %dma_wait3A_377] : memref<10000x128xf32, #tpu.memory_space<vmem_shared>> -> memref<10000x128xf32, #tpu.memory_space<vmem_shared>>
      tpu.wait_indirect_dma semaphore(%arg18 : memref<!tpu.dma_semaphore, #tpu.memory_space<semaphore_mem>>) src(%arg11 : memref<80x128xf32, #tpu.memory_space<vmem>>) dst(%dma_wait3A_378 : memref<10000x128xf32, #tpu.memory_space<vmem_shared>>)
      %mul3A_379 = arith.constant 80 : i32
      %mul3A_380 = arith.muli %sub3A_372, %mul3A_379 : i32
      %dma_wait3A_381 = tpu.memref_slice %arg10[%mul3A_380] : memref<5040xi32, #tpu.memory_space<vmem>> -> memref<80xi32, #tpu.memory_space<vmem>>
      %dma_wait3A_382 = arith.constant 0 : i32
      %dma_wait3A_383 = arith.constant 0 : i32
      %dma_wait3A_384 = tpu.memref_slice %arg22[%dma_wait3A_382, %dma_wait3A_383] : memref<10000x8xf32, #tpu.memory_space<vmem_shared>> -> memref<10000x8xf32, #tpu.memory_space<vmem_shared>>
      tpu.wait_indirect_dma semaphore(%arg23 : memref<!tpu.dma_semaphore, #tpu.memory_space<semaphore_mem>>) src(%arg21 : memref<80x8xf32, #tpu.memory_space<vmem>>) dst(%dma_wait3A_384 : memref<10000x8xf32, #tpu.memory_space<vmem_shared>>)
      %add3A_385 = arith.constant 2 : i32
      %add3A_386 = arith.addi %add3A_370, %add3A_385 : i32
      %mul3A_387 = arith.constant 80 : i32
      %mul3A_388 = arith.muli %add3A_386, %mul3A_387 : i32
      %dma_start3A_389 = tpu.memref_slice %arg9[%mul3A_388] : memref<5040xi32, #tpu.memory_space<vmem>> -> memref<80xi32, #tpu.memory_space<vmem>>
      %dma_start3A_390 = arith.constant 0 : i32
      %dma_start3A_391 = arith.constant 0 : i32
      %dma_start3A_392 = tpu.memref_slice %arg2[%dma_start3A_390, %dma_start3A_391] : memref<10000x128xf32, #tpu.memory_space<hbm>> -> memref<10000x128xf32, #tpu.memory_space<hbm>>
      tpu.enqueue_indirect_dma source(%dma_start3A_392 : memref<10000x128xf32, #tpu.memory_space<hbm>>) target(%arg11 : memref<80x128xf32, #tpu.memory_space<vmem>>) offsets(%dma_start3A_389 : memref<80xi32, #tpu.memory_space<vmem>>) semaphore(%arg15 : memref<!tpu.dma_semaphore, #tpu.memory_space<semaphore_mem>>)
      %mul3A_393 = arith.constant 80 : i32
      %mul3A_394 = arith.muli %add3A_370, %mul3A_393 : i32
      %dma_wait3A_395 = tpu.memref_slice %arg9[%mul3A_394] : memref<5040xi32, #tpu.memory_space<vmem>> -> memref<80xi32, #tpu.memory_space<vmem>>
      %dma_wait3A_396 = arith.constant 0 : i32
      %dma_wait3A_397 = arith.constant 0 : i32
      %dma_wait3A_398 = tpu.memref_slice %arg2[%dma_wait3A_396, %dma_wait3A_397] : memref<10000x128xf32, #tpu.memory_space<hbm>> -> memref<10000x128xf32, #tpu.memory_space<hbm>>
      tpu.wait_indirect_dma semaphore(%arg16 : memref<!tpu.dma_semaphore, #tpu.memory_space<semaphore_mem>>) src(%dma_wait3A_398 : memref<10000x128xf32, #tpu.memory_space<hbm>>) dst(%arg12 : memref<80x128xf32, #tpu.memory_space<vmem>>)
      %mul3A_399 = arith.constant 80 : i32
      %mul3A_400 = arith.muli %add3A_370, %mul3A_399 : i32
      %dma_start3A_401 = tpu.memref_slice %arg10[%mul3A_400] : memref<5040xi32, #tpu.memory_space<vmem>> -> memref<80xi32, #tpu.memory_space<vmem>>
      %dma_start3A_402 = arith.constant 0 : i32
      %dma_start3A_403 = arith.constant 0 : i32
      %dma_start3A_404 = tpu.memref_slice %arg14[%dma_start3A_402, %dma_start3A_403] : memref<10000x128xf32, #tpu.memory_space<vmem_shared>> -> memref<10000x128xf32, #tpu.memory_space<vmem_shared>>
      tpu.enqueue_indirect_dma source(%arg12 : memref<80x128xf32, #tpu.memory_space<vmem>>) target(%dma_start3A_404 : memref<10000x128xf32, #tpu.memory_space<vmem_shared>>) offsets(%dma_start3A_401 : memref<80xi32, #tpu.memory_space<vmem>>) semaphore(%arg19 : memref<!tpu.dma_semaphore, #tpu.memory_space<semaphore_mem>>) {add = true}
      %mul3A_405 = arith.constant 80 : i32
      %mul3A_406 = arith.muli %add3A_370, %mul3A_405 : i32
      %dma_start3A_407 = tpu.memref_slice %arg10[%mul3A_406] : memref<5040xi32, #tpu.memory_space<vmem>> -> memref<80xi32, #tpu.memory_space<vmem>>
      %dma_start3A_408 = arith.constant 0 : i32
      %dma_start3A_409 = arith.constant 0 : i32
      %dma_start3A_410 = tpu.memref_slice %arg22[%dma_start3A_408, %dma_start3A_409] : memref<10000x8xf32, #tpu.memory_space<vmem_shared>> -> memref<10000x8xf32, #tpu.memory_space<vmem_shared>>
      tpu.enqueue_indirect_dma source(%arg21 : memref<80x8xf32, #tpu.memory_space<vmem>>) target(%dma_start3A_410 : memref<10000x8xf32, #tpu.memory_space<vmem_shared>>) offsets(%dma_start3A_407 : memref<80xi32, #tpu.memory_space<vmem>>) semaphore(%arg24 : memref<!tpu.dma_semaphore, #tpu.memory_space<semaphore_mem>>) {add = true}
      %mul3A_411 = arith.constant 3 : i32
      %mul3A_412 = arith.muli %mul3A_411, %scan3A_332 : i32
      %add3A_413 = arith.constant 2 : i32
      %add3A_414 = arith.addi %mul3A_412, %add3A_413 : i32
      %sub3A_415 = arith.constant 1 : i32
      %sub3A_416 = arith.subi %add3A_414, %sub3A_415 : i32
      %mul3A_417 = arith.constant 80 : i32
      %mul3A_418 = arith.muli %sub3A_416, %mul3A_417 : i32
      %dma_wait3A_419 = tpu.memref_slice %arg10[%mul3A_418] : memref<5040xi32, #tpu.memory_space<vmem>> -> memref<80xi32, #tpu.memory_space<vmem>>
      %dma_wait3A_420 = arith.constant 0 : i32
      %dma_wait3A_421 = arith.constant 0 : i32
      %dma_wait3A_422 = tpu.memref_slice %arg14[%dma_wait3A_420, %dma_wait3A_421] : memref<10000x128xf32, #tpu.memory_space<vmem_shared>> -> memref<10000x128xf32, #tpu.memory_space<vmem_shared>>
      tpu.wait_indirect_dma semaphore(%arg19 : memref<!tpu.dma_semaphore, #tpu.memory_space<semaphore_mem>>) src(%arg12 : memref<80x128xf32, #tpu.memory_space<vmem>>) dst(%dma_wait3A_422 : memref<10000x128xf32, #tpu.memory_space<vmem_shared>>)
      %mul3A_423 = arith.constant 80 : i32
      %mul3A_424 = arith.muli %sub3A_416, %mul3A_423 : i32
      %dma_wait3A_425 = tpu.memref_slice %arg10[%mul3A_424] : memref<5040xi32, #tpu.memory_space<vmem>> -> memref<80xi32, #tpu.memory_space<vmem>>
      %dma_wait3A_426 = arith.constant 0 : i32
      %dma_wait3A_427 = arith.constant 0 : i32
      %dma_wait3A_428 = tpu.memref_slice %arg22[%dma_wait3A_426, %dma_wait3A_427] : memref<10000x8xf32, #tpu.memory_space<vmem_shared>> -> memref<10000x8xf32, #tpu.memory_space<vmem_shared>>
      tpu.wait_indirect_dma semaphore(%arg24 : memref<!tpu.dma_semaphore, #tpu.memory_space<semaphore_mem>>) src(%arg21 : memref<80x8xf32, #tpu.memory_space<vmem>>) dst(%dma_wait3A_428 : memref<10000x8xf32, #tpu.memory_space<vmem_shared>>)
      %add3A_429 = arith.constant 2 : i32
      %add3A_430 = arith.addi %add3A_414, %add3A_429 : i32
      %mul3A_431 = arith.constant 80 : i32
      %mul3A_432 = arith.muli %add3A_430, %mul3A_431 : i32
      %dma_start3A_433 = tpu.memref_slice %arg9[%mul3A_432] : memref<5040xi32, #tpu.memory_space<vmem>> -> memref<80xi32, #tpu.memory_space<vmem>>
      %dma_start3A_434 = arith.constant 0 : i32
      %dma_start3A_435 = arith.constant 0 : i32
      %dma_start3A_436 = tpu.memref_slice %arg2[%dma_start3A_434, %dma_start3A_435] : memref<10000x128xf32, #tpu.memory_space<hbm>> -> memref<10000x128xf32, #tpu.memory_space<hbm>>
      tpu.enqueue_indirect_dma source(%dma_start3A_436 : memref<10000x128xf32, #tpu.memory_space<hbm>>) target(%arg12 : memref<80x128xf32, #tpu.memory_space<vmem>>) offsets(%dma_start3A_433 : memref<80xi32, #tpu.memory_space<vmem>>) semaphore(%arg16 : memref<!tpu.dma_semaphore, #tpu.memory_space<semaphore_mem>>)
      %mul3A_437 = arith.constant 80 : i32
      %mul3A_438 = arith.muli %add3A_414, %mul3A_437 : i32
      %dma_wait3A_439 = tpu.memref_slice %arg9[%mul3A_438] : memref<5040xi32, #tpu.memory_space<vmem>> -> memref<80xi32, #tpu.memory_space<vmem>>
      %dma_wait3A_440 = arith.constant 0 : i32
      %dma_wait3A_441 = arith.constant 0 : i32
      %dma_wait3A_442 = tpu.memref_slice %arg2[%dma_wait3A_440, %dma_wait3A_441] : memref<10000x128xf32, #tpu.memory_space<hbm>> -> memref<10000x128xf32, #tpu.memory_space<hbm>>
      tpu.wait_indirect_dma semaphore(%arg17 : memref<!tpu.dma_semaphore, #tpu.memory_space<semaphore_mem>>) src(%dma_wait3A_442 : memref<10000x128xf32, #tpu.memory_space<hbm>>) dst(%arg13 : memref<80x128xf32, #tpu.memory_space<vmem>>)
      %mul3A_443 = arith.constant 80 : i32
      %mul3A_444 = arith.muli %add3A_414, %mul3A_443 : i32
      %dma_start3A_445 = tpu.memref_slice %arg10[%mul3A_444] : memref<5040xi32, #tpu.memory_space<vmem>> -> memref<80xi32, #tpu.memory_space<vmem>>
      %dma_start3A_446 = arith.constant 0 : i32
      %dma_start3A_447 = arith.constant 0 : i32
      %dma_start3A_448 = tpu.memref_slice %arg14[%dma_start3A_446, %dma_start3A_447] : memref<10000x128xf32, #tpu.memory_space<vmem_shared>> -> memref<10000x128xf32, #tpu.memory_space<vmem_shared>>
      tpu.enqueue_indirect_dma source(%arg13 : memref<80x128xf32, #tpu.memory_space<vmem>>) target(%dma_start3A_448 : memref<10000x128xf32, #tpu.memory_space<vmem_shared>>) offsets(%dma_start3A_445 : memref<80xi32, #tpu.memory_space<vmem>>) semaphore(%arg20 : memref<!tpu.dma_semaphore, #tpu.memory_space<semaphore_mem>>) {add = true}
      %mul3A_449 = arith.constant 80 : i32
      %mul3A_450 = arith.muli %add3A_414, %mul3A_449 : i32
      %dma_start3A_451 = tpu.memref_slice %arg10[%mul3A_450] : memref<5040xi32, #tpu.memory_space<vmem>> -> memref<80xi32, #tpu.memory_space<vmem>>
      %dma_start3A_452 = arith.constant 0 : i32
      %dma_start3A_453 = arith.constant 0 : i32
      %dma_start3A_454 = tpu.memref_slice %arg22[%dma_start3A_452, %dma_start3A_453] : memref<10000x8xf32, #tpu.memory_space<vmem_shared>> -> memref<10000x8xf32, #tpu.memory_space<vmem_shared>>
      tpu.enqueue_indirect_dma source(%arg21 : memref<80x8xf32, #tpu.memory_space<vmem>>) target(%dma_start3A_454 : memref<10000x8xf32, #tpu.memory_space<vmem_shared>>) offsets(%dma_start3A_451 : memref<80xi32, #tpu.memory_space<vmem>>) semaphore(%arg25 : memref<!tpu.dma_semaphore, #tpu.memory_space<semaphore_mem>>) {add = true}
    }
    %scan3A_148 = arith.constant 20 : i32
    %dma_wait3A_149 = arith.constant 4720 : i32
    %dma_wait3A_150 = tpu.memref_slice %arg10[%dma_wait3A_149] : memref<5040xi32, #tpu.memory_space<vmem>> -> memref<80xi32, #tpu.memory_space<vmem>>
    %dma_wait3A_151 = arith.constant 0 : i32
    %dma_wait3A_152 = arith.constant 0 : i32
    %dma_wait3A_153 = tpu.memref_slice %arg14[%dma_wait3A_151, %dma_wait3A_152] : memref<10000x128xf32, #tpu.memory_space<vmem_shared>> -> memref<10000x128xf32, #tpu.memory_space<vmem_shared>>
    tpu.wait_indirect_dma semaphore(%arg20 : memref<!tpu.dma_semaphore, #tpu.memory_space<semaphore_mem>>) src(%arg13 : memref<80x128xf32, #tpu.memory_space<vmem>>) dst(%dma_wait3A_153 : memref<10000x128xf32, #tpu.memory_space<vmem_shared>>)
    %dma_wait3A_154 = arith.constant 4720 : i32
    %dma_wait3A_155 = tpu.memref_slice %arg10[%dma_wait3A_154] : memref<5040xi32, #tpu.memory_space<vmem>> -> memref<80xi32, #tpu.memory_space<vmem>>
    %dma_wait3A_156 = arith.constant 0 : i32
    %dma_wait3A_157 = arith.constant 0 : i32
    %dma_wait3A_158 = tpu.memref_slice %arg22[%dma_wait3A_156, %dma_wait3A_157] : memref<10000x8xf32, #tpu.memory_space<vmem_shared>> -> memref<10000x8xf32, #tpu.memory_space<vmem_shared>>
    tpu.wait_indirect_dma semaphore(%arg25 : memref<!tpu.dma_semaphore, #tpu.memory_space<semaphore_mem>>) src(%arg21 : memref<80x8xf32, #tpu.memory_space<vmem>>) dst(%dma_wait3A_158 : memref<10000x8xf32, #tpu.memory_space<vmem_shared>>)
    %dma_start3A_159 = arith.constant 4960 : i32
    %dma_start3A_160 = tpu.memref_slice %arg9[%dma_start3A_159] : memref<5040xi32, #tpu.memory_space<vmem>> -> memref<80xi32, #tpu.memory_space<vmem>>
    %dma_start3A_161 = arith.constant 0 : i32
    %dma_start3A_162 = arith.constant 0 : i32
    %dma_start3A_163 = tpu.memref_slice %arg2[%dma_start3A_161, %dma_start3A_162] : memref<10000x128xf32, #tpu.memory_space<hbm>> -> memref<10000x128xf32, #tpu.memory_space<hbm>>
    tpu.enqueue_indirect_dma source(%dma_start3A_163 : memref<10000x128xf32, #tpu.memory_space<hbm>>) target(%arg13 : memref<80x128xf32, #tpu.memory_space<vmem>>) offsets(%dma_start3A_160 : memref<80xi32, #tpu.memory_space<vmem>>) semaphore(%arg17 : memref<!tpu.dma_semaphore, #tpu.memory_space<semaphore_mem>>)
    %dma_wait3A_164 = arith.constant 4800 : i32
    %dma_wait3A_165 = tpu.memref_slice %arg9[%dma_wait3A_164] : memref<5040xi32, #tpu.memory_space<vmem>> -> memref<80xi32, #tpu.memory_space<vmem>>
    %dma_wait3A_166 = arith.constant 0 : i32
    %dma_wait3A_167 = arith.constant 0 : i32
    %dma_wait3A_168 = tpu.memref_slice %arg2[%dma_wait3A_166, %dma_wait3A_167] : memref<10000x128xf32, #tpu.memory_space<hbm>> -> memref<10000x128xf32, #tpu.memory_space<hbm>>
    tpu.wait_indirect_dma semaphore(%arg15 : memref<!tpu.dma_semaphore, #tpu.memory_space<semaphore_mem>>) src(%dma_wait3A_168 : memref<10000x128xf32, #tpu.memory_space<hbm>>) dst(%arg11 : memref<80x128xf32, #tpu.memory_space<vmem>>)
    %dma_start3A_169 = arith.constant 4800 : i32
    %dma_start3A_170 = tpu.memref_slice %arg10[%dma_start3A_169] : memref<5040xi32, #tpu.memory_space<vmem>> -> memref<80xi32, #tpu.memory_space<vmem>>
    %dma_start3A_171 = arith.constant 0 : i32
    %dma_start3A_172 = arith.constant 0 : i32
    %dma_start3A_173 = tpu.memref_slice %arg14[%dma_start3A_171, %dma_start3A_172] : memref<10000x128xf32, #tpu.memory_space<vmem_shared>> -> memref<10000x128xf32, #tpu.memory_space<vmem_shared>>
    tpu.enqueue_indirect_dma source(%arg11 : memref<80x128xf32, #tpu.memory_space<vmem>>) target(%dma_start3A_173 : memref<10000x128xf32, #tpu.memory_space<vmem_shared>>) offsets(%dma_start3A_170 : memref<80xi32, #tpu.memory_space<vmem>>) semaphore(%arg18 : memref<!tpu.dma_semaphore, #tpu.memory_space<semaphore_mem>>) {add = true}
    %dma_start3A_174 = arith.constant 4800 : i32
    %dma_start3A_175 = tpu.memref_slice %arg10[%dma_start3A_174] : memref<5040xi32, #tpu.memory_space<vmem>> -> memref<80xi32, #tpu.memory_space<vmem>>
    %dma_start3A_176 = arith.constant 0 : i32
    %dma_start3A_177 = arith.constant 0 : i32
    %dma_start3A_178 = tpu.memref_slice %arg22[%dma_start3A_176, %dma_start3A_177] : memref<10000x8xf32, #tpu.memory_space<vmem_shared>> -> memref<10000x8xf32, #tpu.memory_space<vmem_shared>>
    tpu.enqueue_indirect_dma source(%arg21 : memref<80x8xf32, #tpu.memory_space<vmem>>) target(%dma_start3A_178 : memref<10000x8xf32, #tpu.memory_space<vmem_shared>>) offsets(%dma_start3A_175 : memref<80xi32, #tpu.memory_space<vmem>>) semaphore(%arg23 : memref<!tpu.dma_semaphore, #tpu.memory_space<semaphore_mem>>) {add = true}
    %dma_wait3A_179 = arith.constant 4800 : i32
    %dma_wait3A_180 = tpu.memref_slice %arg10[%dma_wait3A_179] : memref<5040xi32, #tpu.memory_space<vmem>> -> memref<80xi32, #tpu.memory_space<vmem>>
    %dma_wait3A_181 = arith.constant 0 : i32
    %dma_wait3A_182 = arith.constant 0 : i32
    %dma_wait3A_183 = tpu.memref_slice %arg14[%dma_wait3A_181, %dma_wait3A_182] : memref<10000x128xf32, #tpu.memory_space<vmem_shared>> -> memref<10000x128xf32, #tpu.memory_space<vmem_shared>>
    tpu.wait_indirect_dma semaphore(%arg18 : memref<!tpu.dma_semaphore, #tpu.memory_space<semaphore_mem>>) src(%arg11 : memref<80x128xf32, #tpu.memory_space<vmem>>) dst(%dma_wait3A_183 : memref<10000x128xf32, #tpu.memory_space<vmem_shared>>)
    %dma_wait3A_184 = arith.constant 4800 : i32
    %dma_wait3A_185 = tpu.memref_slice %arg10[%dma_wait3A_184] : memref<5040xi32, #tpu.memory_space<vmem>> -> memref<80xi32, #tpu.memory_space<vmem>>
    %dma_wait3A_186 = arith.constant 0 : i32
    %dma_wait3A_187 = arith.constant 0 : i32
    %dma_wait3A_188 = tpu.memref_slice %arg22[%dma_wait3A_186, %dma_wait3A_187] : memref<10000x8xf32, #tpu.memory_space<vmem_shared>> -> memref<10000x8xf32, #tpu.memory_space<vmem_shared>>
    tpu.wait_indirect_dma semaphore(%arg23 : memref<!tpu.dma_semaphore, #tpu.memory_space<semaphore_mem>>) src(%arg21 : memref<80x8xf32, #tpu.memory_space<vmem>>) dst(%dma_wait3A_188 : memref<10000x8xf32, #tpu.memory_space<vmem_shared>>)
    %dma_wait3A_189 = arith.constant 4880 : i32
    %dma_wait3A_190 = tpu.memref_slice %arg9[%dma_wait3A_189] : memref<5040xi32, #tpu.memory_space<vmem>> -> memref<80xi32, #tpu.memory_space<vmem>>
    %dma_wait3A_191 = arith.constant 0 : i32
    %dma_wait3A_192 = arith.constant 0 : i32
    %dma_wait3A_193 = tpu.memref_slice %arg2[%dma_wait3A_191, %dma_wait3A_192] : memref<10000x128xf32, #tpu.memory_space<hbm>> -> memref<10000x128xf32, #tpu.memory_space<hbm>>
    tpu.wait_indirect_dma semaphore(%arg16 : memref<!tpu.dma_semaphore, #tpu.memory_space<semaphore_mem>>) src(%dma_wait3A_193 : memref<10000x128xf32, #tpu.memory_space<hbm>>) dst(%arg12 : memref<80x128xf32, #tpu.memory_space<vmem>>)
    %dma_start3A_194 = arith.constant 4880 : i32
    %dma_start3A_195 = tpu.memref_slice %arg10[%dma_start3A_194] : memref<5040xi32, #tpu.memory_space<vmem>> -> memref<80xi32, #tpu.memory_space<vmem>>
    %dma_start3A_196 = arith.constant 0 : i32
    %dma_start3A_197 = arith.constant 0 : i32
    %dma_start3A_198 = tpu.memref_slice %arg14[%dma_start3A_196, %dma_start3A_197] : memref<10000x128xf32, #tpu.memory_space<vmem_shared>> -> memref<10000x128xf32, #tpu.memory_space<vmem_shared>>
    tpu.enqueue_indirect_dma source(%arg12 : memref<80x128xf32, #tpu.memory_space<vmem>>) target(%dma_start3A_198 : memref<10000x128xf32, #tpu.memory_space<vmem_shared>>) offsets(%dma_start3A_195 : memref<80xi32, #tpu.memory_space<vmem>>) semaphore(%arg19 : memref<!tpu.dma_semaphore, #tpu.memory_space<semaphore_mem>>) {add = true}
    %dma_start3A_199 = arith.constant 4880 : i32
    %dma_start3A_200 = tpu.memref_slice %arg10[%dma_start3A_199] : memref<5040xi32, #tpu.memory_space<vmem>> -> memref<80xi32, #tpu.memory_space<vmem>>
    %dma_start3A_201 = arith.constant 0 : i32
    %dma_start3A_202 = arith.constant 0 : i32
    %dma_start3A_203 = tpu.memref_slice %arg22[%dma_start3A_201, %dma_start3A_202] : memref<10000x8xf32, #tpu.memory_space<vmem_shared>> -> memref<10000x8xf32, #tpu.memory_space<vmem_shared>>
    tpu.enqueue_indirect_dma source(%arg21 : memref<80x8xf32, #tpu.memory_space<vmem>>) target(%dma_start3A_203 : memref<10000x8xf32, #tpu.memory_space<vmem_shared>>) offsets(%dma_start3A_200 : memref<80xi32, #tpu.memory_space<vmem>>) semaphore(%arg24 : memref<!tpu.dma_semaphore, #tpu.memory_space<semaphore_mem>>) {add = true}
    %dma_wait3A_204 = arith.constant 4880 : i32
    %dma_wait3A_205 = tpu.memref_slice %arg10[%dma_wait3A_204] : memref<5040xi32, #tpu.memory_space<vmem>> -> memref<80xi32, #tpu.memory_space<vmem>>
    %dma_wait3A_206 = arith.constant 0 : i32
    %dma_wait3A_207 = arith.constant 0 : i32
    %dma_wait3A_208 = tpu.memref_slice %arg14[%dma_wait3A_206, %dma_wait3A_207] : memref<10000x128xf32, #tpu.memory_space<vmem_shared>> -> memref<10000x128xf32, #tpu.memory_space<vmem_shared>>
    tpu.wait_indirect_dma semaphore(%arg19 : memref<!tpu.dma_semaphore, #tpu.memory_space<semaphore_mem>>) src(%arg12 : memref<80x128xf32, #tpu.memory_space<vmem>>) dst(%dma_wait3A_208 : memref<10000x128xf32, #tpu.memory_space<vmem_shared>>)
    %dma_wait3A_209 = arith.constant 4880 : i32
    %dma_wait3A_210 = tpu.memref_slice %arg10[%dma_wait3A_209] : memref<5040xi32, #tpu.memory_space<vmem>> -> memref<80xi32, #tpu.memory_space<vmem>>
    %dma_wait3A_211 = arith.constant 0 : i32
    %dma_wait3A_212 = arith.constant 0 : i32
    %dma_wait3A_213 = tpu.memref_slice %arg22[%dma_wait3A_211, %dma_wait3A_212] : memref<10000x8xf32, #tpu.memory_space<vmem_shared>> -> memref<10000x8xf32, #tpu.memory_space<vmem_shared>>
    tpu.wait_indirect_dma semaphore(%arg24 : memref<!tpu.dma_semaphore, #tpu.memory_space<semaphore_mem>>) src(%arg21 : memref<80x8xf32, #tpu.memory_space<vmem>>) dst(%dma_wait3A_213 : memref<10000x8xf32, #tpu.memory_space<vmem_shared>>)
    %dma_wait3A_214 = arith.constant 4960 : i32
    %dma_wait3A_215 = tpu.memref_slice %arg9[%dma_wait3A_214] : memref<5040xi32, #tpu.memory_space<vmem>> -> memref<80xi32, #tpu.memory_space<vmem>>
    %dma_wait3A_216 = arith.constant 0 : i32
    %dma_wait3A_217 = arith.constant 0 : i32
    %dma_wait3A_218 = tpu.memref_slice %arg2[%dma_wait3A_216, %dma_wait3A_217] : memref<10000x128xf32, #tpu.memory_space<hbm>> -> memref<10000x128xf32, #tpu.memory_space<hbm>>
    tpu.wait_indirect_dma semaphore(%arg17 : memref<!tpu.dma_semaphore, #tpu.memory_space<semaphore_mem>>) src(%dma_wait3A_218 : memref<10000x128xf32, #tpu.memory_space<hbm>>) dst(%arg13 : memref<80x128xf32, #tpu.memory_space<vmem>>)
    %dma_start3A_219 = arith.constant 4960 : i32
    %dma_start3A_220 = tpu.memref_slice %arg10[%dma_start3A_219] : memref<5040xi32, #tpu.memory_space<vmem>> -> memref<80xi32, #tpu.memory_space<vmem>>
    %dma_start3A_221 = arith.constant 0 : i32
    %dma_start3A_222 = arith.constant 0 : i32
    %dma_start3A_223 = tpu.memref_slice %arg14[%dma_start3A_221, %dma_start3A_222] : memref<10000x128xf32, #tpu.memory_space<vmem_shared>> -> memref<10000x128xf32, #tpu.memory_space<vmem_shared>>
    tpu.enqueue_indirect_dma source(%arg13 : memref<80x128xf32, #tpu.memory_space<vmem>>) target(%dma_start3A_223 : memref<10000x128xf32, #tpu.memory_space<vmem_shared>>) offsets(%dma_start3A_220 : memref<80xi32, #tpu.memory_space<vmem>>) semaphore(%arg20 : memref<!tpu.dma_semaphore, #tpu.memory_space<semaphore_mem>>) {add = true}
    %dma_start3A_224 = arith.constant 4960 : i32
    %dma_start3A_225 = tpu.memref_slice %arg10[%dma_start3A_224] : memref<5040xi32, #tpu.memory_space<vmem>> -> memref<80xi32, #tpu.memory_space<vmem>>
    %dma_start3A_226 = arith.constant 0 : i32
    %dma_start3A_227 = arith.constant 0 : i32
    %dma_start3A_228 = tpu.memref_slice %arg22[%dma_start3A_226, %dma_start3A_227] : memref<10000x8xf32, #tpu.memory_space<vmem_shared>> -> memref<10000x8xf32, #tpu.memory_space<vmem_shared>>
    tpu.enqueue_indirect_dma source(%arg21 : memref<80x8xf32, #tpu.memory_space<vmem>>) target(%dma_start3A_228 : memref<10000x8xf32, #tpu.memory_space<vmem_shared>>) offsets(%dma_start3A_225 : memref<80xi32, #tpu.memory_space<vmem>>) semaphore(%arg25 : memref<!tpu.dma_semaphore, #tpu.memory_space<semaphore_mem>>) {add = true}
    %dma_wait3A_229 = arith.constant 4960 : i32
    %dma_wait3A_230 = tpu.memref_slice %arg10[%dma_wait3A_229] : memref<5040xi32, #tpu.memory_space<vmem>> -> memref<80xi32, #tpu.memory_space<vmem>>
    %dma_wait3A_231 = arith.constant 0 : i32
    %dma_wait3A_232 = arith.constant 0 : i32
    %dma_wait3A_233 = tpu.memref_slice %arg14[%dma_wait3A_231, %dma_wait3A_232] : memref<10000x128xf32, #tpu.memory_space<vmem_shared>> -> memref<10000x128xf32, #tpu.memory_space<vmem_shared>>
    tpu.wait_indirect_dma semaphore(%arg20 : memref<!tpu.dma_semaphore, #tpu.memory_space<semaphore_mem>>) src(%arg13 : memref<80x128xf32, #tpu.memory_space<vmem>>) dst(%dma_wait3A_233 : memref<10000x128xf32, #tpu.memory_space<vmem_shared>>)
    %dma_wait3A_234 = arith.constant 4960 : i32
    %dma_wait3A_235 = tpu.memref_slice %arg10[%dma_wait3A_234] : memref<5040xi32, #tpu.memory_space<vmem>> -> memref<80xi32, #tpu.memory_space<vmem>>
    %dma_wait3A_236 = arith.constant 0 : i32
    %dma_wait3A_237 = arith.constant 0 : i32
    %dma_wait3A_238 = tpu.memref_slice %arg22[%dma_wait3A_236, %dma_wait3A_237] : memref<10000x8xf32, #tpu.memory_space<vmem_shared>> -> memref<10000x8xf32, #tpu.memory_space<vmem_shared>>
    tpu.wait_indirect_dma semaphore(%arg25 : memref<!tpu.dma_semaphore, #tpu.memory_space<semaphore_mem>>) src(%arg21 : memref<80x8xf32, #tpu.memory_space<vmem>>) dst(%dma_wait3A_238 : memref<10000x8xf32, #tpu.memory_space<vmem_shared>>)
    %add3A_239 = arith.constant 5040 : i32
    %add3A_240 = arith.addi %mul3A_129, %add3A_239 : i32
    "tpu.region"() ({
      %run_scoped3A = tpu.sem_alloc : memref<!tpu.dma_semaphore, #tpu.memory_space<semaphore_mem>>
      %dma_start3A_332 = arith.constant 0 : i32
      %dma_start3A_333 = tpu.memref_slice %arg9[%dma_start3A_332] : memref<5040xi32, #tpu.memory_space<vmem>> -> memref<4960xi32, #tpu.memory_space<vmem>>
      %dma_start3A_334 = tpu.memref_slice %arg3[%add3A_240] : memref<320000xi32, #tpu.memory_space<hbm>> -> memref<4960xi32, #tpu.memory_space<hbm>>
      %dma_start3A_335 = arith.constant 0 : i32
      %dma_start3A_336 = tpu.memref_slice %arg9[%dma_start3A_335] : memref<5040xi32, #tpu.memory_space<vmem>> -> memref<4960xi32, #tpu.memory_space<vmem>>
      %dma_start3A_337 = tpu.memref_slice %arg3[%add3A_240] : memref<320000xi32, #tpu.memory_space<hbm>> -> memref<4960xi32, #tpu.memory_space<hbm>>
      tpu.enqueue_dma source(%dma_start3A_337 : memref<4960xi32, #tpu.memory_space<hbm>>) target(%dma_start3A_336 : memref<4960xi32, #tpu.memory_space<vmem>>) target_semaphore(%run_scoped3A : memref<!tpu.dma_semaphore, #tpu.memory_space<semaphore_mem>>)
      %dma_wait3A_338 = arith.constant 0 : i32
      %dma_wait3A_339 = tpu.memref_slice %arg9[%dma_wait3A_338] : memref<5040xi32, #tpu.memory_space<vmem>> -> memref<4960xi32, #tpu.memory_space<vmem>>
      %dma_wait3A_340 = tpu.memref_slice %arg3[%add3A_240] : memref<320000xi32, #tpu.memory_space<hbm>> -> memref<4960xi32, #tpu.memory_space<hbm>>
      %dma_wait3A_341 = arith.constant 0 : i32
      %dma_wait3A_342 = tpu.memref_slice %arg9[%dma_wait3A_341] : memref<5040xi32, #tpu.memory_space<vmem>> -> memref<4960xi32, #tpu.memory_space<vmem>>
      %dma_wait3A_343 = tpu.memref_slice %arg3[%add3A_240] : memref<320000xi32, #tpu.memory_space<hbm>> -> memref<4960xi32, #tpu.memory_space<hbm>>
      tpu.wait_dma2 semaphore(%run_scoped3A : memref<!tpu.dma_semaphore, #tpu.memory_space<semaphore_mem>>) src(%dma_wait3A_343 : memref<4960xi32, #tpu.memory_space<hbm>>) dst(%dma_wait3A_342 : memref<4960xi32, #tpu.memory_space<vmem>>)
      tpu.yield
    }) : () -> ()
    %add3A_241 = arith.constant 5040 : i32
    %add3A_242 = arith.addi %mul3A_129, %add3A_241 : i32
    "tpu.region"() ({
      %run_scoped3A = tpu.sem_alloc : memref<!tpu.dma_semaphore, #tpu.memory_space<semaphore_mem>>
      %dma_start3A_332 = arith.constant 0 : i32
      %dma_start3A_333 = tpu.memref_slice %arg10[%dma_start3A_332] : memref<5040xi32, #tpu.memory_space<vmem>> -> memref<4960xi32, #tpu.memory_space<vmem>>
      %dma_start3A_334 = tpu.memref_slice %arg4[%add3A_242] : memref<320000xi32, #tpu.memory_space<hbm>> -> memref<4960xi32, #tpu.memory_space<hbm>>
      %dma_start3A_335 = arith.constant 0 : i32
      %dma_start3A_336 = tpu.memref_slice %arg10[%dma_start3A_335] : memref<5040xi32, #tpu.memory_space<vmem>> -> memref<4960xi32, #tpu.memory_space<vmem>>
      %dma_start3A_337 = tpu.memref_slice %arg4[%add3A_242] : memref<320000xi32, #tpu.memory_space<hbm>> -> memref<4960xi32, #tpu.memory_space<hbm>>
      tpu.enqueue_dma source(%dma_start3A_337 : memref<4960xi32, #tpu.memory_space<hbm>>) target(%dma_start3A_336 : memref<4960xi32, #tpu.memory_space<vmem>>) target_semaphore(%run_scoped3A : memref<!tpu.dma_semaphore, #tpu.memory_space<semaphore_mem>>)
      %dma_wait3A_338 = arith.constant 0 : i32
      %dma_wait3A_339 = tpu.memref_slice %arg10[%dma_wait3A_338] : memref<5040xi32, #tpu.memory_space<vmem>> -> memref<4960xi32, #tpu.memory_space<vmem>>
      %dma_wait3A_340 = tpu.memref_slice %arg4[%add3A_242] : memref<320000xi32, #tpu.memory_space<hbm>> -> memref<4960xi32, #tpu.memory_space<hbm>>
      %dma_wait3A_341 = arith.constant 0 : i32
      %dma_wait3A_342 = tpu.memref_slice %arg10[%dma_wait3A_341] : memref<5040xi32, #tpu.memory_space<vmem>> -> memref<4960xi32, #tpu.memory_space<vmem>>
      %dma_wait3A_343 = tpu.memref_slice %arg4[%add3A_242] : memref<320000xi32, #tpu.memory_space<hbm>> -> memref<4960xi32, #tpu.memory_space<hbm>>
      tpu.wait_dma2 semaphore(%run_scoped3A : memref<!tpu.dma_semaphore, #tpu.memory_space<semaphore_mem>>) src(%dma_wait3A_343 : memref<4960xi32, #tpu.memory_space<hbm>>) dst(%dma_wait3A_342 : memref<4960xi32, #tpu.memory_space<vmem>>)
      tpu.yield
    }) : () -> ()
    %dma_start3A_243 = arith.constant 0 : i32
    %dma_start3A_244 = tpu.memref_slice %arg9[%dma_start3A_243] : memref<5040xi32, #tpu.memory_space<vmem>> -> memref<80xi32, #tpu.memory_space<vmem>>
    %dma_start3A_245 = arith.constant 0 : i32
    %dma_start3A_246 = arith.constant 0 : i32
    %dma_start3A_247 = tpu.memref_slice %arg2[%dma_start3A_245, %dma_start3A_246] : memref<10000x128xf32, #tpu.memory_space<hbm>> -> memref<10000x128xf32, #tpu.memory_space<hbm>>
    tpu.enqueue_indirect_dma source(%dma_start3A_247 : memref<10000x128xf32, #tpu.memory_space<hbm>>) target(%arg11 : memref<80x128xf32, #tpu.memory_space<vmem>>) offsets(%dma_start3A_244 : memref<80xi32, #tpu.memory_space<vmem>>) semaphore(%arg15 : memref<!tpu.dma_semaphore, #tpu.memory_space<semaphore_mem>>)
    %dma_start3A_248 = arith.constant 80 : i32
    %dma_start3A_249 = tpu.memref_slice %arg9[%dma_start3A_248] : memref<5040xi32, #tpu.memory_space<vmem>> -> memref<80xi32, #tpu.memory_space<vmem>>
    %dma_start3A_250 = arith.constant 0 : i32
    %dma_start3A_251 = arith.constant 0 : i32
    %dma_start3A_252 = tpu.memref_slice %arg2[%dma_start3A_250, %dma_start3A_251] : memref<10000x128xf32, #tpu.memory_space<hbm>> -> memref<10000x128xf32, #tpu.memory_space<hbm>>
    tpu.enqueue_indirect_dma source(%dma_start3A_252 : memref<10000x128xf32, #tpu.memory_space<hbm>>) target(%arg12 : memref<80x128xf32, #tpu.memory_space<vmem>>) offsets(%dma_start3A_249 : memref<80xi32, #tpu.memory_space<vmem>>) semaphore(%arg16 : memref<!tpu.dma_semaphore, #tpu.memory_space<semaphore_mem>>)
    %scan3A_253 = arith.constant 0 : i32
    %scan3A_254 = arith.constant 20 : i32
    %scan3A_255 = arith.addi %scan3A_253, %scan3A_254 : i32
    %scan3A_256 = arith.constant 1 : i32
    scf.for %scan3A_332 = %scan3A_253 to %scan3A_255 step %scan3A_256  : i32 {
      %mul3A_333 = arith.constant 3 : i32
      %mul3A_334 = arith.muli %mul3A_333, %scan3A_332 : i32
      %add3A_335 = arith.constant 0 : i32
      %add3A_336 = arith.addi %mul3A_334, %add3A_335 : i32
      %gt3A = arith.constant 0 : i32
      %gt3A_337 = arith.cmpi sgt, %scan3A_332, %gt3A : i32
      %convert_element_type3A_338 = arith.extui %gt3A_337 : i1 to i32
      %cond3A_339 = arith.constant 0 : i32
      %cond3A_340 = arith.cmpi ne, %convert_element_type3A_338, %cond3A_339 : i32
      scf.if %cond3A_340 {
        %sub3A_455 = arith.constant 1 : i32
        %sub3A_456 = arith.subi %add3A_336, %sub3A_455 : i32
        %mul3A_457 = arith.constant 80 : i32
        %mul3A_458 = arith.muli %sub3A_456, %mul3A_457 : i32
        %dma_wait3A_459 = tpu.memref_slice %arg10[%mul3A_458] : memref<5040xi32, #tpu.memory_space<vmem>> -> memref<80xi32, #tpu.memory_space<vmem>>
        %dma_wait3A_460 = arith.constant 0 : i32
        %dma_wait3A_461 = arith.constant 0 : i32
        %dma_wait3A_462 = tpu.memref_slice %arg14[%dma_wait3A_460, %dma_wait3A_461] : memref<10000x128xf32, #tpu.memory_space<vmem_shared>> -> memref<10000x128xf32, #tpu.memory_space<vmem_shared>>
        tpu.wait_indirect_dma semaphore(%arg20 : memref<!tpu.dma_semaphore, #tpu.memory_space<semaphore_mem>>) src(%arg13 : memref<80x128xf32, #tpu.memory_space<vmem>>) dst(%dma_wait3A_462 : memref<10000x128xf32, #tpu.memory_space<vmem_shared>>)
        %mul3A_463 = arith.constant 80 : i32
        %mul3A_464 = arith.muli %sub3A_456, %mul3A_463 : i32
        %dma_wait3A_465 = tpu.memref_slice %arg10[%mul3A_464] : memref<5040xi32, #tpu.memory_space<vmem>> -> memref<80xi32, #tpu.memory_space<vmem>>
        %dma_wait3A_466 = arith.constant 0 : i32
        %dma_wait3A_467 = arith.constant 0 : i32
        %dma_wait3A_468 = tpu.memref_slice %arg22[%dma_wait3A_466, %dma_wait3A_467] : memref<10000x8xf32, #tpu.memory_space<vmem_shared>> -> memref<10000x8xf32, #tpu.memory_space<vmem_shared>>
        tpu.wait_indirect_dma semaphore(%arg25 : memref<!tpu.dma_semaphore, #tpu.memory_space<semaphore_mem>>) src(%arg21 : memref<80x8xf32, #tpu.memory_space<vmem>>) dst(%dma_wait3A_468 : memref<10000x8xf32, #tpu.memory_space<vmem_shared>>)
      } else {
      }
      %add3A_341 = arith.constant 2 : i32
      %add3A_342 = arith.addi %add3A_336, %add3A_341 : i32
      %mul3A_343 = arith.constant 80 : i32
      %mul3A_344 = arith.muli %add3A_342, %mul3A_343 : i32
      %dma_start3A_345 = tpu.memref_slice %arg9[%mul3A_344] : memref<5040xi32, #tpu.memory_space<vmem>> -> memref<80xi32, #tpu.memory_space<vmem>>
      %dma_start3A_346 = arith.constant 0 : i32
      %dma_start3A_347 = arith.constant 0 : i32
      %dma_start3A_348 = tpu.memref_slice %arg2[%dma_start3A_346, %dma_start3A_347] : memref<10000x128xf32, #tpu.memory_space<hbm>> -> memref<10000x128xf32, #tpu.memory_space<hbm>>
      tpu.enqueue_indirect_dma source(%dma_start3A_348 : memref<10000x128xf32, #tpu.memory_space<hbm>>) target(%arg13 : memref<80x128xf32, #tpu.memory_space<vmem>>) offsets(%dma_start3A_345 : memref<80xi32, #tpu.memory_space<vmem>>) semaphore(%arg17 : memref<!tpu.dma_semaphore, #tpu.memory_space<semaphore_mem>>)
      %mul3A_349 = arith.constant 80 : i32
      %mul3A_350 = arith.muli %add3A_336, %mul3A_349 : i32
      %dma_wait3A_351 = tpu.memref_slice %arg9[%mul3A_350] : memref<5040xi32, #tpu.memory_space<vmem>> -> memref<80xi32, #tpu.memory_space<vmem>>
      %dma_wait3A_352 = arith.constant 0 : i32
      %dma_wait3A_353 = arith.constant 0 : i32
      %dma_wait3A_354 = tpu.memref_slice %arg2[%dma_wait3A_352, %dma_wait3A_353] : memref<10000x128xf32, #tpu.memory_space<hbm>> -> memref<10000x128xf32, #tpu.memory_space<hbm>>
      tpu.wait_indirect_dma semaphore(%arg15 : memref<!tpu.dma_semaphore, #tpu.memory_space<semaphore_mem>>) src(%dma_wait3A_354 : memref<10000x128xf32, #tpu.memory_space<hbm>>) dst(%arg11 : memref<80x128xf32, #tpu.memory_space<vmem>>)
      %mul3A_355 = arith.constant 80 : i32
      %mul3A_356 = arith.muli %add3A_336, %mul3A_355 : i32
      %dma_start3A_357 = tpu.memref_slice %arg10[%mul3A_356] : memref<5040xi32, #tpu.memory_space<vmem>> -> memref<80xi32, #tpu.memory_space<vmem>>
      %dma_start3A_358 = arith.constant 0 : i32
      %dma_start3A_359 = arith.constant 0 : i32
      %dma_start3A_360 = tpu.memref_slice %arg14[%dma_start3A_358, %dma_start3A_359] : memref<10000x128xf32, #tpu.memory_space<vmem_shared>> -> memref<10000x128xf32, #tpu.memory_space<vmem_shared>>
      tpu.enqueue_indirect_dma source(%arg11 : memref<80x128xf32, #tpu.memory_space<vmem>>) target(%dma_start3A_360 : memref<10000x128xf32, #tpu.memory_space<vmem_shared>>) offsets(%dma_start3A_357 : memref<80xi32, #tpu.memory_space<vmem>>) semaphore(%arg18 : memref<!tpu.dma_semaphore, #tpu.memory_space<semaphore_mem>>) {add = true}
      %mul3A_361 = arith.constant 80 : i32
      %mul3A_362 = arith.muli %add3A_336, %mul3A_361 : i32
      %dma_start3A_363 = tpu.memref_slice %arg10[%mul3A_362] : memref<5040xi32, #tpu.memory_space<vmem>> -> memref<80xi32, #tpu.memory_space<vmem>>
      %dma_start3A_364 = arith.constant 0 : i32
      %dma_start3A_365 = arith.constant 0 : i32
      %dma_start3A_366 = tpu.memref_slice %arg22[%dma_start3A_364, %dma_start3A_365] : memref<10000x8xf32, #tpu.memory_space<vmem_shared>> -> memref<10000x8xf32, #tpu.memory_space<vmem_shared>>
      tpu.enqueue_indirect_dma source(%arg21 : memref<80x8xf32, #tpu.memory_space<vmem>>) target(%dma_start3A_366 : memref<10000x8xf32, #tpu.memory_space<vmem_shared>>) offsets(%dma_start3A_363 : memref<80xi32, #tpu.memory_space<vmem>>) semaphore(%arg23 : memref<!tpu.dma_semaphore, #tpu.memory_space<semaphore_mem>>) {add = true}
      %mul3A_367 = arith.constant 3 : i32
      %mul3A_368 = arith.muli %mul3A_367, %scan3A_332 : i32
      %add3A_369 = arith.constant 1 : i32
      %add3A_370 = arith.addi %mul3A_368, %add3A_369 : i32
      %sub3A_371 = arith.constant 1 : i32
      %sub3A_372 = arith.subi %add3A_370, %sub3A_371 : i32
      %mul3A_373 = arith.constant 80 : i32
      %mul3A_374 = arith.muli %sub3A_372, %mul3A_373 : i32
      %dma_wait3A_375 = tpu.memref_slice %arg10[%mul3A_374] : memref<5040xi32, #tpu.memory_space<vmem>> -> memref<80xi32, #tpu.memory_space<vmem>>
      %dma_wait3A_376 = arith.constant 0 : i32
      %dma_wait3A_377 = arith.constant 0 : i32
      %dma_wait3A_378 = tpu.memref_slice %arg14[%dma_wait3A_376, %dma_wait3A_377] : memref<10000x128xf32, #tpu.memory_space<vmem_shared>> -> memref<10000x128xf32, #tpu.memory_space<vmem_shared>>
      tpu.wait_indirect_dma semaphore(%arg18 : memref<!tpu.dma_semaphore, #tpu.memory_space<semaphore_mem>>) src(%arg11 : memref<80x128xf32, #tpu.memory_space<vmem>>) dst(%dma_wait3A_378 : memref<10000x128xf32, #tpu.memory_space<vmem_shared>>)
      %mul3A_379 = arith.constant 80 : i32
      %mul3A_380 = arith.muli %sub3A_372, %mul3A_379 : i32
      %dma_wait3A_381 = tpu.memref_slice %arg10[%mul3A_380] : memref<5040xi32, #tpu.memory_space<vmem>> -> memref<80xi32, #tpu.memory_space<vmem>>
      %dma_wait3A_382 = arith.constant 0 : i32
      %dma_wait3A_383 = arith.constant 0 : i32
      %dma_wait3A_384 = tpu.memref_slice %arg22[%dma_wait3A_382, %dma_wait3A_383] : memref<10000x8xf32, #tpu.memory_space<vmem_shared>> -> memref<10000x8xf32, #tpu.memory_space<vmem_shared>>
      tpu.wait_indirect_dma semaphore(%arg23 : memref<!tpu.dma_semaphore, #tpu.memory_space<semaphore_mem>>) src(%arg21 : memref<80x8xf32, #tpu.memory_space<vmem>>) dst(%dma_wait3A_384 : memref<10000x8xf32, #tpu.memory_space<vmem_shared>>)
      %add3A_385 = arith.constant 2 : i32
      %add3A_386 = arith.addi %add3A_370, %add3A_385 : i32
      %mul3A_387 = arith.constant 80 : i32
      %mul3A_388 = arith.muli %add3A_386, %mul3A_387 : i32
      %dma_start3A_389 = tpu.memref_slice %arg9[%mul3A_388] : memref<5040xi32, #tpu.memory_space<vmem>> -> memref<80xi32, #tpu.memory_space<vmem>>
      %dma_start3A_390 = arith.constant 0 : i32
      %dma_start3A_391 = arith.constant 0 : i32
      %dma_start3A_392 = tpu.memref_slice %arg2[%dma_start3A_390, %dma_start3A_391] : memref<10000x128xf32, #tpu.memory_space<hbm>> -> memref<10000x128xf32, #tpu.memory_space<hbm>>
      tpu.enqueue_indirect_dma source(%dma_start3A_392 : memref<10000x128xf32, #tpu.memory_space<hbm>>) target(%arg11 : memref<80x128xf32, #tpu.memory_space<vmem>>) offsets(%dma_start3A_389 : memref<80xi32, #tpu.memory_space<vmem>>) semaphore(%arg15 : memref<!tpu.dma_semaphore, #tpu.memory_space<semaphore_mem>>)
      %mul3A_393 = arith.constant 80 : i32
      %mul3A_394 = arith.muli %add3A_370, %mul3A_393 : i32
      %dma_wait3A_395 = tpu.memref_slice %arg9[%mul3A_394] : memref<5040xi32, #tpu.memory_space<vmem>> -> memref<80xi32, #tpu.memory_space<vmem>>
      %dma_wait3A_396 = arith.constant 0 : i32
      %dma_wait3A_397 = arith.constant 0 : i32
      %dma_wait3A_398 = tpu.memref_slice %arg2[%dma_wait3A_396, %dma_wait3A_397] : memref<10000x128xf32, #tpu.memory_space<hbm>> -> memref<10000x128xf32, #tpu.memory_space<hbm>>
      tpu.wait_indirect_dma semaphore(%arg16 : memref<!tpu.dma_semaphore, #tpu.memory_space<semaphore_mem>>) src(%dma_wait3A_398 : memref<10000x128xf32, #tpu.memory_space<hbm>>) dst(%arg12 : memref<80x128xf32, #tpu.memory_space<vmem>>)
      %mul3A_399 = arith.constant 80 : i32
      %mul3A_400 = arith.muli %add3A_370, %mul3A_399 : i32
      %dma_start3A_401 = tpu.memref_slice %arg10[%mul3A_400] : memref<5040xi32, #tpu.memory_space<vmem>> -> memref<80xi32, #tpu.memory_space<vmem>>
      %dma_start3A_402 = arith.constant 0 : i32
      %dma_start3A_403 = arith.constant 0 : i32
      %dma_start3A_404 = tpu.memref_slice %arg14[%dma_start3A_402, %dma_start3A_403] : memref<10000x128xf32, #tpu.memory_space<vmem_shared>> -> memref<10000x128xf32, #tpu.memory_space<vmem_shared>>
      tpu.enqueue_indirect_dma source(%arg12 : memref<80x128xf32, #tpu.memory_space<vmem>>) target(%dma_start3A_404 : memref<10000x128xf32, #tpu.memory_space<vmem_shared>>) offsets(%dma_start3A_401 : memref<80xi32, #tpu.memory_space<vmem>>) semaphore(%arg19 : memref<!tpu.dma_semaphore, #tpu.memory_space<semaphore_mem>>) {add = true}
      %mul3A_405 = arith.constant 80 : i32
      %mul3A_406 = arith.muli %add3A_370, %mul3A_405 : i32
      %dma_start3A_407 = tpu.memref_slice %arg10[%mul3A_406] : memref<5040xi32, #tpu.memory_space<vmem>> -> memref<80xi32, #tpu.memory_space<vmem>>
      %dma_start3A_408 = arith.constant 0 : i32
      %dma_start3A_409 = arith.constant 0 : i32
      %dma_start3A_410 = tpu.memref_slice %arg22[%dma_start3A_408, %dma_start3A_409] : memref<10000x8xf32, #tpu.memory_space<vmem_shared>> -> memref<10000x8xf32, #tpu.memory_space<vmem_shared>>
      tpu.enqueue_indirect_dma source(%arg21 : memref<80x8xf32, #tpu.memory_space<vmem>>) target(%dma_start3A_410 : memref<10000x8xf32, #tpu.memory_space<vmem_shared>>) offsets(%dma_start3A_407 : memref<80xi32, #tpu.memory_space<vmem>>) semaphore(%arg24 : memref<!tpu.dma_semaphore, #tpu.memory_space<semaphore_mem>>) {add = true}
      %mul3A_411 = arith.constant 3 : i32
      %mul3A_412 = arith.muli %mul3A_411, %scan3A_332 : i32
      %add3A_413 = arith.constant 2 : i32
      %add3A_414 = arith.addi %mul3A_412, %add3A_413 : i32
      %sub3A_415 = arith.constant 1 : i32
      %sub3A_416 = arith.subi %add3A_414, %sub3A_415 : i32
      %mul3A_417 = arith.constant 80 : i32
      %mul3A_418 = arith.muli %sub3A_416, %mul3A_417 : i32
      %dma_wait3A_419 = tpu.memref_slice %arg10[%mul3A_418] : memref<5040xi32, #tpu.memory_space<vmem>> -> memref<80xi32, #tpu.memory_space<vmem>>
      %dma_wait3A_420 = arith.constant 0 : i32
      %dma_wait3A_421 = arith.constant 0 : i32
      %dma_wait3A_422 = tpu.memref_slice %arg14[%dma_wait3A_420, %dma_wait3A_421] : memref<10000x128xf32, #tpu.memory_space<vmem_shared>> -> memref<10000x128xf32, #tpu.memory_space<vmem_shared>>
      tpu.wait_indirect_dma semaphore(%arg19 : memref<!tpu.dma_semaphore, #tpu.memory_space<semaphore_mem>>) src(%arg12 : memref<80x128xf32, #tpu.memory_space<vmem>>) dst(%dma_wait3A_422 : memref<10000x128xf32, #tpu.memory_space<vmem_shared>>)
      %mul3A_423 = arith.constant 80 : i32
      %mul3A_424 = arith.muli %sub3A_416, %mul3A_423 : i32
      %dma_wait3A_425 = tpu.memref_slice %arg10[%mul3A_424] : memref<5040xi32, #tpu.memory_space<vmem>> -> memref<80xi32, #tpu.memory_space<vmem>>
      %dma_wait3A_426 = arith.constant 0 : i32
      %dma_wait3A_427 = arith.constant 0 : i32
      %dma_wait3A_428 = tpu.memref_slice %arg22[%dma_wait3A_426, %dma_wait3A_427] : memref<10000x8xf32, #tpu.memory_space<vmem_shared>> -> memref<10000x8xf32, #tpu.memory_space<vmem_shared>>
      tpu.wait_indirect_dma semaphore(%arg24 : memref<!tpu.dma_semaphore, #tpu.memory_space<semaphore_mem>>) src(%arg21 : memref<80x8xf32, #tpu.memory_space<vmem>>) dst(%dma_wait3A_428 : memref<10000x8xf32, #tpu.memory_space<vmem_shared>>)
      %add3A_429 = arith.constant 2 : i32
      %add3A_430 = arith.addi %add3A_414, %add3A_429 : i32
      %mul3A_431 = arith.constant 80 : i32
      %mul3A_432 = arith.muli %add3A_430, %mul3A_431 : i32
      %dma_start3A_433 = tpu.memref_slice %arg9[%mul3A_432] : memref<5040xi32, #tpu.memory_space<vmem>> -> memref<80xi32, #tpu.memory_space<vmem>>
      %dma_start3A_434 = arith.constant 0 : i32
      %dma_start3A_435 = arith.constant 0 : i32
      %dma_start3A_436 = tpu.memref_slice %arg2[%dma_start3A_434, %dma_start3A_435] : memref<10000x128xf32, #tpu.memory_space<hbm>> -> memref<10000x128xf32, #tpu.memory_space<hbm>>
      tpu.enqueue_indirect_dma source(%dma_start3A_436 : memref<10000x128xf32, #tpu.memory_space<hbm>>) target(%arg12 : memref<80x128xf32, #tpu.memory_space<vmem>>) offsets(%dma_start3A_433 : memref<80xi32, #tpu.memory_space<vmem>>) semaphore(%arg16 : memref<!tpu.dma_semaphore, #tpu.memory_space<semaphore_mem>>)
      %mul3A_437 = arith.constant 80 : i32
      %mul3A_438 = arith.muli %add3A_414, %mul3A_437 : i32
      %dma_wait3A_439 = tpu.memref_slice %arg9[%mul3A_438] : memref<5040xi32, #tpu.memory_space<vmem>> -> memref<80xi32, #tpu.memory_space<vmem>>
      %dma_wait3A_440 = arith.constant 0 : i32
      %dma_wait3A_441 = arith.constant 0 : i32
      %dma_wait3A_442 = tpu.memref_slice %arg2[%dma_wait3A_440, %dma_wait3A_441] : memref<10000x128xf32, #tpu.memory_space<hbm>> -> memref<10000x128xf32, #tpu.memory_space<hbm>>
      tpu.wait_indirect_dma semaphore(%arg17 : memref<!tpu.dma_semaphore, #tpu.memory_space<semaphore_mem>>) src(%dma_wait3A_442 : memref<10000x128xf32, #tpu.memory_space<hbm>>) dst(%arg13 : memref<80x128xf32, #tpu.memory_space<vmem>>)
      %mul3A_443 = arith.constant 80 : i32
      %mul3A_444 = arith.muli %add3A_414, %mul3A_443 : i32
      %dma_start3A_445 = tpu.memref_slice %arg10[%mul3A_444] : memref<5040xi32, #tpu.memory_space<vmem>> -> memref<80xi32, #tpu.memory_space<vmem>>
      %dma_start3A_446 = arith.constant 0 : i32
      %dma_start3A_447 = arith.constant 0 : i32
      %dma_start3A_448 = tpu.memref_slice %arg14[%dma_start3A_446, %dma_start3A_447] : memref<10000x128xf32, #tpu.memory_space<vmem_shared>> -> memref<10000x128xf32, #tpu.memory_space<vmem_shared>>
      tpu.enqueue_indirect_dma source(%arg13 : memref<80x128xf32, #tpu.memory_space<vmem>>) target(%dma_start3A_448 : memref<10000x128xf32, #tpu.memory_space<vmem_shared>>) offsets(%dma_start3A_445 : memref<80xi32, #tpu.memory_space<vmem>>) semaphore(%arg20 : memref<!tpu.dma_semaphore, #tpu.memory_space<semaphore_mem>>) {add = true}
      %mul3A_449 = arith.constant 80 : i32
      %mul3A_450 = arith.muli %add3A_414, %mul3A_449 : i32
      %dma_start3A_451 = tpu.memref_slice %arg10[%mul3A_450] : memref<5040xi32, #tpu.memory_space<vmem>> -> memref<80xi32, #tpu.memory_space<vmem>>
      %dma_start3A_452 = arith.constant 0 : i32
      %dma_start3A_453 = arith.constant 0 : i32
      %dma_start3A_454 = tpu.memref_slice %arg22[%dma_start3A_452, %dma_start3A_453] : memref<10000x8xf32, #tpu.memory_space<vmem_shared>> -> memref<10000x8xf32, #tpu.memory_space<vmem_shared>>
      tpu.enqueue_indirect_dma source(%arg21 : memref<80x8xf32, #tpu.memory_space<vmem>>) target(%dma_start3A_454 : memref<10000x8xf32, #tpu.memory_space<vmem_shared>>) offsets(%dma_start3A_451 : memref<80xi32, #tpu.memory_space<vmem>>) semaphore(%arg25 : memref<!tpu.dma_semaphore, #tpu.memory_space<semaphore_mem>>) {add = true}
    }
    %scan3A_257 = arith.constant 20 : i32
    %dma_wait3A_258 = arith.constant 4720 : i32
    %dma_wait3A_259 = tpu.memref_slice %arg10[%dma_wait3A_258] : memref<5040xi32, #tpu.memory_space<vmem>> -> memref<80xi32, #tpu.memory_space<vmem>>
    %dma_wait3A_260 = arith.constant 0 : i32
    %dma_wait3A_261 = arith.constant 0 : i32
    %dma_wait3A_262 = tpu.memref_slice %arg14[%dma_wait3A_260, %dma_wait3A_261] : memref<10000x128xf32, #tpu.memory_space<vmem_shared>> -> memref<10000x128xf32, #tpu.memory_space<vmem_shared>>
    tpu.wait_indirect_dma semaphore(%arg20 : memref<!tpu.dma_semaphore, #tpu.memory_space<semaphore_mem>>) src(%arg13 : memref<80x128xf32, #tpu.memory_space<vmem>>) dst(%dma_wait3A_262 : memref<10000x128xf32, #tpu.memory_space<vmem_shared>>)
    %dma_wait3A_263 = arith.constant 4720 : i32
    %dma_wait3A_264 = tpu.memref_slice %arg10[%dma_wait3A_263] : memref<5040xi32, #tpu.memory_space<vmem>> -> memref<80xi32, #tpu.memory_space<vmem>>
    %dma_wait3A_265 = arith.constant 0 : i32
    %dma_wait3A_266 = arith.constant 0 : i32
    %dma_wait3A_267 = tpu.memref_slice %arg22[%dma_wait3A_265, %dma_wait3A_266] : memref<10000x8xf32, #tpu.memory_space<vmem_shared>> -> memref<10000x8xf32, #tpu.memory_space<vmem_shared>>
    tpu.wait_indirect_dma semaphore(%arg25 : memref<!tpu.dma_semaphore, #tpu.memory_space<semaphore_mem>>) src(%arg21 : memref<80x8xf32, #tpu.memory_space<vmem>>) dst(%dma_wait3A_267 : memref<10000x8xf32, #tpu.memory_space<vmem_shared>>)
    %dma_wait3A_268 = arith.constant 4800 : i32
    %dma_wait3A_269 = tpu.memref_slice %arg9[%dma_wait3A_268] : memref<5040xi32, #tpu.memory_space<vmem>> -> memref<80xi32, #tpu.memory_space<vmem>>
    %dma_wait3A_270 = arith.constant 0 : i32
    %dma_wait3A_271 = arith.constant 0 : i32
    %dma_wait3A_272 = tpu.memref_slice %arg2[%dma_wait3A_270, %dma_wait3A_271] : memref<10000x128xf32, #tpu.memory_space<hbm>> -> memref<10000x128xf32, #tpu.memory_space<hbm>>
    tpu.wait_indirect_dma semaphore(%arg15 : memref<!tpu.dma_semaphore, #tpu.memory_space<semaphore_mem>>) src(%dma_wait3A_272 : memref<10000x128xf32, #tpu.memory_space<hbm>>) dst(%arg11 : memref<80x128xf32, #tpu.memory_space<vmem>>)
    %dma_start3A_273 = arith.constant 4800 : i32
    %dma_start3A_274 = tpu.memref_slice %arg10[%dma_start3A_273] : memref<5040xi32, #tpu.memory_space<vmem>> -> memref<80xi32, #tpu.memory_space<vmem>>
    %dma_start3A_275 = arith.constant 0 : i32
    %dma_start3A_276 = arith.constant 0 : i32
    %dma_start3A_277 = tpu.memref_slice %arg14[%dma_start3A_275, %dma_start3A_276] : memref<10000x128xf32, #tpu.memory_space<vmem_shared>> -> memref<10000x128xf32, #tpu.memory_space<vmem_shared>>
    tpu.enqueue_indirect_dma source(%arg11 : memref<80x128xf32, #tpu.memory_space<vmem>>) target(%dma_start3A_277 : memref<10000x128xf32, #tpu.memory_space<vmem_shared>>) offsets(%dma_start3A_274 : memref<80xi32, #tpu.memory_space<vmem>>) semaphore(%arg18 : memref<!tpu.dma_semaphore, #tpu.memory_space<semaphore_mem>>) {add = true}
    %dma_start3A_278 = arith.constant 4800 : i32
    %dma_start3A_279 = tpu.memref_slice %arg10[%dma_start3A_278] : memref<5040xi32, #tpu.memory_space<vmem>> -> memref<80xi32, #tpu.memory_space<vmem>>
    %dma_start3A_280 = arith.constant 0 : i32
    %dma_start3A_281 = arith.constant 0 : i32
    %dma_start3A_282 = tpu.memref_slice %arg22[%dma_start3A_280, %dma_start3A_281] : memref<10000x8xf32, #tpu.memory_space<vmem_shared>> -> memref<10000x8xf32, #tpu.memory_space<vmem_shared>>
    tpu.enqueue_indirect_dma source(%arg21 : memref<80x8xf32, #tpu.memory_space<vmem>>) target(%dma_start3A_282 : memref<10000x8xf32, #tpu.memory_space<vmem_shared>>) offsets(%dma_start3A_279 : memref<80xi32, #tpu.memory_space<vmem>>) semaphore(%arg23 : memref<!tpu.dma_semaphore, #tpu.memory_space<semaphore_mem>>) {add = true}
    %dma_wait3A_283 = arith.constant 4800 : i32
    %dma_wait3A_284 = tpu.memref_slice %arg10[%dma_wait3A_283] : memref<5040xi32, #tpu.memory_space<vmem>> -> memref<80xi32, #tpu.memory_space<vmem>>
    %dma_wait3A_285 = arith.constant 0 : i32
    %dma_wait3A_286 = arith.constant 0 : i32
    %dma_wait3A_287 = tpu.memref_slice %arg14[%dma_wait3A_285, %dma_wait3A_286] : memref<10000x128xf32, #tpu.memory_space<vmem_shared>> -> memref<10000x128xf32, #tpu.memory_space<vmem_shared>>
    tpu.wait_indirect_dma semaphore(%arg18 : memref<!tpu.dma_semaphore, #tpu.memory_space<semaphore_mem>>) src(%arg11 : memref<80x128xf32, #tpu.memory_space<vmem>>) dst(%dma_wait3A_287 : memref<10000x128xf32, #tpu.memory_space<vmem_shared>>)
    %dma_wait3A_288 = arith.constant 4800 : i32
    %dma_wait3A_289 = tpu.memref_slice %arg10[%dma_wait3A_288] : memref<5040xi32, #tpu.memory_space<vmem>> -> memref<80xi32, #tpu.memory_space<vmem>>
    %dma_wait3A_290 = arith.constant 0 : i32
    %dma_wait3A_291 = arith.constant 0 : i32
    %dma_wait3A_292 = tpu.memref_slice %arg22[%dma_wait3A_290, %dma_wait3A_291] : memref<10000x8xf32, #tpu.memory_space<vmem_shared>> -> memref<10000x8xf32, #tpu.memory_space<vmem_shared>>
    tpu.wait_indirect_dma semaphore(%arg23 : memref<!tpu.dma_semaphore, #tpu.memory_space<semaphore_mem>>) src(%arg21 : memref<80x8xf32, #tpu.memory_space<vmem>>) dst(%dma_wait3A_292 : memref<10000x8xf32, #tpu.memory_space<vmem_shared>>)
    %dma_wait3A_293 = arith.constant 4880 : i32
    %dma_wait3A_294 = tpu.memref_slice %arg9[%dma_wait3A_293] : memref<5040xi32, #tpu.memory_space<vmem>> -> memref<80xi32, #tpu.memory_space<vmem>>
    %dma_wait3A_295 = arith.constant 0 : i32
    %dma_wait3A_296 = arith.constant 0 : i32
    %dma_wait3A_297 = tpu.memref_slice %arg2[%dma_wait3A_295, %dma_wait3A_296] : memref<10000x128xf32, #tpu.memory_space<hbm>> -> memref<10000x128xf32, #tpu.memory_space<hbm>>
    tpu.wait_indirect_dma semaphore(%arg16 : memref<!tpu.dma_semaphore, #tpu.memory_space<semaphore_mem>>) src(%dma_wait3A_297 : memref<10000x128xf32, #tpu.memory_space<hbm>>) dst(%arg12 : memref<80x128xf32, #tpu.memory_space<vmem>>)
    %dma_start3A_298 = arith.constant 4880 : i32
    %dma_start3A_299 = tpu.memref_slice %arg10[%dma_start3A_298] : memref<5040xi32, #tpu.memory_space<vmem>> -> memref<80xi32, #tpu.memory_space<vmem>>
    %dma_start3A_300 = arith.constant 0 : i32
    %dma_start3A_301 = arith.constant 0 : i32
    %dma_start3A_302 = tpu.memref_slice %arg14[%dma_start3A_300, %dma_start3A_301] : memref<10000x128xf32, #tpu.memory_space<vmem_shared>> -> memref<10000x128xf32, #tpu.memory_space<vmem_shared>>
    tpu.enqueue_indirect_dma source(%arg12 : memref<80x128xf32, #tpu.memory_space<vmem>>) target(%dma_start3A_302 : memref<10000x128xf32, #tpu.memory_space<vmem_shared>>) offsets(%dma_start3A_299 : memref<80xi32, #tpu.memory_space<vmem>>) semaphore(%arg19 : memref<!tpu.dma_semaphore, #tpu.memory_space<semaphore_mem>>) {add = true}
    %dma_start3A_303 = arith.constant 4880 : i32
    %dma_start3A_304 = tpu.memref_slice %arg10[%dma_start3A_303] : memref<5040xi32, #tpu.memory_space<vmem>> -> memref<80xi32, #tpu.memory_space<vmem>>
    %dma_start3A_305 = arith.constant 0 : i32
    %dma_start3A_306 = arith.constant 0 : i32
    %dma_start3A_307 = tpu.memref_slice %arg22[%dma_start3A_305, %dma_start3A_306] : memref<10000x8xf32, #tpu.memory_space<vmem_shared>> -> memref<10000x8xf32, #tpu.memory_space<vmem_shared>>
    tpu.enqueue_indirect_dma source(%arg21 : memref<80x8xf32, #tpu.memory_space<vmem>>) target(%dma_start3A_307 : memref<10000x8xf32, #tpu.memory_space<vmem_shared>>) offsets(%dma_start3A_304 : memref<80xi32, #tpu.memory_space<vmem>>) semaphore(%arg24 : memref<!tpu.dma_semaphore, #tpu.memory_space<semaphore_mem>>) {add = true}
    %dma_wait3A_308 = arith.constant 4880 : i32
    %dma_wait3A_309 = tpu.memref_slice %arg10[%dma_wait3A_308] : memref<5040xi32, #tpu.memory_space<vmem>> -> memref<80xi32, #tpu.memory_space<vmem>>
    %dma_wait3A_310 = arith.constant 0 : i32
    %dma_wait3A_311 = arith.constant 0 : i32
    %dma_wait3A_312 = tpu.memref_slice %arg14[%dma_wait3A_310, %dma_wait3A_311] : memref<10000x128xf32, #tpu.memory_space<vmem_shared>> -> memref<10000x128xf32, #tpu.memory_space<vmem_shared>>
    tpu.wait_indirect_dma semaphore(%arg19 : memref<!tpu.dma_semaphore, #tpu.memory_space<semaphore_mem>>) src(%arg12 : memref<80x128xf32, #tpu.memory_space<vmem>>) dst(%dma_wait3A_312 : memref<10000x128xf32, #tpu.memory_space<vmem_shared>>)
    %dma_wait3A_313 = arith.constant 4880 : i32
    %dma_wait3A_314 = tpu.memref_slice %arg10[%dma_wait3A_313] : memref<5040xi32, #tpu.memory_space<vmem>> -> memref<80xi32, #tpu.memory_space<vmem>>
    %dma_wait3A_315 = arith.constant 0 : i32
    %dma_wait3A_316 = arith.constant 0 : i32
    %dma_wait3A_317 = tpu.memref_slice %arg22[%dma_wait3A_315, %dma_wait3A_316] : memref<10000x8xf32, #tpu.memory_space<vmem_shared>> -> memref<10000x8xf32, #tpu.memory_space<vmem_shared>>
    tpu.wait_indirect_dma semaphore(%arg24 : memref<!tpu.dma_semaphore, #tpu.memory_space<semaphore_mem>>) src(%arg21 : memref<80x8xf32, #tpu.memory_space<vmem>>) dst(%dma_wait3A_317 : memref<10000x8xf32, #tpu.memory_space<vmem_shared>>)
    %barrier3A_318 = arith.constant 0 : index
    tpu.barrier barrier_id(%barrier3A_318)
    %mul3A_319 = arith.constant 10000 : i32
    %mul3A_320 = arith.muli %arg0, %mul3A_319 : i32
    %add3A_321 = arith.addi %mul3A_320, %mul3A_2 : i32
    "tpu.region"() ({
      %run_scoped3A = tpu.sem_alloc : memref<!tpu.dma_semaphore, #tpu.memory_space<semaphore_mem>>
      %dma_start3A_332 = arith.constant 0 : i32
      %dma_start3A_333 = tpu.memref_slice %arg7[%add3A_321, %dma_start3A_332] : memref<20000x128xf32, #tpu.memory_space<hbm>> -> memref<624x128xf32, #tpu.memory_space<hbm>>
      %dma_start3A_334 = arith.constant 0 : i32
      %dma_start3A_335 = tpu.memref_slice %arg14[%mul3A_2, %dma_start3A_334] : memref<10000x128xf32, #tpu.memory_space<vmem_shared>> -> memref<624x128xf32, #tpu.memory_space<vmem_shared>>
      tpu.enqueue_dma source(%dma_start3A_335 : memref<624x128xf32, #tpu.memory_space<vmem_shared>>) target(%dma_start3A_333 : memref<624x128xf32, #tpu.memory_space<hbm>>) target_semaphore(%run_scoped3A : memref<!tpu.dma_semaphore, #tpu.memory_space<semaphore_mem>>)
      %dma_wait3A_336 = arith.constant 0 : i32
      %dma_wait3A_337 = tpu.memref_slice %arg7[%add3A_321, %dma_wait3A_336] : memref<20000x128xf32, #tpu.memory_space<hbm>> -> memref<624x128xf32, #tpu.memory_space<hbm>>
      %dma_wait3A_338 = arith.constant 0 : i32
      %dma_wait3A_339 = tpu.memref_slice %arg14[%mul3A_2, %dma_wait3A_338] : memref<10000x128xf32, #tpu.memory_space<vmem_shared>> -> memref<624x128xf32, #tpu.memory_space<vmem_shared>>
      tpu.wait_dma2 semaphore(%run_scoped3A : memref<!tpu.dma_semaphore, #tpu.memory_space<semaphore_mem>>) src(%dma_wait3A_339 : memref<624x128xf32, #tpu.memory_space<vmem_shared>>) dst(%dma_wait3A_337 : memref<624x128xf32, #tpu.memory_space<hbm>>)
      tpu.yield
    }) : () -> ()
    %eq3A_322 = arith.constant 0 : i32
    %eq3A_323 = arith.cmpi eq, %arg1, %eq3A_322 : i32
    %convert_element_type3A_324 = arith.extui %eq3A_323 : i1 to i32
    %cond3A_325 = arith.constant 0 : i32
    %cond3A_326 = arith.cmpi ne, %convert_element_type3A_324, %cond3A_325 : i32
    scf.if %cond3A_326 {
      %mul3A_332 = arith.constant 10000 : i32
      %mul3A_333 = arith.muli %arg0, %mul3A_332 : i32
      %add3A_334 = arith.constant 9984 : i32
      %add3A_335 = arith.addi %mul3A_333, %add3A_334 : i32
      "tpu.region"() ({
        %run_scoped3A = tpu.sem_alloc : memref<!tpu.dma_semaphore, #tpu.memory_space<semaphore_mem>>
        %dma_start3A_336 = arith.constant 0 : i32
        %dma_start3A_337 = tpu.memref_slice %arg7[%add3A_335, %dma_start3A_336] : memref<20000x128xf32, #tpu.memory_space<hbm>> -> memref<16x128xf32, #tpu.memory_space<hbm>>
        %dma_start3A_338 = arith.constant 9984 : i32
        %dma_start3A_339 = arith.constant 0 : i32
        %dma_start3A_340 = tpu.memref_slice %arg14[%dma_start3A_338, %dma_start3A_339] : memref<10000x128xf32, #tpu.memory_space<vmem_shared>> -> memref<16x128xf32, #tpu.memory_space<vmem_shared>>
        tpu.enqueue_dma source(%dma_start3A_340 : memref<16x128xf32, #tpu.memory_space<vmem_shared>>) target(%dma_start3A_337 : memref<16x128xf32, #tpu.memory_space<hbm>>) target_semaphore(%run_scoped3A : memref<!tpu.dma_semaphore, #tpu.memory_space<semaphore_mem>>)
        %dma_wait3A_341 = arith.constant 0 : i32
        %dma_wait3A_342 = tpu.memref_slice %arg7[%add3A_335, %dma_wait3A_341] : memref<20000x128xf32, #tpu.memory_space<hbm>> -> memref<16x128xf32, #tpu.memory_space<hbm>>
        %dma_wait3A_343 = arith.constant 9984 : i32
        %dma_wait3A_344 = arith.constant 0 : i32
        %dma_wait3A_345 = tpu.memref_slice %arg14[%dma_wait3A_343, %dma_wait3A_344] : memref<10000x128xf32, #tpu.memory_space<vmem_shared>> -> memref<16x128xf32, #tpu.memory_space<vmem_shared>>
        tpu.wait_dma2 semaphore(%run_scoped3A : memref<!tpu.dma_semaphore, #tpu.memory_space<semaphore_mem>>) src(%dma_wait3A_345 : memref<16x128xf32, #tpu.memory_space<vmem_shared>>) dst(%dma_wait3A_342 : memref<16x128xf32, #tpu.memory_space<hbm>>)
        tpu.yield
      }) : () -> ()
    } else {
    }
    "tpu.region"() ({
      %run_scoped3A = tpu.sem_alloc : memref<!tpu.dma_semaphore, #tpu.memory_space<semaphore_mem>>
      %dma_start3A_332 = arith.constant 0 : i32
      %dma_start3A_333 = tpu.memref_slice %arg8[%add3A_321, %dma_start3A_332] : memref<20000x128xf32, #tpu.memory_space<hbm>> -> memref<624x8xf32, #tpu.memory_space<hbm>>
      %dma_start3A_334 = arith.constant 0 : i32
      %dma_start3A_335 = tpu.memref_slice %arg22[%mul3A_2, %dma_start3A_334] : memref<10000x8xf32, #tpu.memory_space<vmem_shared>> -> memref<624x8xf32, #tpu.memory_space<vmem_shared>>
      tpu.enqueue_dma source(%dma_start3A_335 : memref<624x8xf32, #tpu.memory_space<vmem_shared>>) target(%dma_start3A_333 : memref<624x8xf32, #tpu.memory_space<hbm>>) target_semaphore(%run_scoped3A : memref<!tpu.dma_semaphore, #tpu.memory_space<semaphore_mem>>)
      %dma_wait3A_336 = arith.constant 0 : i32
      %dma_wait3A_337 = tpu.memref_slice %arg8[%add3A_321, %dma_wait3A_336] : memref<20000x128xf32, #tpu.memory_space<hbm>> -> memref<624x8xf32, #tpu.memory_space<hbm>>
      %dma_wait3A_338 = arith.constant 0 : i32
      %dma_wait3A_339 = tpu.memref_slice %arg22[%mul3A_2, %dma_wait3A_338] : memref<10000x8xf32, #tpu.memory_space<vmem_shared>> -> memref<624x8xf32, #tpu.memory_space<vmem_shared>>
      tpu.wait_dma2 semaphore(%run_scoped3A : memref<!tpu.dma_semaphore, #tpu.memory_space<semaphore_mem>>) src(%dma_wait3A_339 : memref<624x8xf32, #tpu.memory_space<vmem_shared>>) dst(%dma_wait3A_337 : memref<624x8xf32, #tpu.memory_space<hbm>>)
      tpu.yield
    }) : () -> ()
    %eq3A_327 = arith.constant 0 : i32
    %eq3A_328 = arith.cmpi eq, %arg1, %eq3A_327 : i32
    %convert_element_type3A_329 = arith.extui %eq3A_328 : i1 to i32
    %cond3A_330 = arith.constant 0 : i32
    %cond3A_331 = arith.cmpi ne, %convert_element_type3A_329, %cond3A_330 : i32
    scf.if %cond3A_331 {
      %mul3A_332 = arith.constant 10000 : i32
      %mul3A_333 = arith.muli %arg0, %mul3A_332 : i32
      %add3A_334 = arith.constant 9984 : i32
      %add3A_335 = arith.addi %mul3A_333, %add3A_334 : i32
      "tpu.region"() ({
        %run_scoped3A = tpu.sem_alloc : memref<!tpu.dma_semaphore, #tpu.memory_space<semaphore_mem>>
        %dma_start3A_336 = arith.constant 0 : i32
        %dma_start3A_337 = tpu.memref_slice %arg8[%add3A_335, %dma_start3A_336] : memref<20000x128xf32, #tpu.memory_space<hbm>> -> memref<16x8xf32, #tpu.memory_space<hbm>>
        %dma_start3A_338 = arith.constant 9984 : i32
        %dma_start3A_339 = arith.constant 0 : i32
        %dma_start3A_340 = tpu.memref_slice %arg22[%dma_start3A_338, %dma_start3A_339] : memref<10000x8xf32, #tpu.memory_space<vmem_shared>> -> memref<16x8xf32, #tpu.memory_space<vmem_shared>>
        tpu.enqueue_dma source(%dma_start3A_340 : memref<16x8xf32, #tpu.memory_space<vmem_shared>>) target(%dma_start3A_337 : memref<16x8xf32, #tpu.memory_space<hbm>>) target_semaphore(%run_scoped3A : memref<!tpu.dma_semaphore, #tpu.memory_space<semaphore_mem>>)
        %dma_wait3A_341 = arith.constant 0 : i32
        %dma_wait3A_342 = tpu.memref_slice %arg8[%add3A_335, %dma_wait3A_341] : memref<20000x128xf32, #tpu.memory_space<hbm>> -> memref<16x8xf32, #tpu.memory_space<hbm>>
        %dma_wait3A_343 = arith.constant 9984 : i32
        %dma_wait3A_344 = arith.constant 0 : i32
        %dma_wait3A_345 = tpu.memref_slice %arg22[%dma_wait3A_343, %dma_wait3A_344] : memref<10000x8xf32, #tpu.memory_space<vmem_shared>> -> memref<16x8xf32, #tpu.memory_space<vmem_shared>>
        tpu.wait_dma2 semaphore(%run_scoped3A : memref<!tpu.dma_semaphore, #tpu.memory_space<semaphore_mem>>) src(%dma_wait3A_345 : memref<16x8xf32, #tpu.memory_space<vmem_shared>>) dst(%dma_wait3A_342 : memref<16x8xf32, #tpu.memory_space<hbm>>)
        tpu.yield
      }) : () -> ()
    } else {
    }
    return
  }
}

module attributes {stable_mosaic.version = 14 : i64} {
  func.func @_esplit_body(%arg0: memref<2x320000xi32, #tpu.memory_space<vmem>>, %arg1: memref<320000xi32, #tpu.memory_space<vmem>>, %arg2: memref<320000xi32, #tpu.memory_space<vmem>>) attributes {dimension_semantics = [], scalar_prefetch = 0 : i64, scratch_operands = 0 : i64, tpu.core_type = #tpu.core_type<tc>} {
    %get3A = arith.constant 0 : index
    %get3A_0 = arith.constant 0 : index
    %get3A_1 = vector.load %arg0[%get3A, %get3A_0] : memref<2x320000xi32, #tpu.memory_space<vmem>>, vector<1x320000xi32>
    %get3A_2 = vector.shape_cast %get3A_1 : vector<1x320000xi32> to vector<320000xi32>
    %swap3A = arith.constant 0 : index
    %swap3A_3 = vector.load %arg1[%swap3A] : memref<320000xi32, #tpu.memory_space<vmem>>, vector<320000xi32>
    tpu.vector_store %arg1[%swap3A], %get3A_2 {strides = array<i32>} : memref<320000xi32, #tpu.memory_space<vmem>>, vector<320000xi32>,
    %get3A_4 = arith.constant 1 : index
    %get3A_5 = arith.constant 0 : index
    %get3A_6 = vector.load %arg0[%get3A_4, %get3A_5] : memref<2x320000xi32, #tpu.memory_space<vmem>>, vector<1x320000xi32>
    %get3A_7 = vector.shape_cast %get3A_6 : vector<1x320000xi32> to vector<320000xi32>
    %swap3A_8 = arith.constant 0 : index
    %swap3A_9 = vector.load %arg2[%swap3A_8] : memref<320000xi32, #tpu.memory_space<vmem>>, vector<320000xi32>
    tpu.vector_store %arg2[%swap3A_8], %get3A_7 {strides = array<i32>} : memref<320000xi32, #tpu.memory_space<vmem>>, vector<320000xi32>,
    return
  }
}

module attributes {stable_mosaic.version = 14 : i64} {
  func.func @_stem_body(%arg0: i32, %arg1: memref<2000x128xf32, #tpu.memory_space<vmem>>, %arg2: memref<128x128xf32, #tpu.memory_space<vmem>>, %arg3: memref<1x128xf32, #tpu.memory_space<vmem>>, %arg4: memref<2000x128xf32, #tpu.memory_space<vmem>>) attributes {dimension_semantics = [#tpu.dimension_semantics<arbitrary>], iteration_bounds = array<i64: 5>, scalar_prefetch = 0 : i64, scratch_operands = 0 : i64, tpu.core_type = #tpu.core_type<tc>, window_params = [{transform_indices = @transform_0, window_bounds = array<i64: 2000, 128>}, {pipeline_mode = #tpu.pipeline_mode<synchronous>, transform_indices = @transform_1, window_bounds = array<i64: 128, 128>}, {pipeline_mode = #tpu.pipeline_mode<synchronous>, transform_indices = @transform_2, window_bounds = array<i64: 1, 128>}, {transform_indices = @transform_3, window_bounds = array<i64: 2000, 128>}]} {
    %get3A = arith.constant 0 : index
    %get3A_0 = arith.constant 0 : index
    %get3A_1 = vector.load %arg1[%get3A, %get3A_0] : memref<2000x128xf32, #tpu.memory_space<vmem>>, vector<2000x128xf32>
    %get3A_2 = arith.constant 0 : index
    %get3A_3 = arith.constant 0 : index
    %get3A_4 = vector.load %arg2[%get3A_2, %get3A_3] : memref<128x128xf32, #tpu.memory_space<vmem>>, vector<128x128xf32>
    %dot_general3A = arith.constant dense<0.000000e+00> : vector<2000x128xf32>
    %dot_general3A_5 = tpu.matmul %get3A_1, %get3A_4, %dot_general3A {dimension_numbers = #tpu.dot_dimension_numbers<[1], [1], [0], [0], [0, 0, 1, 0], [], []>, transpose_lhs_hint = false} : vector<2000x128xf32>, vector<128x128xf32>, vector<2000x128xf32> -> vector<2000x128xf32>
    %get3A_6 = arith.constant 0 : index
    %get3A_7 = arith.constant 0 : index
    %get3A_8 = vector.load %arg3[%get3A_6, %get3A_7] : memref<1x128xf32, #tpu.memory_space<vmem>>, vector<1x128xf32>
    %add3A = vector.broadcast %get3A_8 : vector<1x128xf32> to vector<2000x128xf32>
    %add3A_9 = arith.addf %dot_general3A_5, %add3A : vector<2000x128xf32>
    %ge3A = arith.constant 0.000000e+00 : f32
    %ge3A_10 = vector.broadcast %ge3A : f32 to vector<2000x128xf32>
    %ge3A_11 = arith.cmpf oge, %add3A_9, %ge3A_10 : vector<2000x128xf32>
    %mul3A = arith.constant 2.000000e-01 : f32
    %mul3A_12 = vector.broadcast %mul3A : f32 to vector<2000x128xf32>
    %mul3A_13 = arith.mulf %mul3A_12, %add3A_9 : vector<2000x128xf32>
    %select_n3A = arith.select %ge3A_11, %add3A_9, %mul3A_13 : vector<2000x128xi1>, vector<2000x128xf32>
    %swap3A = arith.constant 0 : index
    %swap3A_14 = arith.constant 0 : index
    %swap3A_15 = vector.load %arg4[%swap3A, %swap3A_14] : memref<2000x128xf32, #tpu.memory_space<vmem>>, vector<2000x128xf32>
    tpu.vector_store %arg4[%swap3A, %swap3A_14], %select_n3A {strides = array<i32>} : memref<2000x128xf32, #tpu.memory_space<vmem>>, vector<2000x128xf32>,
    return
  }
  func.func @transform_0(%arg0: i32) -> (i32, i32) {
    %c0_i32 = arith.constant 0 : i32
    %c0_i32_0 = arith.constant 0 : i32
    return %arg0, %c0_i32 : i32, i32
  }
  func.func @transform_1(%arg0: i32) -> (i32, i32) {
    %c0_i32 = arith.constant 0 : i32
    %c0_i32_0 = arith.constant 0 : i32
    %c0_i32_1 = arith.constant 0 : i32
    return %c0_i32, %c0_i32_0 : i32, i32
  }
  func.func @transform_2(%arg0: i32) -> (i32, i32) {
    %c0_i32 = arith.constant 0 : i32
    %c0_i32_0 = arith.constant 0 : i32
    %c0_i32_1 = arith.constant 0 : i32
    return %c0_i32, %c0_i32_0 : i32, i32
  }
  func.func @transform_3(%arg0: i32) -> (i32, i32) {
    %c0_i32 = arith.constant 0 : i32
    %c0_i32_0 = arith.constant 0 : i32
    return %arg0, %c0_i32 : i32, i32
  }
}

module attributes {stable_mosaic.version = 14 : i64} {
  func.func @_layer1_body(%arg0: i32, %arg1: memref<2000x128xf32, #tpu.memory_space<vmem>>, %arg2: memref<2x2000x128xf32, #tpu.memory_space<vmem>>, %arg3: memref<2x2000x128xf32, #tpu.memory_space<vmem>>, %arg4: memref<128x128xf32, #tpu.memory_space<vmem>>, %arg5: memref<128x128xf32, #tpu.memory_space<vmem>>, %arg6: memref<1x128xf32, #tpu.memory_space<vmem>>, %arg7: memref<64x128xf32, #tpu.memory_space<vmem>>, %arg8: memref<2000x128xf32, #tpu.memory_space<vmem>>, %arg9: memref<2000x64xf32, #tpu.memory_space<vmem>>) attributes {dimension_semantics = [#tpu.dimension_semantics<arbitrary>], iteration_bounds = array<i64: 5>, scalar_prefetch = 0 : i64, scratch_operands = 0 : i64, tpu.core_type = #tpu.core_type<tc>, window_params = [{transform_indices = @transform_0, window_bounds = array<i64: 2000, 128>}, {transform_indices = @transform_1, window_bounds = array<i64: 2, 2000, 128>}, {transform_indices = @transform_2, window_bounds = array<i64: 2, 2000, 128>}, {pipeline_mode = #tpu.pipeline_mode<synchronous>, transform_indices = @transform_3, window_bounds = array<i64: 128, 128>}, {pipeline_mode = #tpu.pipeline_mode<synchronous>, transform_indices = @transform_4, window_bounds = array<i64: 128, 128>}, {pipeline_mode = #tpu.pipeline_mode<synchronous>, transform_indices = @transform_5, window_bounds = array<i64: 1, 128>}, {pipeline_mode = #tpu.pipeline_mode<synchronous>, transform_indices = @transform_6, window_bounds = array<i64: 64, 128>}, {transform_indices = @transform_7, window_bounds = array<i64: 2000, 128>}, {transform_indices = @transform_8, window_bounds = array<i64: 2000, 64>}]} {
    %get3A = arith.constant 0 : index
    %get3A_0 = arith.constant 0 : index
    %get3A_1 = arith.constant 0 : index
    %get3A_2 = vector.load %arg2[%get3A, %get3A_0, %get3A_1] : memref<2x2000x128xf32, #tpu.memory_space<vmem>>, vector<1x2000x128xf32>
    %get3A_3 = vector.shape_cast %get3A_2 : vector<1x2000x128xf32> to vector<2000x128xf32>
    %get3A_4 = arith.constant 1 : index
    %get3A_5 = arith.constant 0 : index
    %get3A_6 = arith.constant 0 : index
    %get3A_7 = vector.load %arg2[%get3A_4, %get3A_5, %get3A_6] : memref<2x2000x128xf32, #tpu.memory_space<vmem>>, vector<1x2000x128xf32>
    %get3A_8 = vector.shape_cast %get3A_7 : vector<1x2000x128xf32> to vector<2000x128xf32>
    %add3A = arith.addf %get3A_3, %get3A_8 : vector<2000x128xf32>
    %get3A_9 = arith.constant 0 : index
    %get3A_10 = arith.constant 0 : index
    %get3A_11 = arith.constant 0 : index
    %get3A_12 = vector.load %arg3[%get3A_9, %get3A_10, %get3A_11] : memref<2x2000x128xf32, #tpu.memory_space<vmem>>, vector<1x2000x1xf32>
    %get3A_13 = vector.shape_cast %get3A_12 : vector<1x2000x1xf32> to vector<2000x1xf32>
    %get3A_14 = arith.constant 1 : index
    %get3A_15 = arith.constant 0 : index
    %get3A_16 = arith.constant 0 : index
    %get3A_17 = vector.load %arg3[%get3A_14, %get3A_15, %get3A_16] : memref<2x2000x128xf32, #tpu.memory_space<vmem>>, vector<1x2000x1xf32>
    %get3A_18 = vector.shape_cast %get3A_17 : vector<1x2000x1xf32> to vector<2000x1xf32>
    %add3A_19 = arith.addf %get3A_13, %get3A_18 : vector<2000x1xf32>
    %max3A = arith.constant 1.000000e+00 : f32
    %max3A_20 = vector.broadcast %max3A : f32 to vector<2000x1xf32>
    %max3A_21 = arith.maximumf %add3A_19, %max3A_20 : vector<2000x1xf32>
    %div3A = vector.broadcast %max3A_21 : vector<2000x1xf32> to vector<2000x128xf32>
    %div3A_22 = arith.divf %add3A, %div3A : vector<2000x128xf32>
    %get3A_23 = arith.constant 0 : index
    %get3A_24 = arith.constant 0 : index
    %get3A_25 = vector.load %arg1[%get3A_23, %get3A_24] : memref<2000x128xf32, #tpu.memory_space<vmem>>, vector<2000x128xf32>
    %get3A_26 = arith.constant 0 : index
    %get3A_27 = arith.constant 0 : index
    %get3A_28 = vector.load %arg4[%get3A_26, %get3A_27] : memref<128x128xf32, #tpu.memory_space<vmem>>, vector<128x128xf32>
    %dot_general3A = arith.constant dense<0.000000e+00> : vector<2000x128xf32>
    %dot_general3A_29 = tpu.matmul %get3A_25, %get3A_28, %dot_general3A {dimension_numbers = #tpu.dot_dimension_numbers<[1], [1], [0], [0], [0, 0, 1, 0], [], []>, transpose_lhs_hint = false} : vector<2000x128xf32>, vector<128x128xf32>, vector<2000x128xf32> -> vector<2000x128xf32>
    %get3A_30 = arith.constant 0 : index
    %get3A_31 = arith.constant 0 : index
    %get3A_32 = vector.load %arg5[%get3A_30, %get3A_31] : memref<128x128xf32, #tpu.memory_space<vmem>>, vector<128x128xf32>
    %dot_general3A_33 = arith.constant dense<0.000000e+00> : vector<2000x128xf32>
    %dot_general3A_34 = tpu.matmul %div3A_22, %get3A_32, %dot_general3A_33 {dimension_numbers = #tpu.dot_dimension_numbers<[1], [1], [0], [0], [0, 0, 1, 0], [], []>, transpose_lhs_hint = false} : vector<2000x128xf32>, vector<128x128xf32>, vector<2000x128xf32> -> vector<2000x128xf32>
    %add3A_35 = arith.addf %dot_general3A_29, %dot_general3A_34 : vector<2000x128xf32>
    %get3A_36 = arith.constant 0 : index
    %get3A_37 = arith.constant 0 : index
    %get3A_38 = vector.load %arg6[%get3A_36, %get3A_37] : memref<1x128xf32, #tpu.memory_space<vmem>>, vector<1x128xf32>
    %add3A_39 = vector.broadcast %get3A_38 : vector<1x128xf32> to vector<2000x128xf32>
    %add3A_40 = arith.addf %add3A_35, %add3A_39 : vector<2000x128xf32>
    %ge3A = arith.constant 0.000000e+00 : f32
    %ge3A_41 = vector.broadcast %ge3A : f32 to vector<2000x128xf32>
    %ge3A_42 = arith.cmpf oge, %add3A_40, %ge3A_41 : vector<2000x128xf32>
    %mul3A = arith.constant 2.000000e-01 : f32
    %mul3A_43 = vector.broadcast %mul3A : f32 to vector<2000x128xf32>
    %mul3A_44 = arith.mulf %mul3A_43, %add3A_40 : vector<2000x128xf32>
    %select_n3A = arith.select %ge3A_42, %add3A_40, %mul3A_44 : vector<2000x128xi1>, vector<2000x128xf32>
    %swap3A = arith.constant 0 : index
    %swap3A_45 = arith.constant 0 : index
    %swap3A_46 = vector.load %arg8[%swap3A, %swap3A_45] : memref<2000x128xf32, #tpu.memory_space<vmem>>, vector<2000x128xf32>
    tpu.vector_store %arg8[%swap3A, %swap3A_45], %select_n3A {strides = array<i32>} : memref<2000x128xf32, #tpu.memory_space<vmem>>, vector<2000x128xf32>,
    %get3A_47 = arith.constant 0 : index
    %get3A_48 = arith.constant 0 : index
    %get3A_49 = vector.load %arg7[%get3A_47, %get3A_48] : memref<64x128xf32, #tpu.memory_space<vmem>>, vector<64x128xf32>
    %dot_general3A_50 = arith.constant dense<0.000000e+00> : vector<2000x64xf32>
    %dot_general3A_51 = tpu.matmul %select_n3A, %get3A_49, %dot_general3A_50 {dimension_numbers = #tpu.dot_dimension_numbers<[1], [1], [0], [0], [0, 0, 1, 0], [], []>, transpose_lhs_hint = false} : vector<2000x128xf32>, vector<64x128xf32>, vector<2000x64xf32> -> vector<2000x64xf32>
    %swap3A_52 = arith.constant 0 : index
    %swap3A_53 = arith.constant 0 : index
    %swap3A_54 = vector.load %arg9[%swap3A_52, %swap3A_53] : memref<2000x64xf32, #tpu.memory_space<vmem>>, vector<2000x64xf32>
    tpu.vector_store %arg9[%swap3A_52, %swap3A_53], %dot_general3A_51 {strides = array<i32>} : memref<2000x64xf32, #tpu.memory_space<vmem>>, vector<2000x64xf32>,
    return
  }
  func.func @transform_0(%arg0: i32) -> (i32, i32) {
    %c0_i32 = arith.constant 0 : i32
    %c0_i32_0 = arith.constant 0 : i32
    return %arg0, %c0_i32 : i32, i32
  }
  func.func @transform_1(%arg0: i32) -> (i32, i32, i32) {
    %c0_i32 = arith.constant 0 : i32
    %c0_i32_0 = arith.constant 0 : i32
    %c0_i32_1 = arith.constant 0 : i32
    return %c0_i32, %arg0, %c0_i32_0 : i32, i32, i32
  }
  func.func @transform_2(%arg0: i32) -> (i32, i32, i32) {
    %c0_i32 = arith.constant 0 : i32
    %c0_i32_0 = arith.constant 0 : i32
    %c0_i32_1 = arith.constant 0 : i32
    return %c0_i32, %arg0, %c0_i32_0 : i32, i32, i32
  }
  func.func @transform_3(%arg0: i32) -> (i32, i32) {
    %c0_i32 = arith.constant 0 : i32
    %c0_i32_0 = arith.constant 0 : i32
    %c0_i32_1 = arith.constant 0 : i32
    return %c0_i32, %c0_i32_0 : i32, i32
  }
  func.func @transform_4(%arg0: i32) -> (i32, i32) {
    %c0_i32 = arith.constant 0 : i32
    %c0_i32_0 = arith.constant 0 : i32
    %c0_i32_1 = arith.constant 0 : i32
    return %c0_i32, %c0_i32_0 : i32, i32
  }
  func.func @transform_5(%arg0: i32) -> (i32, i32) {
    %c0_i32 = arith.constant 0 : i32
    %c0_i32_0 = arith.constant 0 : i32
    %c0_i32_1 = arith.constant 0 : i32
    return %c0_i32, %c0_i32_0 : i32, i32
  }
  func.func @transform_6(%arg0: i32) -> (i32, i32) {
    %c0_i32 = arith.constant 0 : i32
    %c0_i32_0 = arith.constant 0 : i32
    %c0_i32_1 = arith.constant 0 : i32
    return %c0_i32, %c0_i32_0 : i32, i32
  }
  func.func @transform_7(%arg0: i32) -> (i32, i32) {
    %c0_i32 = arith.constant 0 : i32
    %c0_i32_0 = arith.constant 0 : i32
    return %arg0, %c0_i32 : i32, i32
  }
  func.func @transform_8(%arg0: i32) -> (i32, i32) {
    %c0_i32 = arith.constant 0 : i32
    %c0_i32_0 = arith.constant 0 : i32
    return %arg0, %c0_i32 : i32, i32
  }
}

module attributes {stable_mosaic.version = 14 : i64} {
  func.func @_layer2_body(%arg0: i32, %arg1: memref<2000x128xf32, #tpu.memory_space<vmem>>, %arg2: memref<2x2000x128xf32, #tpu.memory_space<vmem>>, %arg3: memref<2x2000x128xf32, #tpu.memory_space<vmem>>, %arg4: memref<64x128xf32, #tpu.memory_space<vmem>>, %arg5: memref<1x64xf32, #tpu.memory_space<vmem>>, %arg6: memref<2000x64xf32, #tpu.memory_space<vmem>>) attributes {dimension_semantics = [#tpu.dimension_semantics<arbitrary>], iteration_bounds = array<i64: 5>, scalar_prefetch = 0 : i64, scratch_operands = 0 : i64, tpu.core_type = #tpu.core_type<tc>, window_params = [{transform_indices = @transform_0, window_bounds = array<i64: 2000, 128>}, {transform_indices = @transform_1, window_bounds = array<i64: 2, 2000, 128>}, {transform_indices = @transform_2, window_bounds = array<i64: 2, 2000, 128>}, {pipeline_mode = #tpu.pipeline_mode<synchronous>, transform_indices = @transform_3, window_bounds = array<i64: 64, 128>}, {pipeline_mode = #tpu.pipeline_mode<synchronous>, transform_indices = @transform_4, window_bounds = array<i64: 1, 64>}, {transform_indices = @transform_5, window_bounds = array<i64: 2000, 64>}]} {
    %get3A = arith.constant 0 : index
    %get3A_0 = arith.constant 0 : index
    %get3A_1 = arith.constant 0 : index
    %get3A_2 = vector.load %arg2[%get3A, %get3A_0, %get3A_1] : memref<2x2000x128xf32, #tpu.memory_space<vmem>>, vector<1x2000x64xf32>
    %get3A_3 = vector.shape_cast %get3A_2 : vector<1x2000x64xf32> to vector<2000x64xf32>
    %get3A_4 = arith.constant 1 : index
    %get3A_5 = arith.constant 0 : index
    %get3A_6 = arith.constant 0 : index
    %get3A_7 = vector.load %arg2[%get3A_4, %get3A_5, %get3A_6] : memref<2x2000x128xf32, #tpu.memory_space<vmem>>, vector<1x2000x64xf32>
    %get3A_8 = vector.shape_cast %get3A_7 : vector<1x2000x64xf32> to vector<2000x64xf32>
    %add3A = arith.addf %get3A_3, %get3A_8 : vector<2000x64xf32>
    %get3A_9 = arith.constant 0 : index
    %get3A_10 = arith.constant 0 : index
    %get3A_11 = arith.constant 0 : index
    %get3A_12 = vector.load %arg3[%get3A_9, %get3A_10, %get3A_11] : memref<2x2000x128xf32, #tpu.memory_space<vmem>>, vector<1x2000x1xf32>
    %get3A_13 = vector.shape_cast %get3A_12 : vector<1x2000x1xf32> to vector<2000x1xf32>
    %get3A_14 = arith.constant 1 : index
    %get3A_15 = arith.constant 0 : index
    %get3A_16 = arith.constant 0 : index
    %get3A_17 = vector.load %arg3[%get3A_14, %get3A_15, %get3A_16] : memref<2x2000x128xf32, #tpu.memory_space<vmem>>, vector<1x2000x1xf32>
    %get3A_18 = vector.shape_cast %get3A_17 : vector<1x2000x1xf32> to vector<2000x1xf32>
    %add3A_19 = arith.addf %get3A_13, %get3A_18 : vector<2000x1xf32>
    %get3A_20 = arith.constant 0 : index
    %get3A_21 = arith.constant 0 : index
    %get3A_22 = vector.load %arg1[%get3A_20, %get3A_21] : memref<2000x128xf32, #tpu.memory_space<vmem>>, vector<2000x128xf32>
    %get3A_23 = arith.constant 0 : index
    %get3A_24 = arith.constant 0 : index
    %get3A_25 = vector.load %arg4[%get3A_23, %get3A_24] : memref<64x128xf32, #tpu.memory_space<vmem>>, vector<64x128xf32>
    %dot_general3A = arith.constant dense<0.000000e+00> : vector<2000x64xf32>
    %dot_general3A_26 = tpu.matmul %get3A_22, %get3A_25, %dot_general3A {dimension_numbers = #tpu.dot_dimension_numbers<[1], [1], [0], [0], [0, 0, 1, 0], [], []>, transpose_lhs_hint = false} : vector<2000x128xf32>, vector<64x128xf32>, vector<2000x64xf32> -> vector<2000x64xf32>
    %max3A = arith.constant 1.000000e+00 : f32
    %max3A_27 = vector.broadcast %max3A : f32 to vector<2000x1xf32>
    %max3A_28 = arith.maximumf %add3A_19, %max3A_27 : vector<2000x1xf32>
    %div3A = vector.broadcast %max3A_28 : vector<2000x1xf32> to vector<2000x64xf32>
    %div3A_29 = arith.divf %add3A, %div3A : vector<2000x64xf32>
    %add3A_30 = arith.addf %dot_general3A_26, %div3A_29 : vector<2000x64xf32>
    %get3A_31 = arith.constant 0 : index
    %get3A_32 = arith.constant 0 : index
    %get3A_33 = vector.load %arg5[%get3A_31, %get3A_32] : memref<1x64xf32, #tpu.memory_space<vmem>>, vector<1x64xf32>
    %add3A_34 = vector.broadcast %get3A_33 : vector<1x64xf32> to vector<2000x64xf32>
    %add3A_35 = arith.addf %add3A_30, %add3A_34 : vector<2000x64xf32>
    %reduce_max3A = arith.constant dense<0xFF800000> : vector<2000xf32>
    %reduce_max3A_36 = vector.multi_reduction <maximumf>, %add3A_35, %reduce_max3A [1] : vector<2000x64xf32> to vector<2000xf32>
    %broadcast_in_dim3A = vector.shape_cast %reduce_max3A_36 : vector<2000xf32> to vector<2000x1xf32>
    %sub3A = vector.broadcast %broadcast_in_dim3A : vector<2000x1xf32> to vector<2000x64xf32>
    %sub3A_37 = arith.subf %add3A_35, %sub3A : vector<2000x64xf32>
    %exp3A = math.exp %sub3A_37 : vector<2000x64xf32>
    %reduce_sum3A = arith.constant dense<0.000000e+00> : vector<2000xf32>
    %reduce_sum3A_38 = vector.multi_reduction <add>, %exp3A, %reduce_sum3A [1] : vector<2000x64xf32> to vector<2000xf32>
    %broadcast_in_dim3A_39 = vector.shape_cast %reduce_sum3A_38 : vector<2000xf32> to vector<2000x1xf32>
    %log3A = math.log %broadcast_in_dim3A_39 : vector<2000x1xf32>
    %sub3A_40 = vector.broadcast %log3A : vector<2000x1xf32> to vector<2000x64xf32>
    %sub3A_41 = arith.subf %sub3A_37, %sub3A_40 : vector<2000x64xf32>
    %swap3A = arith.constant 0 : index
    %swap3A_42 = arith.constant 0 : index
    %swap3A_43 = vector.load %arg6[%swap3A, %swap3A_42] : memref<2000x64xf32, #tpu.memory_space<vmem>>, vector<2000x64xf32>
    tpu.vector_store %arg6[%swap3A, %swap3A_42], %sub3A_41 {strides = array<i32>} : memref<2000x64xf32, #tpu.memory_space<vmem>>, vector<2000x64xf32>,
    return
  }
  func.func @transform_0(%arg0: i32) -> (i32, i32) {
    %c0_i32 = arith.constant 0 : i32
    %c0_i32_0 = arith.constant 0 : i32
    return %arg0, %c0_i32 : i32, i32
  }
  func.func @transform_1(%arg0: i32) -> (i32, i32, i32) {
    %c0_i32 = arith.constant 0 : i32
    %c0_i32_0 = arith.constant 0 : i32
    %c0_i32_1 = arith.constant 0 : i32
    return %c0_i32, %arg0, %c0_i32_0 : i32, i32, i32
  }
  func.func @transform_2(%arg0: i32) -> (i32, i32, i32) {
    %c0_i32 = arith.constant 0 : i32
    %c0_i32_0 = arith.constant 0 : i32
    %c0_i32_1 = arith.constant 0 : i32
    return %c0_i32, %arg0, %c0_i32_0 : i32, i32, i32
  }
  func.func @transform_3(%arg0: i32) -> (i32, i32) {
    %c0_i32 = arith.constant 0 : i32
    %c0_i32_0 = arith.constant 0 : i32
    %c0_i32_1 = arith.constant 0 : i32
    return %c0_i32, %c0_i32_0 : i32, i32
  }
  func.func @transform_4(%arg0: i32) -> (i32, i32) {
    %c0_i32 = arith.constant 0 : i32
    %c0_i32_0 = arith.constant 0 : i32
    %c0_i32_1 = arith.constant 0 : i32
    return %c0_i32, %c0_i32_0 : i32, i32
  }
  func.func @transform_5(%arg0: i32) -> (i32, i32) {
    %c0_i32 = arith.constant 0 : i32
    %c0_i32_0 = arith.constant 0 : i32
    return %arg0, %c0_i32 : i32, i32
  }
}

</mosaic_0001>

<sc_bundles>
// kernel: kernel.11.cloned.1.call-start
scs
__scs_entry_jumppad:
0x0: {  	(pc) =	sbr.rel $0x88, $3  }
0x1: {  	(tag) =	ssettag $0x0;
	lr =	simm.s32 $0x1  }
0x2: {  	[smem:$0x3F97] =	sst lr;
	_ =	strace $0xD0000000  }
0x3: {  	_ = 	snop  }
0x4: {  	_ = 	snop  }
0x5: {  	_ = 	snop  }
0x6: {  	_ = 	snop  }
0x7: {  	_ = 	snop  }
__scs_overlays_trampoline_lowered:
0x8: {  	[smem:$0x3FA6] =	sst s0  }
0x9: {  	[smem:$0x3FA7] =	sst s1  }
0xa: {  	[smem:$0x3FA8] =	sst s2  }
0xb: {  	[smem:$0x3FA9] =	sst s3  }
0xc: {  	[smem:$0x3FAA] =	sst s4  }
0xd: {  	[smem:$0x3FAB] =	sst s5  }
0xe: {  	[smem:$0x3FAC] =	sst s6  }
0xf: {  	[smem:$0x3FAD] =	sst s7  }
0x10: {  	[smem:$0x3FAE] =	sst s8  }
0x11: {  	[smem:$0x3FAF] =	sst s9;
	s0 =	simm.s32 @!p0 $0x0  }
0x12: {  	s1 =	sld [smem:$0x3F95];
	s0 =	simm.s32 @p0 $0x1  }
0x13: {  	[smem:$0x3FB0] =	sst s0;
	s0 =	simm.s32 @!p1 $0x0  }
0x14: {  	s2 =	sld [smem:$0x3F94];
	s0 =	simm.s32 @p1 $0x1  }
0x15: {  	[smem:$0x3FB1] =	sst s0;
	s0 =	simm.s32 @!p2 $0x0  }
0x16: {  	s3 =	sld [smem:$0x3FDB];
	s0 =	simm.s32 @p2 $0x1  }
0x17: {  	s4 =	simm.s32 $0x1BF5;
	[smem:$0x3FB3] =	sst s0  }
0x18: {  	s0 =	sld [smem:$0x3F96];
	_ =	swait.ge [sflag:s4], $0x0  }
0x19: {  	s7 =	sld [smem:$0x3F97]  }
0x1a: {  	s8 =	sadd.s32 $0xFFFFE003, lr  }
0x1b: {  	s9 =	sadd.s32 $0xFFFFFEF7, lr;
	s5 =	simm.s32 $0xFFFFFFFF;
	p2 =	slt.u32 s8, $0xFFFFF086  }
0x1c: {  	p1 =	slt.u32 s9, $0xF7A;
	s5 =	simm.s32 @!p2 $0x0  }
0x1d: {  	s5 =	simm.s32 @p1 $0x1;
	p0 =	seq.s32 s7, s2  }
0x1e: {  	s7 =	smul.u32 @!p0 $0xF7A, s2;
	p2 =	seq.s32 @!p0 s5, $0x0  }
0x1f: {  	s9 =	smul.u32 $0xF7A, s1;
	s8 =	simm.s32 @!p0 $0x1BF5;
	p2 =	por !p2, p0  }
0x20: {  	[sflag:s8] =	ssyncset.s32 @!p0 $0xFFFFF086;
	s6 =	sadd.s32 @!p0 s3, s7;
	s7 =	simm.s32 @!p0 $0x108  }
0x21: {  	s3 =	sadd.s32 s3, s9;
	s6 =	sadd.s32 @!p0 $0x88, s6;
	s7 =	simm.s32 @p2 $0x1082  }
0x22: {  	[simem:s7], [sflag:s8] =	dma.local @!p0 [hbm:s6], $0xF7A  }
0x23: {  	s9 =	sor.u32 $0xD0000000, s2;
	s6 =	simm.s32 $0x108;
	_ =	swait.ge @!p0 [sflag:s8], $0x0  }
0x24: {  	s3 =	sadd.s32 $0x88, s3;
	s6 =	simm.s32 @!p1 $0x1082;
	[sflag:s4] =	ssyncset.s32 $0xFFFFF086  }
0x25: {  	[simem:s6], [sflag:s4] =	dma.local [hbm:s3], $0xF7A  }
0x26: {  	[smem:$0x3F97] =	sst s1;
	(tag) =	ssettag s2;
	_ =	strace s9  }
0x27: {  	s1 =	sld [smem:$0x3FA7]  }
0x28: {  	s2 =	sld [smem:$0x3FA8]  }
0x29: {  	s4 =	sld [smem:$0x3FAA]  }
0x2a: {  	p0 =	seq.s32 s5, $0x0;
	s5 =	sld [smem:$0x3FAB]  }
0x2b: {  	s6 =	sld [smem:$0x3FAC]  }
0x2c: {  	s7 =	sld [smem:$0x3FAD]  }
0x2d: {  	s3 =	simm.s32 $0x108;
	s8 =	sld [smem:$0x3FAE]  }
0x2e: {  	s3 =	simm.s32 @!p0 $0x1082;
	s9 =	sld [smem:$0x3FAF]  }
0x2f: {  	lr =	sadd.s32 s0, s3;
	s0 =	sld [smem:$0x3FA6]  }
0x30: {  	s3 =	sld [smem:$0x3FA9]  }
0x31: {  	[smem:$0x3FB2] =	sst s10  }
0x32: {  	s10 =	sld [smem:$0x3FB0];
	_ =	sdelay $0x3  }
0x33: {  	p0 =	seq.s32 s10, $0x1;
	s10 =	sld [smem:$0x3FB2];
	_ =	sdelay $0x3  }
0x34: {  	[smem:$0x3FB2] =	sst s10  }
0x35: {  	s10 =	sld [smem:$0x3FB1];
	_ =	sdelay $0x3  }
0x36: {  	p1 =	seq.s32 s10, $0x1;
	s10 =	sld [smem:$0x3FB2];
	_ =	sdelay $0x3  }
0x37: {  	[smem:$0x3FB2] =	sst s10  }
0x38: {  	s10 =	sld [smem:$0x3FB3]  }
0x39: {  	_ = 	snop;
	(pc) =	sbr.ind lr, $3  }
0x3a: {  	_ = 	snop  }
0x3b: {  	_ = 	snop  }
0x3c: {  	p2 =	seq.s32 s10, $0x1;
	s10 =	sld [smem:$0x3FB2]  }
0x3d: {  	_ =	shalt  }
0x3e: {  	_ =	shalt  }
0x3f: {  	_ =	shalt  }
0x40: {  	_ =	shalt  }
0x41: {  	_ =	shalt  }
0x42: {  	_ =	shalt  }
0x43: {  	_ =	shalt  }
0x44: {  	_ =	shalt  }
0x45: {  	_ =	shalt  }
0x46: {  	_ =	shalt  }
0x47: {  	_ =	shalt  }
0x48: {  	_ =	shalt  }
0x49: {  	_ =	shalt  }
0x4a: {  	_ =	shalt  }
0x4b: {  	_ =	shalt  }
0x4c: {  	_ =	shalt  }
0x4d: {  	_ =	shalt  }
0x4e: {  	_ =	shalt  }
0x4f: {  	_ =	shalt  }
0x50: {  	_ =	shalt  }
0x51: {  	_ =	shalt  }
0x52: {  	_ =	shalt  }
0x53: {  	_ =	shalt  }
0x54: {  	_ =	shalt  }
0x55: {  	_ =	shalt  }
0x56: {  	_ =	shalt  }
0x57: {  	_ =	shalt  }
0x58: {  	_ =	shalt  }
0x59: {  	_ =	shalt  }
0x5a: {  	_ =	shalt  }
0x5b: {  	_ =	shalt  }
0x5c: {  	_ =	shalt  }
0x5d: {  	_ =	shalt  }
0x5e: {  	_ =	shalt  }
0x5f: {  	_ =	shalt  }
0x60: {  	_ =	shalt  }
0x61: {  	_ =	shalt  }
0x62: {  	_ =	shalt  }
0x63: {  	_ =	shalt  }
0x64: {  	_ =	shalt  }
0x65: {  	_ =	shalt  }
0x66: {  	_ =	shalt  }
0x67: {  	_ =	shalt  }
0x68: {  	_ =	shalt  }
0x69: {  	_ =	shalt  }
0x6a: {  	_ =	shalt  }
0x6b: {  	_ =	shalt  }
0x6c: {  	_ =	shalt  }
0x6d: {  	_ =	shalt  }
0x6e: {  	_ =	shalt  }
0x6f: {  	_ =	shalt  }
0x70: {  	_ =	shalt  }
0x71: {  	_ =	shalt  }
0x72: {  	_ =	shalt  }
0x73: {  	_ =	shalt  }
0x74: {  	_ =	shalt  }
0x75: {  	_ =	shalt  }
0x76: {  	_ =	shalt  }
0x77: {  	_ =	shalt  }
0x78: {  	_ =	shalt  }
0x79: {  	_ =	shalt  }
0x7a: {  	_ =	shalt  }
0x7b: {  	_ =	shalt  }
0x7c: {  	_ =	shalt  }
0x7d: {  	_ =	shalt  }
0x7e: {  	_ =	shalt  }
0x7f: {  	_ =	shalt  }
0x80: {  	_ =	shalt  }
0x81: {  	_ =	shalt  }
0x82: {  	_ =	shalt  }
0x83: {  	_ =	shalt  }
0x84: {  	_ =	shalt  }
0x85: {  	_ =	shalt  }
0x86: {  	_ =	shalt  }
0x87: {  	_ =	shalt  }
.Lfunc_end0:
.L_simem_size_0:
called_computation.1_lowered:
.L_overlay_start_0:
0x88: {  	s2 =	sld [smem:$0x3FD9]  }
0x89: {  	s3 =	sld [smem:$0x3FFE];
	_ =	sdelay $0x1  }
0x8a: {  	s1 =	srdreg.scid  }
0x8b: {  	s0 =	sand.u32 $0x1, s1  }
0x8c: {  	s17 =	sshll.u32 s0, $0xA;
	s2 =	sadd.s32 s3, s2  }
0x8d: {  	s2 =	sadd.s32 s2, s17  }
0x8e: {  	[smem:$0x3FBE] =	sst s2  }
0x8f: {  	_ = 	snop  }
0x90: {  	s2 =	sld [smem:$0x3FD0];
	(tm) =	ssettm $0x1  }
0x91: {  	s18 =	sld [smem:$0x3FFB];
	_ =	sdelay $0x3  }
0x92: {  	_ =	strace s18  }
0x93: {  	s3 =	sld [smem:$0x3FFC];
	_ =	sdelay $0x3  }
0x94: {  	_ =	strace s3  }
0x95: {  	s3 =	sld [smem:$0x3FFD];
	_ =	sdelay $0x3  }
0x96: {  	_ =	strace s3  }
0x97: {  	_ =	strace $0x8FFFFFFF  }
0x98: {  	s19 =	sld [smem:$0x3FDB];
	_ =	sdelay $0x1  }
0x99: {  	s4 =	simm.s32 $_scs_section_size  }
0x9a: {  	s5 =	simm.s32 $_size__tile_overlayer_lowered;
	s6 =	simm.s32 $_tile_overlayer_lowered  }
0x9b: {  	s22 =	simm.s32 $0x1BFF;
	s21 =	sshll.u32 s6, $0x1;
	s3 =	sadd.s32 s4, s19  }
0x9c: {  	s7 =	simm.s32 $0x0;
	s20 =	sshll.u32 s5, $0x1;
	s5 =	sadd.s32 s21, s3  }
0x9d: {  	[timem:s7], [sflag:s22] =	dma.local [hbm:s5], s20  }
0x9e: {  	_ =	swait.ge [sflag:s22], s20  }
0x9f: {  	s4 =	ssub.s32 $0x0, s20;
	[sflag:s22] =	ssyncset.done $0x0  }
0xa0: {  	[sflag:s22] =	ssyncadd.s32 s4;
	_ =	sdelay $0x1  }
0xa1: {  	s23 =	simm.s32 $0x1B8B  }
0xa2: {  	_ =	swait.ge [sflag:s23], $0x1  }
0xa3: {  	[sflag:s23] =	ssyncset.done $0x0  }
0xa4: {  	s25 =	simm.s32 $0x1B8E;
	s24 =	sld [smem:$0x3FFE];
	[sflag:s23] =	ssyncadd.s32 $0xFFFFFFFF  }
0xa5: {  	s26 =	simm.s32 $execute0_lowered;
	[smem:$0x3FD2] =	sst s25  }
0xa6: {  	s5 =	sshll.u32 s26, $0x1;
	_ =	strace $0x80000049;
	[dreg:$0x1] =	wrdreg $0xFFFFFFFF  }
0xa7: {  	s28 =	simm.s32 $_size_execute0_lowered;
	s3 =	sadd.s32 s3, s5;
	[dreg:$0x0] =	wrdreg $0x0  }
0xa8: {  	s5 =	sshll.u32 s28, $0x1;
	[dreg:$0x2] =	wrdreg s3  }
0xa9: {  	[dreg:$0x3] =	wrdreg s5  }
0xaa: {  	[dreg:$0x4] =	wrdreg $0xC0  }
0xab: {  	_ =	task [dreg:s7], $0x5FFFF  }
0xac: {  	[dreg:$0x1] =	wrdreg $0xFFFFFFFF  }
0xad: {  	[dreg:$0x0] =	wrdreg $0x60  }
0xae: {  	[dreg:$0x2] =	wrdreg s2  }
0xaf: {  	[dreg:$0x3] =	wrdreg s24  }
0xb0: {  	[dreg:$0x4] =	wrdreg $0x87200  }
0xb1: {  	[dreg:$0x5] =	wrdreg $0x9  }
0xb2: {  	_ =	task.clear_ibuf [dreg:s7], $0x6FFFF;
	_ =	strace $0x90000049  }
0xb3: {  	s29 =	simm.s32 $0x9;
	_ =	strace $0x8000004B  }
0xb4: {  	_ =	swait.ge [sflag:s29], $0x1  }
0xb5: {  	[sflag:s29] =	ssyncadd.s32 $0xFFFFFFFF  }
0xb6: {  	_ =	strace $0x9000004B  }
0xb7: {  	_ =	sfence  }
0xb8: {  	s30 =	sld [smem:$0x0];
	_ =	sdelay $0x2  }
0xb9: {  	s31 =	sshll.u32 s1, $0xD;
	s1 =	sshrl.u32 s1, $0x2  }
0xba: {  	s3 =	sand.u32 $0x4000, s31;
	s1 =	sadd.s32 s1, s30  }
0xbb: {  	s0 =	sor.u32 s3, s0;
	s1 =	sshll.u32 s1, $0x11  }
0xbc: {  	s0 =	sor.u32 s1, s0  }
0xbd: {  	s0 =	sadd.s32 $0x8F2B, s0  }
0xbe: {  	[sflag:s0] =	ssyncadd.remote.s32 $0x1  }
0xbf: {  	_ =	sfence.sel $0xFFFF  }
0xc0: {  	[dreg:$0x0] =	wrdreg $0xFFFFFFFF;
	(pc) =	sbr.abs _section_cstart, $3  }
0xc1: {  	[dreg:$0x1] =	wrdreg $0xFFFFFFFF  }
0xc2: {  	_ =	task.clear_ibuf [dreg:s7], $0x2FFFF;
	_ =	strace $0x9FFFFFFF  }
0xc3: {  	(tm) =	ssettm $0x7FFFFFFF  }
tec
execute0_lowered:
.L_overlay_start_1:
0x0: {  	(tag) =	ssettag $0x1  }
0x1: {  	s1 =	rddreg [dreg:$0x0]  }
0x2: {  	s0 =	rddreg [dreg:$0x1]  }
0x3: {  	s2 =	rddreg [dreg:$0x2]  }
0x4: {  	s3 =	simm.s32 $0x0;
	s4 =	srdreg.scid;
	s13 =	stileid.u32  }
0x5: {  	s18 =	simm.s32 $0x2720;
	s17 =	simm.s32 $0x100;
	s29 =	simm.s32 $0x2  }
0x6: {  	s30 =	simm.s32 $0x1410;
	s31 =	simm.s32 $0x5;
	[smem:$0x7FF] =	sst s3  }
0x7: {  	s6 =	sadd.s32 $0x3400, s0;
	s4 =	sand.u32 $0x1, s4;
	s8 =	smul.u32 $0x27000, s13  }
0x8: {  	s7 =	sadd.s32 $0xD200, s0;
	s0 =	sadd.s32 $0x17000, s0;
	s11 =	smul.u32 $0x2700, s13  }
0x9: {  	p0 =	sne.s32 s13, $0x0;
	_ =	strace $0x8000004A;
	s12 =	smul.u32 $0x138800, s4  }
0xa: {  	s5 =	ssub.s32 $0x2, s4;
	s10 =	sshll.u32 s4, $0x4;
	s4 =	smul.u32 $0x27100, s4  }
0xb: {  	s9 =	sshrl.u32 s5, $0x1;
	s10 =	sor.u32 s13, s10;
	s8 =	sshrl.u32 s8, $0x2  }
0xc: {  	s13 =	simm.s32 $0x10;
	s9 =	ssub.s32 s5, s9;
	s5 =	sadd.s32 s8, s2  }
0xd: {  	s19 =	smul.u32 $0x2710, s10;
	s10 =	sadd.s32 $0x9C000, s2;
	s12 =	sshrl.u32 s12, $0x3  }
0xe: {  	s4 =	sadd.s32 s11, s4;
	s11 =	simm.s32 $0x2610;
	s20 =	sadd.s32 $0x2000, s5  }
0xf: {  	s21 =	sadd.s32 $0x4000, s5;
	s22 =	sadd.s32 $0x6000, s5;
	[dreg:$0x4] =	wrdreg s20  }
0x10: {  	s23 =	sadd.s32 $0x8000, s5;
	s25 =	sadd.s32 s0, s12;
	[dreg:$0x5] =	wrdreg s21  }
0x11: {  	s0 =	sadd.s32 s0, s4;
	s28 =	smax.u32 s9, $0x1;
	[dreg:$0x6] =	wrdreg s22  }
0x12: {  	s4 =	simm.s32 $0x3;
	s9 =	simm.s32 $0x2590;
	[dreg:$0x7] =	wrdreg s23  }
0x13: {  	s12 =	simm.s32 $0x2690;
	s8 =	sshrl.u32 s19, $0x3;
	[dreg:$0xc] =	wrdreg s0  }
0x14: {  	s26 =	sadd.s32 $0x27000, s25;
	[dreg:$0xe] =	wrdreg s28;
	s19 =	simm.s32 $0x1  }
0x15: {  	s20 =	simm.s32 $0x7;
	s21 =	simm.s32 $0x1390;
	s22 =	simm.s32 $0x80  }
0x16: {  	s23 =	simm.s32 $0x4720;
	s25 =	simm.s32 $0x6720;
	s0 =	simm.s32 $0x200  }
0x17: {  	s14 =	sadd.s32 s6, s8;
	s24 =	sadd.s32 s7, s8;
	[dreg:$0xd] =	wrdreg s26  }
0x18: {  	s8 =	sadd.s32 $0x270, s8;
	s26 =	simm.s32 $0x4;
	[dreg:$0x8] =	wrdreg s14  }
0x19: {  	[dreg:$0x9] =	wrdreg s24;
	s6 =	sadd.s32 s6, s8;
	s7 =	sadd.s32 s7, s8  }
0x1a: {  	s24 =	simm.s32 $0x180;
	s8 =	simm.s32 $0x1300;
	[dreg:$0xa] =	wrdreg s6  }
0x1b: {  	v0 =	vimm.f32 $0.0e+00;
	[dreg:$0xb] =	wrdreg s7;
	s6 =	simm.s32 $0x1490;
	s7 =	simm.s32 $0x6  }
.LBB2_1:
0x1c: {  	s15 =	simm.s32 $0x100;
	s14 =	simm.s32 $0x0  }
.LBB2_2:
0x1d: {  	p1 =	sne.s32 s15, $0x7F00;
	[tilespmem:s14+$0x2750] =	vst v0;
	s16 =	smov.u32 s15;
	s15 =	sadd.s32 $0x100, s15  }
.Ltmp0:
0x1e: {  	[tilespmem:s14+$0x2740] =	vst v0;
	(pc) =	sbr.rel @p1 .LBB2_2-.Ltmp0, $3  }
0x1f: {  	[tilespmem:s14+$0x2720] =	vst v0  }
0x20: {  	[tilespmem:s14+$0x2730] =	vst v0;
	_ =	sdelay $0x1  }
0x21: {  	s14 =	sshra.s32 s16, $0x2  }
0x22: {  	[tilespmem:s14+$0x2750] =	vst v0  }
0x23: {  	[tilespmem:s14+$0x2740] =	vst v0  }
0x24: {  	[tilespmem:s14+$0x2720] =	vst v0  }
0x25: {  	[tilespmem:s14+$0x2730] =	vst v0  }
0x26: {  	[spmem:s5] =	stream.linear.scatter [tilespmem:s18], [sflag:$0x1], $0x2000, $0x38;
	[tilespmem:$0x12360] =	vst v63  }
0x27: {  	s15 =	rddreg [dreg:$0x4]  }
0x28: {  	[spmem:s15] =	stream.linear.scatter [tilespmem:s18], [sflag:$0x1], $0x2000, $0x38;
	[tilespmem:$0x12360] =	vst v63  }
0x29: {  	s16 =	rddreg [dreg:$0x5]  }
0x2a: {  	[spmem:s16] =	stream.linear.scatter [tilespmem:s18], [sflag:$0x1], $0x2000, $0x38;
	[tilespmem:$0x12360] =	vst v63  }
0x2b: {  	s28 =	rddreg [dreg:$0x6]  }
0x2c: {  	[spmem:s28] =	stream.linear.scatter [tilespmem:s18], [sflag:$0x1], $0x2000, $0x38;
	[tilespmem:$0x12360] =	vst v63  }
0x2d: {  	s15 =	rddreg [dreg:$0x7]  }
0x2e: {  	[spmem:s15] =	stream.linear.scatter [tilespmem:s18], [sflag:$0x1], $0x1C00, $0x38;
	[tilespmem:$0x12360] =	vst v63  }
0x2f: {  	s14 =	simm.s32 @!p0 $0x2720  }
0x30: {  	[spmem:s10] =	stream.linear.scatter @!p0 [tilespmem:s14], [sflag:$0x1], $0x400, $0x38;
	[tilespmem:$0x12360] =	vst v63  }
0x31: {  	_ =	swait.ge [sflag:s19], $0x2000  }
0x32: {  	[sflag:s19] =	ssyncset.done $0x0  }
0x33: {  	[sflag:s19] =	ssyncadd.s32 $0xFFFFE000  }
0x34: {  	_ =	swait.ge [sflag:s19], $0x2000  }
0x35: {  	[sflag:s19] =	ssyncset.done $0x0  }
0x36: {  	[sflag:s19] =	ssyncadd.s32 $0xFFFFE000  }
0x37: {  	_ =	swait.ge [sflag:s19], $0x2000  }
0x38: {  	[sflag:s19] =	ssyncset.done $0x0  }
0x39: {  	[sflag:s19] =	ssyncadd.s32 $0xFFFFE000  }
0x3a: {  	_ =	swait.ge [sflag:s19], $0x2000  }
0x3b: {  	[sflag:s19] =	ssyncset.done $0x0  }
0x3c: {  	[sflag:s19] =	ssyncadd.s32 $0xFFFFE000  }
0x3d: {  	_ =	swait.ge [sflag:s19], $0x1C00  }
0x3e: {  	[sflag:s19] =	ssyncset.done $0x0  }
0x3f: {  	s14 =	simm.s32 @!p0 $0x1;
	[sflag:s19] =	ssyncadd.s32 $0xFFFFE400  }
0x40: {  	_ =	swait.ge @!p0 [sflag:s14], $0x400  }
0x41: {  	[sflag:s14] =	ssyncset.done @!p0 $0x0  }
0x42: {  	[sflag:s14] =	ssyncadd.s32 @!p0 $0xFFFFFC00  }
0x43: {  	[bflag:$0x0] =	sbarrier.arrive $0xFFFF  }
0x44: {  	s16 =	simm.s32 $0x0;
	s15 =	rddreg [dreg:$0x8]  }
0x45: {  	[tilespmem:s16], [sflag:$0x7] =	stream.linear.gather [hbm4b:s15+s16], $0x1380, $0x38;
	[tilespmem:$0x12360] =	vst v63  }
0x46: {  	_ =	swait.ge [sflag:s20], $0x1380  }
0x47: {  	[sflag:s20] =	ssyncset.done $0x0  }
0x48: {  	s28 =	rddreg [dreg:$0x9];
	[sflag:s20] =	ssyncadd.s32 $0xFFFFEC80  }
0x49: {  	[tilespmem:s21], [sflag:$0x7] =	stream.linear.gather [hbm4b:s28+s16], $0x1380, $0x38;
	[tilespmem:$0x12360] =	vst v63  }
0x4a: {  	_ =	swait.ge [sflag:s20], $0x1380  }
0x4b: {  	[sflag:s20] =	ssyncset.done $0x0  }
0x4c: {  	[sflag:s20] =	ssyncadd.s32 $0xFFFFEC80  }
0x4d: {  	[tilespmem:s18], [sflag:$0x1] =	stream.indirect.gather [hbm4b:s1+s22], $0x40, s16, s22, $0xb8;
	[tilespmem:$0x12360] =	vst v63  }
0x4e: {  	_ = 	snop  }
0x4f: {  	[tilespmem:s23], [sflag:$0x2] =	stream.indirect.gather [hbm4b:s1+s22], $0x40, s22, s22, $0xb8;
	[tilespmem:$0x12360] =	vst v63  }
0x50: {  	_ = 	snop  }
0x51: {  	[tilespmem:s25], [sflag:$0x3] =	stream.indirect.gather [hbm4b:s1+s22], $0x40, s17, s22, $0xb8;
	[tilespmem:$0x12360] =	vst v63  }
0x52: {  	_ =	swait.ge [sflag:s19], $0x2000  }
0x53: {  	[sflag:s19] =	ssyncset.done $0x0  }
0x54: {  	[sflag:s19] =	ssyncadd.s32 $0xFFFFE000  }
0x55: {  	[spmem:s2] =	stream.indirect.scatter.add.f32 [tilespmem:s18], [sflag:$0x4], $0x40, s21, s22, $0xb8;
	[tilespmem:$0x12360] =	vst v63  }
0x56: {  	_ =	swait.ge [sflag:s26], $0x2000  }
0x57: {  	[sflag:s26] =	ssyncset.done $0x0  }
0x58: {  	[sflag:s26] =	ssyncadd.s32 $0xFFFFE000  }
0x59: {  	[tilespmem:s18], [sflag:$0x1] =	stream.indirect.gather [hbm4b:s1+s22], $0x40, s24, s22, $0xb8;
	[tilespmem:$0x12360] =	vst v63  }
0x5a: {  	_ =	swait.ge [sflag:s29], $0x2000  }
0x5b: {  	[sflag:s29] =	ssyncset.done $0x0  }
0x5c: {  	[sflag:s29] =	ssyncadd.s32 $0xFFFFE000  }
0x5d: {  	[spmem:s2] =	stream.indirect.scatter.add.f32 [tilespmem:s23], [sflag:$0x5], $0x40, s30, s22, $0xb8;
	[tilespmem:$0x12360] =	vst v63  }
0x5e: {  	_ =	swait.ge [sflag:s31], $0x2000  }
0x5f: {  	[sflag:s31] =	ssyncset.done $0x0  }
0x60: {  	[sflag:s31] =	ssyncadd.s32 $0xFFFFE000  }
0x61: {  	[tilespmem:s23], [sflag:$0x2] =	stream.indirect.gather [hbm4b:s1+s22], $0x40, s0, s22, $0xb8;
	[tilespmem:$0x12360] =	vst v63  }
0x62: {  	_ =	swait.ge [sflag:s4], $0x2000  }
0x63: {  	[sflag:s4] =	ssyncset.done $0x0  }
0x64: {  	[sflag:s4] =	ssyncadd.s32 $0xFFFFE000  }
0x65: {  	[spmem:s2] =	stream.indirect.scatter.add.f32 [tilespmem:s25], [sflag:$0x6], $0x40, s6, s22, $0xb8;
	[tilespmem:$0x12360] =	vst v63  }
0x66: {  	_ =	swait.ge [sflag:s7], $0x2000  }
0x67: {  	[sflag:s7] =	ssyncset.done $0x0  }
0x68: {  	s16 =	simm.s32 $0x280;
	[sflag:s7] =	ssyncadd.s32 $0xFFFFE000  }
0x69: {  	[tilespmem:s25], [sflag:$0x3] =	stream.indirect.gather [hbm4b:s1+s22], $0x40, s16, s22, $0xb8;
	[tilespmem:$0x12360] =	vst v63  }
0x6a: {  	_ =	swait.ge [sflag:s19], $0x2000  }
0x6b: {  	[sflag:s19] =	ssyncset.done $0x0  }
0x6c: {  	s28 =	simm.s32 $0x1510;
	[sflag:s19] =	ssyncadd.s32 $0xFFFFE000  }
0x6d: {  	[spmem:s2] =	stream.indirect.scatter.add.f32 [tilespmem:s18], [sflag:$0x4], $0x40, s28, s22, $0xb8;
	[tilespmem:$0x12360] =	vst v63  }
0x6e: {  	_ =	swait.ge [sflag:s26], $0x2000  }
0x6f: {  	[sflag:s26] =	ssyncset.done $0x0  }
0x70: {  	s15 =	simm.s32 $0x300;
	[sflag:s26] =	ssyncadd.s32 $0xFFFFE000  }
0x71: {  	[tilespmem:s18], [sflag:$0x1] =	stream.indirect.gather [hbm4b:s1+s22], $0x40, s15, s22, $0xb8;
	[tilespmem:$0x12360] =	vst v63  }
0x72: {  	_ =	swait.ge [sflag:s29], $0x2000  }
0x73: {  	[sflag:s29] =	ssyncset.done $0x0  }
0x74: {  	s16 =	simm.s32 $0x1590;
	[sflag:s29] =	ssyncadd.s32 $0xFFFFE000  }
0x75: {  	[spmem:s2] =	stream.indirect.scatter.add.f32 [tilespmem:s23], [sflag:$0x5], $0x40, s16, s22, $0xb8;
	[tilespmem:$0x12360] =	vst v63  }
0x76: {  	_ =	swait.ge [sflag:s31], $0x2000  }
0x77: {  	[sflag:s31] =	ssyncset.done $0x0  }
0x78: {  	s28 =	simm.s32 $0x380;
	[sflag:s31] =	ssyncadd.s32 $0xFFFFE000  }
0x79: {  	[tilespmem:s23], [sflag:$0x2] =	stream.indirect.gather [hbm4b:s1+s22], $0x40, s28, s22, $0xb8;
	[tilespmem:$0x12360] =	vst v63  }
0x7a: {  	_ =	swait.ge [sflag:s4], $0x2000  }
0x7b: {  	[sflag:s4] =	ssyncset.done $0x0  }
0x7c: {  	s14 =	simm.s32 $0x600;
	s15 =	simm.s32 $0x1610;
	[sflag:s4] =	ssyncadd.s32 $0xFFFFE000  }
.LBB2_4:
0x7d: {  	[spmem:s2] =	stream.indirect.scatter.add.f32 [tilespmem:s25], [sflag:$0x6], $0x40, s15, s22, $0xb8;
	[tilespmem:$0x12360] =	vst v63  }
0x7e: {  	s15 =	smov.u32 s14  }
0x7f: {  	p1 =	sne.s32 s14, $0x3C00;
	s14 =	sadd.s32 $0x600, s14;
	_ =	swait.ge [sflag:s7], $0x2000  }
0x80: {  	s15 =	sshra.s32 s15, $0x2;
	[sflag:s7] =	ssyncset.done $0x0  }
0x81: {  	s16 =	sadd.s32 $0x280, s15;
	[sflag:s7] =	ssyncadd.s32 $0xFFFFE000  }
0x82: {  	[tilespmem:s25], [sflag:$0x3] =	stream.indirect.gather [hbm4b:s1+s22], $0x40, s16, s22, $0xb8;
	[tilespmem:$0x12360] =	vst v63  }
0x83: {  	_ =	swait.ge [sflag:s19], $0x2000  }
0x84: {  	[sflag:s19] =	ssyncset.done $0x0  }
0x85: {  	s16 =	sadd.s32 $0x1510, s15;
	[sflag:s19] =	ssyncadd.s32 $0xFFFFE000  }
0x86: {  	[spmem:s2] =	stream.indirect.scatter.add.f32 [tilespmem:s18], [sflag:$0x4], $0x40, s16, s22, $0xb8;
	[tilespmem:$0x12360] =	vst v63  }
0x87: {  	_ =	swait.ge [sflag:s26], $0x2000  }
0x88: {  	[sflag:s26] =	ssyncset.done $0x0  }
0x89: {  	s16 =	sadd.s32 $0x300, s15;
	[sflag:s26] =	ssyncadd.s32 $0xFFFFE000  }
0x8a: {  	[tilespmem:s18], [sflag:$0x1] =	stream.indirect.gather [hbm4b:s1+s22], $0x40, s16, s22, $0xb8;
	[tilespmem:$0x12360] =	vst v63  }
0x8b: {  	_ =	swait.ge [sflag:s29], $0x2000  }
0x8c: {  	[sflag:s29] =	ssyncset.done $0x0  }
0x8d: {  	s16 =	sadd.s32 $0x1590, s15;
	[sflag:s29] =	ssyncadd.s32 $0xFFFFE000  }
0x8e: {  	[spmem:s2] =	stream.indirect.scatter.add.f32 [tilespmem:s23], [sflag:$0x5], $0x40, s16, s22, $0xb8;
	[tilespmem:$0x12360] =	vst v63  }
0x8f: {  	_ =	swait.ge [sflag:s31], $0x2000  }
0x90: {  	[sflag:s31] =	ssyncset.done $0x0  }
.Ltmp1:
0x91: {  	s16 =	sadd.s32 $0x380, s15;
	[sflag:s31] =	ssyncadd.s32 $0xFFFFE000;
	(pc) =	sbr.rel @p1 .LBB2_4-.Ltmp1, $4  }
0x92: {  	[tilespmem:s23], [sflag:$0x2] =	stream.indirect.gather [hbm4b:s1+s22], $0x40, s16, s22, $0xb8;
	[tilespmem:$0x12360] =	vst v63  }
0x93: {  	_ =	swait.ge [sflag:s4], $0x2000  }
0x94: {  	[sflag:s4] =	ssyncset.done $0x0  }
0x95: {  	s15 =	sadd.s32 $0x1610, s15;
	[sflag:s4] =	ssyncadd.s32 $0xFFFFE000  }
0x96: {  	[spmem:s2] =	stream.indirect.scatter.add.f32 [tilespmem:s25], [sflag:$0x6], $0x40, s15, s22, $0xb8;
	[tilespmem:$0x12360] =	vst v63  }
0x97: {  	_ =	swait.ge [sflag:s7], $0x2000  }
0x98: {  	[sflag:s7] =	ssyncset.done $0x0  }
0x99: {  	[sflag:s7] =	ssyncadd.s32 $0xFFFFE000  }
0x9a: {  	[tilespmem:s25], [sflag:$0x3] =	stream.indirect.gather [hbm4b:s1+s22], $0x40, s8, s22, $0xb8;
	[tilespmem:$0x12360] =	vst v63  }
0x9b: {  	_ =	swait.ge [sflag:s19], $0x2000  }
0x9c: {  	[sflag:s19] =	ssyncset.done $0x0  }
0x9d: {  	[sflag:s19] =	ssyncadd.s32 $0xFFFFE000  }
0x9e: {  	[spmem:s2] =	stream.indirect.scatter.add.f32 [tilespmem:s18], [sflag:$0x4], $0x40, s9, s22, $0xb8;
	[tilespmem:$0x12360] =	vst v63  }
0x9f: {  	_ =	swait.ge [sflag:s26], $0x2000  }
0xa0: {  	[sflag:s26] =	ssyncset.done $0x0  }
0xa1: {  	[sflag:s26] =	ssyncadd.s32 $0xFFFFE000  }
0xa2: {  	_ =	swait.ge [sflag:s29], $0x2000  }
0xa3: {  	[sflag:s29] =	ssyncset.done $0x0  }
0xa4: {  	[sflag:s29] =	ssyncadd.s32 $0xFFFFE000  }
0xa5: {  	[spmem:s2] =	stream.indirect.scatter.add.f32 [tilespmem:s23], [sflag:$0x5], $0x40, s11, s22, $0xb8;
	[tilespmem:$0x12360] =	vst v63  }
0xa6: {  	_ =	swait.ge [sflag:s31], $0x2000  }
0xa7: {  	[sflag:s31] =	ssyncset.done $0x0  }
0xa8: {  	[sflag:s31] =	ssyncadd.s32 $0xFFFFE000  }
0xa9: {  	_ =	swait.ge [sflag:s4], $0x2000  }
0xaa: {  	[sflag:s4] =	ssyncset.done $0x0  }
0xab: {  	[sflag:s4] =	ssyncadd.s32 $0xFFFFE000  }
0xac: {  	[spmem:s2] =	stream.indirect.scatter.add.f32 [tilespmem:s25], [sflag:$0x6], $0x40, s12, s22, $0xb8;
	[tilespmem:$0x12360] =	vst v63  }
0xad: {  	_ =	swait.ge [sflag:s7], $0x2000  }
0xae: {  	[sflag:s7] =	ssyncset.done $0x0  }
0xaf: {  	s14 =	simm.s32 $0x0;
	s16 =	rddreg [dreg:$0xa];
	[sflag:s7] =	ssyncadd.s32 $0xFFFFE000  }
0xb0: {  	[tilespmem:s14], [sflag:$0x7] =	stream.linear.gather [hbm4b:s16+s14], $0x1390, $0x38;
	[tilespmem:$0x12360] =	vst v63  }
0xb1: {  	_ =	swait.ge [sflag:s20], $0x1390  }
0xb2: {  	[sflag:s20] =	ssyncset.done $0x0  }
0xb3: {  	s28 =	rddreg [dreg:$0xb];
	[sflag:s20] =	ssyncadd.s32 $0xFFFFEC70  }
0xb4: {  	[tilespmem:s21], [sflag:$0x7] =	stream.linear.gather [hbm4b:s28+s14], $0x1390, $0x38;
	[tilespmem:$0x12360] =	vst v63  }
0xb5: {  	_ =	swait.ge [sflag:s20], $0x1390  }
0xb6: {  	[sflag:s20] =	ssyncset.done $0x0  }
0xb7: {  	[sflag:s20] =	ssyncadd.s32 $0xFFFFEC70  }
0xb8: {  	[tilespmem:s18], [sflag:$0x1] =	stream.indirect.gather [hbm4b:s1+s22], $0x40, s14, s22, $0xb8;
	[tilespmem:$0x12360] =	vst v63  }
0xb9: {  	_ = 	snop  }
0xba: {  	[tilespmem:s23], [sflag:$0x2] =	stream.indirect.gather [hbm4b:s1+s22], $0x40, s22, s22, $0xb8;
	[tilespmem:$0x12360] =	vst v63  }
0xbb: {  	_ = 	snop  }
0xbc: {  	[tilespmem:s25], [sflag:$0x3] =	stream.indirect.gather [hbm4b:s1+s22], $0x40, s17, s22, $0xb8;
	[tilespmem:$0x12360] =	vst v63  }
0xbd: {  	_ =	swait.ge [sflag:s19], $0x2000  }
0xbe: {  	[sflag:s19] =	ssyncset.done $0x0  }
0xbf: {  	[sflag:s19] =	ssyncadd.s32 $0xFFFFE000  }
0xc0: {  	[spmem:s2] =	stream.indirect.scatter.add.f32 [tilespmem:s18], [sflag:$0x4], $0x40, s21, s22, $0xb8;
	[tilespmem:$0x12360] =	vst v63  }
0xc1: {  	_ =	swait.ge [sflag:s26], $0x2000  }
0xc2: {  	[sflag:s26] =	ssyncset.done $0x0  }
0xc3: {  	[sflag:s26] =	ssyncadd.s32 $0xFFFFE000  }
0xc4: {  	[tilespmem:s18], [sflag:$0x1] =	stream.indirect.gather [hbm4b:s1+s22], $0x40, s24, s22, $0xb8;
	[tilespmem:$0x12360] =	vst v63  }
0xc5: {  	_ =	swait.ge [sflag:s29], $0x2000  }
0xc6: {  	[sflag:s29] =	ssyncset.done $0x0  }
0xc7: {  	[sflag:s29] =	ssyncadd.s32 $0xFFFFE000  }
0xc8: {  	[spmem:s2] =	stream.indirect.scatter.add.f32 [tilespmem:s23], [sflag:$0x5], $0x40, s30, s22, $0xb8;
	[tilespmem:$0x12360] =	vst v63  }
0xc9: {  	_ =	swait.ge [sflag:s31], $0x2000  }
0xca: {  	[sflag:s31] =	ssyncset.done $0x0  }
0xcb: {  	[sflag:s31] =	ssyncadd.s32 $0xFFFFE000  }
0xcc: {  	[tilespmem:s23], [sflag:$0x2] =	stream.indirect.gather [hbm4b:s1+s22], $0x40, s0, s22, $0xb8;
	[tilespmem:$0x12360] =	vst v63  }
0xcd: {  	_ =	swait.ge [sflag:s4], $0x2000  }
0xce: {  	[sflag:s4] =	ssyncset.done $0x0  }
0xcf: {  	[sflag:s4] =	ssyncadd.s32 $0xFFFFE000  }
0xd0: {  	[spmem:s2] =	stream.indirect.scatter.add.f32 [tilespmem:s25], [sflag:$0x6], $0x40, s6, s22, $0xb8;
	[tilespmem:$0x12360] =	vst v63  }
0xd1: {  	_ =	swait.ge [sflag:s7], $0x2000  }
0xd2: {  	[sflag:s7] =	ssyncset.done $0x0  }
0xd3: {  	s15 =	simm.s32 $0x280;
	[sflag:s7] =	ssyncadd.s32 $0xFFFFE000  }
0xd4: {  	[tilespmem:s25], [sflag:$0x3] =	stream.indirect.gather [hbm4b:s1+s22], $0x40, s15, s22, $0xb8;
	[tilespmem:$0x12360] =	vst v63  }
0xd5: {  	_ =	swait.ge [sflag:s19], $0x2000  }
0xd6: {  	[sflag:s19] =	ssyncset.done $0x0  }
0xd7: {  	s16 =	simm.s32 $0x1510;
	[sflag:s19] =	ssyncadd.s32 $0xFFFFE000  }
0xd8: {  	[spmem:s2] =	stream.indirect.scatter.add.f32 [tilespmem:s18], [sflag:$0x4], $0x40, s16, s22, $0xb8;
	[tilespmem:$0x12360] =	vst v63  }
0xd9: {  	_ =	swait.ge [sflag:s26], $0x2000  }
0xda: {  	[sflag:s26] =	ssyncset.done $0x0  }
0xdb: {  	s17 =	simm.s32 $0x300;
	[sflag:s26] =	ssyncadd.s32 $0xFFFFE000  }
0xdc: {  	[tilespmem:s18], [sflag:$0x1] =	stream.indirect.gather [hbm4b:s1+s22], $0x40, s17, s22, $0xb8;
	[tilespmem:$0x12360] =	vst v63  }
0xdd: {  	_ =	swait.ge [sflag:s29], $0x2000  }
0xde: {  	[sflag:s29] =	ssyncset.done $0x0  }
0xdf: {  	s24 =	simm.s32 $0x1590;
	[sflag:s29] =	ssyncadd.s32 $0xFFFFE000  }
0xe0: {  	[spmem:s2] =	stream.indirect.scatter.add.f32 [tilespmem:s23], [sflag:$0x5], $0x40, s24, s22, $0xb8;
	[tilespmem:$0x12360] =	vst v63  }
0xe1: {  	_ =	swait.ge [sflag:s31], $0x2000  }
0xe2: {  	[sflag:s31] =	ssyncset.done $0x0  }
0xe3: {  	s28 =	simm.s32 $0x380;
	[sflag:s31] =	ssyncadd.s32 $0xFFFFE000  }
0xe4: {  	[tilespmem:s23], [sflag:$0x2] =	stream.indirect.gather [hbm4b:s1+s22], $0x40, s28, s22, $0xb8;
	[tilespmem:$0x12360] =	vst v63  }
0xe5: {  	_ =	swait.ge [sflag:s4], $0x2000  }
0xe6: {  	[sflag:s4] =	ssyncset.done $0x0  }
0xe7: {  	s14 =	simm.s32 $0x600;
	s15 =	simm.s32 $0x1610;
	[sflag:s4] =	ssyncadd.s32 $0xFFFFE000  }
.LBB2_6:
0xe8: {  	[spmem:s2] =	stream.indirect.scatter.add.f32 [tilespmem:s25], [sflag:$0x6], $0x40, s15, s22, $0xb8;
	[tilespmem:$0x12360] =	vst v63  }
0xe9: {  	s15 =	smov.u32 s14  }
0xea: {  	p1 =	sne.s32 s14, $0x3C00;
	s14 =	sadd.s32 $0x600, s14;
	_ =	swait.ge [sflag:s7], $0x2000  }
0xeb: {  	s15 =	sshra.s32 s15, $0x2;
	[sflag:s7] =	ssyncset.done $0x0  }
0xec: {  	s16 =	sadd.s32 $0x280, s15;
	[sflag:s7] =	ssyncadd.s32 $0xFFFFE000  }
0xed: {  	[tilespmem:s25], [sflag:$0x3] =	stream.indirect.gather [hbm4b:s1+s22], $0x40, s16, s22, $0xb8;
	[tilespmem:$0x12360] =	vst v63  }
0xee: {  	_ =	swait.ge [sflag:s19], $0x2000  }
0xef: {  	[sflag:s19] =	ssyncset.done $0x0  }
0xf0: {  	s16 =	sadd.s32 $0x1510, s15;
	[sflag:s19] =	ssyncadd.s32 $0xFFFFE000  }
0xf1: {  	[spmem:s2] =	stream.indirect.scatter.add.f32 [tilespmem:s18], [sflag:$0x4], $0x40, s16, s22, $0xb8;
	[tilespmem:$0x12360] =	vst v63  }
0xf2: {  	_ =	swait.ge [sflag:s26], $0x2000  }
0xf3: {  	[sflag:s26] =	ssyncset.done $0x0  }
0xf4: {  	s16 =	sadd.s32 $0x300, s15;
	[sflag:s26] =	ssyncadd.s32 $0xFFFFE000  }
0xf5: {  	[tilespmem:s18], [sflag:$0x1] =	stream.indirect.gather [hbm4b:s1+s22], $0x40, s16, s22, $0xb8;
	[tilespmem:$0x12360] =	vst v63  }
0xf6: {  	_ =	swait.ge [sflag:s29], $0x2000  }
0xf7: {  	[sflag:s29] =	ssyncset.done $0x0  }
0xf8: {  	s16 =	sadd.s32 $0x1590, s15;
	[sflag:s29] =	ssyncadd.s32 $0xFFFFE000  }
0xf9: {  	[spmem:s2] =	stream.indirect.scatter.add.f32 [tilespmem:s23], [sflag:$0x5], $0x40, s16, s22, $0xb8;
	[tilespmem:$0x12360] =	vst v63  }
0xfa: {  	_ =	swait.ge [sflag:s31], $0x2000  }
0xfb: {  	[sflag:s31] =	ssyncset.done $0x0  }
.Ltmp2:
0xfc: {  	s16 =	sadd.s32 $0x380, s15;
	[sflag:s31] =	ssyncadd.s32 $0xFFFFE000;
	(pc) =	sbr.rel @p1 .LBB2_6-.Ltmp2, $4  }
0xfd: {  	[tilespmem:s23], [sflag:$0x2] =	stream.indirect.gather [hbm4b:s1+s22], $0x40, s16, s22, $0xb8;
	[tilespmem:$0x12360] =	vst v63  }
0xfe: {  	_ =	swait.ge [sflag:s4], $0x2000  }
0xff: {  	[sflag:s4] =	ssyncset.done $0x0  }
0x100: {  	s15 =	sadd.s32 $0x1610, s15;
	[sflag:s4] =	ssyncadd.s32 $0xFFFFE000  }
0x101: {  	[spmem:s2] =	stream.indirect.scatter.add.f32 [tilespmem:s25], [sflag:$0x6], $0x40, s15, s22, $0xb8;
	[tilespmem:$0x12360] =	vst v63  }
0x102: {  	_ =	swait.ge [sflag:s7], $0x2000  }
0x103: {  	[sflag:s7] =	ssyncset.done $0x0  }
0x104: {  	[sflag:s7] =	ssyncadd.s32 $0xFFFFE000  }
0x105: {  	[tilespmem:s25], [sflag:$0x3] =	stream.indirect.gather [hbm4b:s1+s22], $0x40, s8, s22, $0xb8;
	[tilespmem:$0x12360] =	vst v63  }
0x106: {  	_ =	swait.ge [sflag:s19], $0x2000  }
0x107: {  	[sflag:s19] =	ssyncset.done $0x0  }
0x108: {  	[sflag:s19] =	ssyncadd.s32 $0xFFFFE000  }
0x109: {  	[spmem:s2] =	stream.indirect.scatter.add.f32 [tilespmem:s18], [sflag:$0x4], $0x40, s9, s22, $0xb8;
	[tilespmem:$0x12360] =	vst v63  }
0x10a: {  	_ =	swait.ge [sflag:s26], $0x2000  }
0x10b: {  	[sflag:s26] =	ssyncset.done $0x0  }
0x10c: {  	[sflag:s26] =	ssyncadd.s32 $0xFFFFE000  }
0x10d: {  	_ =	swait.ge [sflag:s29], $0x2000  }
0x10e: {  	[sflag:s29] =	ssyncset.done $0x0  }
0x10f: {  	[sflag:s29] =	ssyncadd.s32 $0xFFFFE000  }
0x110: {  	[spmem:s2] =	stream.indirect.scatter.add.f32 [tilespmem:s23], [sflag:$0x5], $0x40, s11, s22, $0xb8;
	[tilespmem:$0x12360] =	vst v63  }
0x111: {  	_ =	swait.ge [sflag:s31], $0x2000  }
0x112: {  	[sflag:s31] =	ssyncset.done $0x0  }
0x113: {  	[sflag:s31] =	ssyncadd.s32 $0xFFFFE000  }
0x114: {  	_ =	swait.ge [sflag:s4], $0x2000  }
0x115: {  	[sflag:s4] =	ssyncset.done $0x0  }
0x116: {  	[sflag:s4] =	ssyncadd.s32 $0xFFFFE000  }
0x117: {  	[spmem:s2] =	stream.indirect.scatter.add.f32 [tilespmem:s25], [sflag:$0x6], $0x40, s12, s22, $0xb8;
	[tilespmem:$0x12360] =	vst v63  }
0x118: {  	_ =	swait.ge [sflag:s7], $0x2000  }
0x119: {  	[sflag:s7] =	ssyncset.done $0x0  }
0x11a: {  	s14 =	simm.s32 $0x1380;
	[sflag:s7] =	ssyncadd.s32 $0xFFFFE000  }
0x11b: {  	[tilespmem:s25], [sflag:$0x3] =	stream.indirect.gather [hbm4b:s1+s13], $0x40, s14, s13, $0xb8;
	[tilespmem:$0x12360] =	vst v63  }
0x11c: {  	_ =	swait.ge [sflag:s4], $0x400  }
0x11d: {  	[sflag:s4] =	ssyncset.done $0x0  }
0x11e: {  	s16 =	simm.s32 $0x2710;
	[sflag:s4] =	ssyncadd.s32 $0xFFFFFC00  }
0x11f: {  	[spmem:s2] =	stream.indirect.scatter.add.f32 [tilespmem:s25], [sflag:$0x6], $0x40, s16, s13, $0xb8;
	[tilespmem:$0x12360] =	vst v63  }
0x120: {  	_ =	swait.ge [sflag:s7], $0x400  }
0x121: {  	[sflag:s7] =	ssyncset.done $0x0  }
0x122: {  	s17 =	stileid.u32;
	[sflag:s7] =	ssyncadd.s32 $0xFFFFFC00  }
0x123: {  	s24 =	sshrl.u32 s5, $0x3;
	s14 =	sshll.u32 s17, $0x6;
	[bflag:$0x0] =	sbarrier.arrive $0xFFFF  }
0x124: {  	s17 =	simm.s32 $0x8;
	s14 =	sor.u32 $0x1C07, s14;
	s16 =	rddreg [dreg:$0xc]  }
0x125: {  	[hbm:s16@s13], [sflag:s14] =	dma.strided [spmem:s24@s17], $0x1380, s19, $0x8   }
0x126: {  	s15 =	sshrl.u32 @!p0 s10, $0x3;
	_ =	swait.ge [sflag:s20], $0x1380  }
0x127: {  	s16 =	simm.s32 @!p0 $0x1;
	s17 =	simm.s32 @!p0 $0x10;
	[sflag:s20] =	ssyncset.done $0x0  }
0x128: {  	s24 =	simm.s32 @!p0 $0x8;
	s28 =	rddreg [dreg:$0xd];
	[sflag:s20] =	ssyncadd.s32 $0xFFFFEC80  }
0x129: {  	[hbm:s28@s17], [sflag:s14] =	dma.strided @!p0 [spmem:s15@s24], $0x80, s16, $0x8   }
0x12a: {  	s14 =	simm.s32 @!p0 $0x7  }
0x12b: {  	_ =	swait.ge @!p0 [sflag:s14], $0x80  }
0x12c: {  	s3 =	sadd.s32 $0x1, s3;
	s28 =	rddreg [dreg:$0xe]  }
0x12d: {  	p1 =	sne.s32 s3, s28  }
.Ltmp3:
0x12e: {  	_ = 	snop;
	(pc) =	sbr.rel @p1 .LBB2_1-.Ltmp3, $3  }
0x12f: {  	_ =	sdelay $0x1  }
0x130: {  	[sflag:s14] =	ssyncset.done @!p0 $0x0  }
0x131: {  	s17 =	simm.s32 $0x100;
	s24 =	simm.s32 $0x180;
	[sflag:s14] =	ssyncadd.s32 @!p0 $0xFFFFFF80  }
0x132: {  	_ =	sfence.sel $0x180000  }
0x133: {  	[bflag:$0x0] =	sbarrier.arrive $0xFFFF  }
0x134: {  	_ =	strace $0x9000004A  }
0x135: {  	[bflag:$0x2] =	sbarrier.arrive $0xFFFF  }
0x136: {  	s0 =	rddreg [dreg:$0x3]  }
0x137: {  	s0 =	sadd.s32 @!p0 $0x100000, s0  }
0x138: {  	[sflag:s0] =	ssyncadd.tile.s32 @!p0 $0x1;
	_ =	shalt  }
.Lfunc_end2:
_tile_overlayer_lowered:
.L_overlay_start_2:
0x139: {  	(tag) =	ssettag $0x2  }
0x13a: {  	s0 =	rddreg [dreg:$0x0];
	s2 =	stileid.u32  }
0x13b: {  	s1 =	rddreg [dreg:$0x1];
	p0 =	sne.s32 s2, $0x0  }
0x13c: {  	s3 =	rddreg [dreg:$0x2];
	[bflag:$0x3] =	sbarrier.arrive $0xFFFF;
	s2 =	simm.s32 @!p0 $0x1C07  }
0x13d: {  	[timem:s3], [sflag:s2] =	dma.local @!p0 [hbm:s0], s1  }
0x13e: {  	s0 =	simm.s32 @!p0 $0x7  }
0x13f: {  	_ =	swait.ge @!p0 [sflag:s0], s1  }
0x140: {  	s1 =	ssub.s32 @!p0 $0x0, s1;
	[sflag:s0] =	ssyncset.done @!p0 $0x0  }
0x141: {  	[sflag:s0] =	ssyncadd.s32 @!p0 s1  }
0x142: {  	[bflag:$0x3] =	sbarrier.arrive $0xFFFF  }
0x143: {  	_ =	shalt  }

// kernel: kernel.8.cloned.1.call-start
scs
__scs_entry_jumppad:
0x0: {  	(pc) =	sbr.rel $0x88, $3  }
0x1: {  	(tag) =	ssettag $0x0;
	lr =	simm.s32 $0x1  }
0x2: {  	[smem:$0x3F97] =	sst lr;
	_ =	strace $0xD0000000  }
0x3: {  	_ = 	snop  }
0x4: {  	_ = 	snop  }
0x5: {  	_ = 	snop  }
0x6: {  	_ = 	snop  }
0x7: {  	_ = 	snop  }
__scs_overlays_trampoline_lowered:
0x8: {  	[smem:$0x3FA6] =	sst s0  }
0x9: {  	[smem:$0x3FA7] =	sst s1  }
0xa: {  	[smem:$0x3FA8] =	sst s2  }
0xb: {  	[smem:$0x3FA9] =	sst s3  }
0xc: {  	[smem:$0x3FAA] =	sst s4  }
0xd: {  	[smem:$0x3FAB] =	sst s5  }
0xe: {  	[smem:$0x3FAC] =	sst s6  }
0xf: {  	[smem:$0x3FAD] =	sst s7  }
0x10: {  	[smem:$0x3FAE] =	sst s8  }
0x11: {  	[smem:$0x3FAF] =	sst s9;
	s0 =	simm.s32 @!p0 $0x0  }
0x12: {  	s1 =	sld [smem:$0x3F95];
	s0 =	simm.s32 @p0 $0x1  }
0x13: {  	[smem:$0x3FB0] =	sst s0;
	s0 =	simm.s32 @!p1 $0x0  }
0x14: {  	s2 =	sld [smem:$0x3F94];
	s0 =	simm.s32 @p1 $0x1  }
0x15: {  	[smem:$0x3FB1] =	sst s0;
	s0 =	simm.s32 @!p2 $0x0  }
0x16: {  	s3 =	sld [smem:$0x3FDB];
	s0 =	simm.s32 @p2 $0x1  }
0x17: {  	s4 =	simm.s32 $0x1BF5;
	[smem:$0x3FB3] =	sst s0  }
0x18: {  	s0 =	sld [smem:$0x3F96];
	_ =	swait.ge [sflag:s4], $0x0  }
0x19: {  	s7 =	sld [smem:$0x3F97]  }
0x1a: {  	s8 =	sadd.s32 $0xFFFFE003, lr  }
0x1b: {  	s9 =	sadd.s32 $0xFFFFFEF7, lr;
	s5 =	simm.s32 $0xFFFFFFFF;
	p2 =	slt.u32 s8, $0xFFFFF086  }
0x1c: {  	p1 =	slt.u32 s9, $0xF7A;
	s5 =	simm.s32 @!p2 $0x0  }
0x1d: {  	s5 =	simm.s32 @p1 $0x1;
	p0 =	seq.s32 s7, s2  }
0x1e: {  	s7 =	smul.u32 @!p0 $0xF7A, s2;
	p2 =	seq.s32 @!p0 s5, $0x0  }
0x1f: {  	s9 =	smul.u32 $0xF7A, s1;
	s8 =	simm.s32 @!p0 $0x1BF5;
	p2 =	por !p2, p0  }
0x20: {  	[sflag:s8] =	ssyncset.s32 @!p0 $0xFFFFF086;
	s6 =	sadd.s32 @!p0 s3, s7;
	s7 =	simm.s32 @!p0 $0x108  }
0x21: {  	s3 =	sadd.s32 s3, s9;
	s6 =	sadd.s32 @!p0 $0x88, s6;
	s7 =	simm.s32 @p2 $0x1082  }
0x22: {  	[simem:s7], [sflag:s8] =	dma.local @!p0 [hbm:s6], $0xF7A  }
0x23: {  	s9 =	sor.u32 $0xD0000000, s2;
	s6 =	simm.s32 $0x108;
	_ =	swait.ge @!p0 [sflag:s8], $0x0  }
0x24: {  	s3 =	sadd.s32 $0x88, s3;
	s6 =	simm.s32 @!p1 $0x1082;
	[sflag:s4] =	ssyncset.s32 $0xFFFFF086  }
0x25: {  	[simem:s6], [sflag:s4] =	dma.local [hbm:s3], $0xF7A  }
0x26: {  	[smem:$0x3F97] =	sst s1;
	(tag) =	ssettag s2;
	_ =	strace s9  }
0x27: {  	s1 =	sld [smem:$0x3FA7]  }
0x28: {  	s2 =	sld [smem:$0x3FA8]  }
0x29: {  	s4 =	sld [smem:$0x3FAA]  }
0x2a: {  	p0 =	seq.s32 s5, $0x0;
	s5 =	sld [smem:$0x3FAB]  }
0x2b: {  	s6 =	sld [smem:$0x3FAC]  }
0x2c: {  	s7 =	sld [smem:$0x3FAD]  }
0x2d: {  	s3 =	simm.s32 $0x108;
	s8 =	sld [smem:$0x3FAE]  }
0x2e: {  	s3 =	simm.s32 @!p0 $0x1082;
	s9 =	sld [smem:$0x3FAF]  }
0x2f: {  	lr =	sadd.s32 s0, s3;
	s0 =	sld [smem:$0x3FA6]  }
0x30: {  	s3 =	sld [smem:$0x3FA9]  }
0x31: {  	[smem:$0x3FB2] =	sst s10  }
0x32: {  	s10 =	sld [smem:$0x3FB0];
	_ =	sdelay $0x3  }
0x33: {  	p0 =	seq.s32 s10, $0x1;
	s10 =	sld [smem:$0x3FB2];
	_ =	sdelay $0x3  }
0x34: {  	[smem:$0x3FB2] =	sst s10  }
0x35: {  	s10 =	sld [smem:$0x3FB1];
	_ =	sdelay $0x3  }
0x36: {  	p1 =	seq.s32 s10, $0x1;
	s10 =	sld [smem:$0x3FB2];
	_ =	sdelay $0x3  }
0x37: {  	[smem:$0x3FB2] =	sst s10  }
0x38: {  	s10 =	sld [smem:$0x3FB3]  }
0x39: {  	_ = 	snop;
	(pc) =	sbr.ind lr, $3  }
0x3a: {  	_ = 	snop  }
0x3b: {  	_ = 	snop  }
0x3c: {  	p2 =	seq.s32 s10, $0x1;
	s10 =	sld [smem:$0x3FB2]  }
0x3d: {  	_ =	shalt  }
0x3e: {  	_ =	shalt  }
0x3f: {  	_ =	shalt  }
0x40: {  	_ =	shalt  }
0x41: {  	_ =	shalt  }
0x42: {  	_ =	shalt  }
0x43: {  	_ =	shalt  }
0x44: {  	_ =	shalt  }
0x45: {  	_ =	shalt  }
0x46: {  	_ =	shalt  }
0x47: {  	_ =	shalt  }
0x48: {  	_ =	shalt  }
0x49: {  	_ =	shalt  }
0x4a: {  	_ =	shalt  }
0x4b: {  	_ =	shalt  }
0x4c: {  	_ =	shalt  }
0x4d: {  	_ =	shalt  }
0x4e: {  	_ =	shalt  }
0x4f: {  	_ =	shalt  }
0x50: {  	_ =	shalt  }
0x51: {  	_ =	shalt  }
0x52: {  	_ =	shalt  }
0x53: {  	_ =	shalt  }
0x54: {  	_ =	shalt  }
0x55: {  	_ =	shalt  }
0x56: {  	_ =	shalt  }
0x57: {  	_ =	shalt  }
0x58: {  	_ =	shalt  }
0x59: {  	_ =	shalt  }
0x5a: {  	_ =	shalt  }
0x5b: {  	_ =	shalt  }
0x5c: {  	_ =	shalt  }
0x5d: {  	_ =	shalt  }
0x5e: {  	_ =	shalt  }
0x5f: {  	_ =	shalt  }
0x60: {  	_ =	shalt  }
0x61: {  	_ =	shalt  }
0x62: {  	_ =	shalt  }
0x63: {  	_ =	shalt  }
0x64: {  	_ =	shalt  }
0x65: {  	_ =	shalt  }
0x66: {  	_ =	shalt  }
0x67: {  	_ =	shalt  }
0x68: {  	_ =	shalt  }
0x69: {  	_ =	shalt  }
0x6a: {  	_ =	shalt  }
0x6b: {  	_ =	shalt  }
0x6c: {  	_ =	shalt  }
0x6d: {  	_ =	shalt  }
0x6e: {  	_ =	shalt  }
0x6f: {  	_ =	shalt  }
0x70: {  	_ =	shalt  }
0x71: {  	_ =	shalt  }
0x72: {  	_ =	shalt  }
0x73: {  	_ =	shalt  }
0x74: {  	_ =	shalt  }
0x75: {  	_ =	shalt  }
0x76: {  	_ =	shalt  }
0x77: {  	_ =	shalt  }
0x78: {  	_ =	shalt  }
0x79: {  	_ =	shalt  }
0x7a: {  	_ =	shalt  }
0x7b: {  	_ =	shalt  }
0x7c: {  	_ =	shalt  }
0x7d: {  	_ =	shalt  }
0x7e: {  	_ =	shalt  }
0x7f: {  	_ =	shalt  }
0x80: {  	_ =	shalt  }
0x81: {  	_ =	shalt  }
0x82: {  	_ =	shalt  }
0x83: {  	_ =	shalt  }
0x84: {  	_ =	shalt  }
0x85: {  	_ =	shalt  }
0x86: {  	_ =	shalt  }
0x87: {  	_ =	shalt  }
.Lfunc_end0:
.L_simem_size_0:
called_computation_lowered:
.L_overlay_start_0:
0x88: {  	s2 =	sld [smem:$0x3FD9]  }
0x89: {  	s3 =	sld [smem:$0x3FFE];
	_ =	sdelay $0x1  }
0x8a: {  	s1 =	srdreg.scid  }
0x8b: {  	s0 =	sand.u32 $0x1, s1  }
0x8c: {  	s17 =	sshll.u32 s0, $0xA;
	s2 =	sadd.s32 s3, s2  }
0x8d: {  	s2 =	sadd.s32 s2, s17  }
0x8e: {  	[smem:$0x3FBE] =	sst s2  }
0x8f: {  	_ = 	snop  }
0x90: {  	s2 =	sld [smem:$0x3FD0];
	(tm) =	ssettm $0x1  }
0x91: {  	s18 =	sld [smem:$0x3FFB];
	_ =	sdelay $0x3  }
0x92: {  	_ =	strace s18  }
0x93: {  	s3 =	sld [smem:$0x3FFC];
	_ =	sdelay $0x3  }
0x94: {  	_ =	strace s3  }
0x95: {  	s3 =	sld [smem:$0x3FFD];
	_ =	sdelay $0x3  }
0x96: {  	_ =	strace s3  }
0x97: {  	_ =	strace $0x8FFFFFFF  }
0x98: {  	s19 =	sld [smem:$0x3FDB];
	_ =	sdelay $0x1  }
0x99: {  	s4 =	simm.s32 $_scs_section_size  }
0x9a: {  	s5 =	simm.s32 $_size__tile_overlayer_lowered;
	s6 =	simm.s32 $_tile_overlayer_lowered  }
0x9b: {  	s22 =	simm.s32 $0x1BFF;
	s21 =	sshll.u32 s6, $0x1;
	s3 =	sadd.s32 s4, s19  }
0x9c: {  	s7 =	simm.s32 $0x0;
	s20 =	sshll.u32 s5, $0x1;
	s5 =	sadd.s32 s21, s3  }
0x9d: {  	[timem:s7], [sflag:s22] =	dma.local [hbm:s5], s20  }
0x9e: {  	_ =	swait.ge [sflag:s22], s20  }
0x9f: {  	s4 =	ssub.s32 $0x0, s20;
	[sflag:s22] =	ssyncset.done $0x0  }
0xa0: {  	[sflag:s22] =	ssyncadd.s32 s4;
	_ =	sdelay $0x1  }
0xa1: {  	s23 =	simm.s32 $0x1B8B  }
0xa2: {  	_ =	swait.ge [sflag:s23], $0x1  }
0xa3: {  	[sflag:s23] =	ssyncset.done $0x0  }
0xa4: {  	s25 =	simm.s32 $0x1B8E;
	s24 =	sld [smem:$0x3FFE];
	[sflag:s23] =	ssyncadd.s32 $0xFFFFFFFF  }
0xa5: {  	s26 =	simm.s32 $execute0_lowered;
	[smem:$0x3FD2] =	sst s25  }
0xa6: {  	s5 =	sshll.u32 s26, $0x1;
	_ =	strace $0x80000046;
	[dreg:$0x1] =	wrdreg $0xFFFFFFFF  }
0xa7: {  	s28 =	simm.s32 $_size_execute0_lowered;
	s3 =	sadd.s32 s3, s5;
	[dreg:$0x0] =	wrdreg $0x0  }
0xa8: {  	s5 =	sshll.u32 s28, $0x1;
	[dreg:$0x2] =	wrdreg s3  }
0xa9: {  	[dreg:$0x3] =	wrdreg s5  }
0xaa: {  	[dreg:$0x4] =	wrdreg $0xC0  }
0xab: {  	_ =	task [dreg:s7], $0x5FFFF  }
0xac: {  	[dreg:$0x1] =	wrdreg $0xFFFFFFFF  }
0xad: {  	[dreg:$0x0] =	wrdreg $0x60  }
0xae: {  	[dreg:$0x2] =	wrdreg s24  }
0xaf: {  	[dreg:$0x3] =	wrdreg s2  }
0xb0: {  	[dreg:$0x4] =	wrdreg $0x9F600  }
0xb1: {  	[dreg:$0x5] =	wrdreg $0x1DA600  }
0xb2: {  	[dreg:$0x6] =	wrdreg $0x9  }
0xb3: {  	_ =	task.clear_ibuf [dreg:s7], $0x7FFFF;
	_ =	strace $0x90000046  }
0xb4: {  	s29 =	simm.s32 $0x9;
	_ =	strace $0x80000048  }
0xb5: {  	_ =	swait.ge [sflag:s29], $0x1  }
0xb6: {  	[sflag:s29] =	ssyncadd.s32 $0xFFFFFFFF  }
0xb7: {  	_ =	strace $0x90000048  }
0xb8: {  	_ =	sfence  }
0xb9: {  	s30 =	sld [smem:$0x0];
	_ =	sdelay $0x2  }
0xba: {  	s31 =	sshll.u32 s1, $0xD;
	s1 =	sshrl.u32 s1, $0x2  }
0xbb: {  	s3 =	sand.u32 $0x4000, s31;
	s1 =	sadd.s32 s1, s30  }
0xbc: {  	s0 =	sor.u32 s3, s0;
	s1 =	sshll.u32 s1, $0x11  }
0xbd: {  	s0 =	sor.u32 s1, s0  }
0xbe: {  	s0 =	sadd.s32 $0x8F2B, s0  }
0xbf: {  	[sflag:s0] =	ssyncadd.remote.s32 $0x1  }
0xc0: {  	_ =	sfence.sel $0xFFFF  }
0xc1: {  	[dreg:$0x0] =	wrdreg $0xFFFFFFFF;
	(pc) =	sbr.abs _section_cstart, $3  }
0xc2: {  	[dreg:$0x1] =	wrdreg $0xFFFFFFFF  }
0xc3: {  	_ =	task.clear_ibuf [dreg:s7], $0x2FFFF;
	_ =	strace $0x9FFFFFFF  }
0xc4: {  	(tm) =	ssettm $0x7FFFFFFF  }
0xc5: {  	_ =	shalt  }
tec
execute0_lowered:
.L_overlay_start_1:
0x0: {  	(tag) =	ssettag $0x1  }
0x1: {  	s0 =	rddreg [dreg:$0x0]  }
0x2: {  	s5 =	rddreg [dreg:$0x1]  }
0x3: {  	s1 =	rddreg [dreg:$0x2]  }
0x4: {  	s2 =	rddreg [dreg:$0x3];
	s3 =	simm.s32 $0x0  }
0x5: {  	s7 =	srdreg.scid;
	s17 =	stileid.u32;
	s30 =	simm.s32 $0x2760  }
0x6: {  	s31 =	simm.s32 $0x1;
	[smem:$0x7FF] =	sst s3;
	s4 =	sadd.s32 $0x17000, s0  }
0x7: {  	s6 =	sadd.s32 $0x3400, s0;
	s8 =	sadd.s32 $0xD200, s0;
	s20 =	smul.u32 $0x4E000, s17  }
0x8: {  	s9 =	sand.u32 $0x1, s7;
	s10 =	sadd.s32 $0x3E200, s0;
	s13 =	smul.u32 $0x270, s17  }
0x9: {  	s28 =	smul.u32 $0x1380, s17;
	p0 =	sne.s32 s17, $0x0;
	_ =	strace $0x80000047  }
0xa: {  	[dreg:$0x5] =	wrdreg s10;
	s10 =	sadd.s32 $0x3E400, s0;
	s11 =	ssub.s32 $0x2, s9  }
0xb: {  	s0 =	sadd.s32 $0x8C600, s0;
	s21 =	sshll.u32 s9, $0x4;
	s26 =	smul.u32 $0x2710, s9  }
0xc: {  	s9 =	smul.u32 $0x138800, s9;
	s12 =	sshrl.u32 s11, $0x1;
	s7 =	sshrl.u32 s20, $0x2  }
0xd: {  	s11 =	ssub.s32 s11, s12;
	s7 =	sadd.s32 s7, s1;
	s12 =	sor.u32 s17, s21  }
0xe: {  	s13 =	sadd.s32 s13, s26;
	s20 =	sshrl.u32 s9, $0x3;
	s14 =	sadd.s32 $0x2800, s7  }
0xf: {  	s9 =	simm.s32 $0x4F60;
	s22 =	sadd.s32 $0x5000, s7;
	[dreg:$0x6] =	wrdreg s14  }
0x10: {  	s17 =	simm.s32 $0x5;
	s23 =	sadd.s32 $0x7800, s7;
	[dreg:$0x7] =	wrdreg s22  }
0x11: {  	s12 =	smul.u32 $0x2710, s12;
	s24 =	sadd.s32 $0xA000, s7;
	[dreg:$0x8] =	wrdreg s23  }
0x12: {  	s25 =	sadd.s32 $0xC800, s7;
	s15 =	sadd.s32 $0xF000, s7;
	[dreg:$0x9] =	wrdreg s24  }
0x13: {  	s19 =	sshll.u32 s13, $0x4;
	s26 =	sadd.s32 $0x11800, s7;
	[dreg:$0xa] =	wrdreg s25  }
0x14: {  	s13 =	simm.s32 $0x7;
	[dreg:$0xb] =	wrdreg s15;
	s21 =	sadd.s32 s10, s19  }
0x15: {  	s22 =	sadd.s32 $0x27000, s20;
	s23 =	sshrl.u32 s28, $0x3;
	[dreg:$0x17] =	wrdreg s26  }
0x16: {  	s24 =	sadd.s32 $0x2700, s5;
	s25 =	smax.u32 s11, $0x1;
	[dreg:$0x10] =	wrdreg s21  }
0x17: {  	s11 =	simm.s32 $0x7760;
	s15 =	simm.s32 $0x2;
	[dreg:$0x15] =	wrdreg s24  }
0x18: {  	s26 =	simm.s32 $0x2670;
	s12 =	sshrl.u32 s12, $0x3;
	[dreg:$0x16] =	wrdreg s25  }
0x19: {  	s21 =	simm.s32 $0x3;
	s24 =	simm.s32 $0x6;
	s29 =	sadd.s32 s6, s12  }
0x1a: {  	s16 =	sadd.s32 $0x276, s12;
	s12 =	sadd.s32 s8, s12;
	[dreg:$0xc] =	wrdreg s29  }
0x1b: {  	s25 =	simm.s32 $0x9;
	[dreg:$0xd] =	wrdreg s12;
	s6 =	sadd.s32 s6, s16  }
0x1c: {  	s18 =	sadd.s32 s8, s16;
	s8 =	sadd.s32 s10, s22;
	[dreg:$0xe] =	wrdreg s6  }
0x1d: {  	s29 =	sadd.s32 $0x13800, s2;
	s12 =	simm.s32 $0x4;
	[dreg:$0xf] =	wrdreg s18  }
0x1e: {  	s10 =	simm.s32 $0x26C0;
	s6 =	sadd.s32 s0, s19;
	[dreg:$0x12] =	wrdreg s8  }
0x1f: {  	s0 =	sadd.s32 s0, s22;
	s22 =	sadd.s32 s28, s2;
	[dreg:$0x19] =	wrdreg s29  }
0x20: {  	s28 =	sadd.s32 $0x138000, s1;
	s8 =	simm.s32 $0x50;
	[dreg:$0x11] =	wrdreg s6  }
0x21: {  	s18 =	simm.s32 $0x8;
	[dreg:$0x13] =	wrdreg s0;
	s0 =	sadd.s32 s5, s23  }
0x22: {  	[dreg:$0x18] =	wrdreg s28;
	s5 =	simm.s32 $0x1D7E0;
	s6 =	simm.s32 $0x13B0  }
0x23: {  	v0 =	vimm.f32 $0.0e+00;
	s23 =	simm.s32 $0xA0;
	[dreg:$0x14] =	wrdreg s0;
	s0 =	simm.s32 $0xA  }
.LBB2_1:
0x24: {  	s14 =	simm.s32 $0x0;
	s19 =	simm.s32 $0x200  }
.LBB2_2:
0x25: {  	p1 =	sne.s32 s19, $0x9E00;
	[tilespmem:s14+$0x27D0] =	vst v0  }
0x26: {  	[tilespmem:s14+$0x2760] =	vst v0  }
0x27: {  	[tilespmem:s14+$0x2770] =	vst v0  }
.Ltmp0:
0x28: {  	[tilespmem:s14+$0x2780] =	vst v0;
	(pc) =	sbr.rel @p1 .LBB2_2-.Ltmp0, $4  }
0x29: {  	[tilespmem:s14+$0x2790] =	vst v0  }
0x2a: {  	[tilespmem:s14+$0x27A0] =	vst v0  }
0x2b: {  	[tilespmem:s14+$0x27B0] =	vst v0  }
0x2c: {  	[tilespmem:s14+$0x27C0] =	vst v0;
	s14 =	sshra.s32 s19, $0x2;
	s19 =	sadd.s32 $0x200, s19  }
0x2d: {  	[tilespmem:s14+$0x27D0] =	vst v0  }
0x2e: {  	[tilespmem:s14+$0x2760] =	vst v0  }
0x2f: {  	[tilespmem:s14+$0x2770] =	vst v0  }
0x30: {  	[tilespmem:s14+$0x2780] =	vst v0  }
0x31: {  	[tilespmem:s14+$0x2790] =	vst v0  }
0x32: {  	[tilespmem:s14+$0x27A0] =	vst v0  }
0x33: {  	[tilespmem:s14+$0x27B0] =	vst v0  }
0x34: {  	[tilespmem:s14+$0x27C0] =	vst v0  }
0x35: {  	[spmem:s7] =	stream.linear.scatter [tilespmem:s30], [sflag:$0x1], $0x2800, $0x38;
	[tilespmem:$0x1EDE8] =	vst v63  }
0x36: {  	s16 =	rddreg [dreg:$0x6]  }
0x37: {  	[spmem:s16] =	stream.linear.scatter [tilespmem:s30], [sflag:$0x1], $0x2800, $0x38;
	[tilespmem:$0x1EDE8] =	vst v63  }
0x38: {  	s19 =	rddreg [dreg:$0x7]  }
0x39: {  	[spmem:s19] =	stream.linear.scatter [tilespmem:s30], [sflag:$0x1], $0x2800, $0x38;
	[tilespmem:$0x1EDE8] =	vst v63  }
0x3a: {  	s20 =	rddreg [dreg:$0x8]  }
0x3b: {  	[spmem:s20] =	stream.linear.scatter [tilespmem:s30], [sflag:$0x1], $0x2800, $0x38;
	[tilespmem:$0x1EDE8] =	vst v63  }
0x3c: {  	s28 =	rddreg [dreg:$0x9]  }
0x3d: {  	[spmem:s28] =	stream.linear.scatter [tilespmem:s30], [sflag:$0x1], $0x2800, $0x38;
	[tilespmem:$0x1EDE8] =	vst v63  }
0x3e: {  	s16 =	rddreg [dreg:$0xa]  }
0x3f: {  	[spmem:s16] =	stream.linear.scatter [tilespmem:s30], [sflag:$0x1], $0x2800, $0x38;
	[tilespmem:$0x1EDE8] =	vst v63  }
0x40: {  	s19 =	rddreg [dreg:$0xb]  }
0x41: {  	[spmem:s19] =	stream.linear.scatter [tilespmem:s30], [sflag:$0x1], $0x2800, $0x38;
	[tilespmem:$0x1EDE8] =	vst v63  }
0x42: {  	s20 =	rddreg [dreg:$0x17]  }
0x43: {  	[spmem:s20] =	stream.linear.scatter [tilespmem:s30], [sflag:$0x1], $0x2000, $0x38;
	[tilespmem:$0x1EDE8] =	vst v63  }
0x44: {  	s14 =	simm.s32 @!p0 $0x2760;
	s16 =	rddreg [dreg:$0x18]  }
0x45: {  	[spmem:s16] =	stream.linear.scatter @!p0 [tilespmem:s14], [sflag:$0x1], $0x800, $0x38;
	[tilespmem:$0x1EDE8] =	vst v63  }
0x46: {  	_ =	swait.ge [sflag:s31], $0x2800  }
0x47: {  	[sflag:s31] =	ssyncset.done $0x0  }
0x48: {  	[sflag:s31] =	ssyncadd.s32 $0xFFFFD800  }
0x49: {  	_ =	swait.ge [sflag:s31], $0x2800  }
0x4a: {  	[sflag:s31] =	ssyncset.done $0x0  }
0x4b: {  	[sflag:s31] =	ssyncadd.s32 $0xFFFFD800  }
0x4c: {  	_ =	swait.ge [sflag:s31], $0x2800  }
0x4d: {  	[sflag:s31] =	ssyncset.done $0x0  }
0x4e: {  	[sflag:s31] =	ssyncadd.s32 $0xFFFFD800  }
0x4f: {  	_ =	swait.ge [sflag:s31], $0x2800  }
0x50: {  	[sflag:s31] =	ssyncset.done $0x0  }
0x51: {  	[sflag:s31] =	ssyncadd.s32 $0xFFFFD800  }
0x52: {  	_ =	swait.ge [sflag:s31], $0x2800  }
0x53: {  	[sflag:s31] =	ssyncset.done $0x0  }
0x54: {  	[sflag:s31] =	ssyncadd.s32 $0xFFFFD800  }
0x55: {  	_ =	swait.ge [sflag:s31], $0x2800  }
0x56: {  	[sflag:s31] =	ssyncset.done $0x0  }
0x57: {  	[sflag:s31] =	ssyncadd.s32 $0xFFFFD800  }
0x58: {  	_ =	swait.ge [sflag:s31], $0x2800  }
0x59: {  	[sflag:s31] =	ssyncset.done $0x0  }
0x5a: {  	[sflag:s31] =	ssyncadd.s32 $0xFFFFD800  }
0x5b: {  	_ =	swait.ge [sflag:s31], $0x2000  }
0x5c: {  	[sflag:s31] =	ssyncset.done $0x0  }
0x5d: {  	s14 =	simm.s32 @!p0 $0x1;
	[sflag:s31] =	ssyncadd.s32 $0xFFFFE000  }
0x5e: {  	s28 =	stileid.u32;
	_ =	swait.ge @!p0 [sflag:s14], $0x800  }
0x5f: {  	s19 =	sshll.u32 s28, $0x6;
	s16 =	sshrl.u32 s22, $0x3;
	[sflag:s14] =	ssyncset.done @!p0 $0x0  }
0x60: {  	s20 =	rddreg [dreg:$0x14];
	[sflag:s14] =	ssyncadd.s32 @!p0 $0xFFFFF800;
	s14 =	sor.u32 $0x1C0A, s19  }
0x61: {  	[spmem:s16], [sflag:s14] =	dma.local [hbm:s20], $0x270  }
0x62: {  	_ =	swait.ge [sflag:s0], $0x270  }
0x63: {  	s19 =	simm.s32 @!p0 $0xA;
	[sflag:s0] =	ssyncset.done $0x0;
	s16 =	rddreg [dreg:$0x19]  }
0x64: {  	[sflag:s0] =	ssyncadd.s32 $0xFFFFFD90;
	s20 =	sshrl.u32 @!p0 s16, $0x3;
	s16 =	rddreg [dreg:$0x15]  }
0x65: {  	[spmem:s20], [sflag:s14] =	dma.local @!p0 [hbm:s16], $0x10  }
0x66: {  	_ =	swait.ge @!p0 [sflag:s19], $0x10  }
0x67: {  	[sflag:s19] =	ssyncset.done @!p0 $0x0  }
0x68: {  	s28 =	rddreg [dreg:$0x5];
	[sflag:s19] =	ssyncadd.s32 @!p0 $0xFFFFFFF0;
	s19 =	simm.s32 $0x0  }
0x69: {  	[tilespmem:s5], [sflag:$0xA] =	stream.linear.gather [hbm4b:s28+s19], $0x280, $0x38;
	[tilespmem:$0x1EDE8] =	vst v63  }
0x6a: {  	_ =	swait.ge [sflag:s0], $0x280  }
0x6b: {  	[sflag:s0] =	ssyncset.done $0x0  }
0x6c: {  	[sflag:s0] =	ssyncadd.s32 $0xFFFFFD80  }
0x6d: {  	[bflag:$0x0] =	sbarrier.arrive $0xFFFF  }
0x6e: {  	s28 =	rddreg [dreg:$0xc]  }
0x6f: {  	[tilespmem:s19], [sflag:$0xA] =	stream.linear.gather [hbm4b:s28+s19], $0x13B0, $0x38;
	[tilespmem:$0x1EDE8] =	vst v63  }
0x70: {  	_ =	swait.ge [sflag:s0], $0x13B0  }
0x71: {  	[sflag:s0] =	ssyncset.done $0x0  }
0x72: {  	s28 =	rddreg [dreg:$0xd];
	[sflag:s0] =	ssyncadd.s32 $0xFFFFEC50  }
0x73: {  	[tilespmem:s6], [sflag:$0xA] =	stream.linear.gather [hbm4b:s28+s19], $0x13B0, $0x38;
	[tilespmem:$0x1EDE8] =	vst v63  }
0x74: {  	_ =	swait.ge [sflag:s0], $0x13B0  }
0x75: {  	[sflag:s0] =	ssyncset.done $0x0  }
0x76: {  	[sflag:s0] =	ssyncadd.s32 $0xFFFFEC50  }
0x77: {  	[tilespmem:s30], [sflag:$0x1] =	stream.indirect.gather [hbm4b:s4+s8], $0x80, s19, s8, $0xb8;
	[tilespmem:$0x1EDE8] =	vst v63  }
0x78: {  	_ = 	snop  }
0x79: {  	[tilespmem:s9], [sflag:$0x2] =	stream.indirect.gather [hbm4b:s4+s8], $0x80, s8, s8, $0xb8;
	[tilespmem:$0x1EDE8] =	vst v63  }
0x7a: {  	_ = 	snop  }
0x7b: {  	[tilespmem:s11], [sflag:$0x3] =	stream.indirect.gather [hbm4b:s4+s8], $0x80, s23, s8, $0xb8;
	[tilespmem:$0x1EDE8] =	vst v63  }
0x7c: {  	_ =	swait.ge [sflag:s31], $0x2800  }
0x7d: {  	[sflag:s31] =	ssyncset.done $0x0  }
0x7e: {  	[sflag:s31] =	ssyncadd.s32 $0xFFFFD800  }
0x7f: {  	[spmem:s1] =	stream.indirect.scatter.add.f32 [tilespmem:s30], [sflag:$0x4], $0x80, s6, s8, $0xb8;
	[tilespmem:$0x1EDE8] =	vst v63  }
0x80: {  	_ = 	snop  }
0x81: {  	[spmem:s2] =	stream.indirect.scatter.add.f32 [tilespmem:s5], [sflag:$0x7], $0x8, s6, s8, $0xb8;
	[tilespmem:$0x1EDE8] =	vst v63  }
0x82: {  	_ =	swait.ge [sflag:s12], $0x2800  }
0x83: {  	[sflag:s12] =	ssyncset.done $0x0  }
0x84: {  	[sflag:s12] =	ssyncadd.s32 $0xFFFFD800  }
0x85: {  	_ =	swait.ge [sflag:s13], $0x280  }
0x86: {  	[sflag:s13] =	ssyncset.done $0x0  }
0x87: {  	s28 =	simm.s32 $0xF0;
	[sflag:s13] =	ssyncadd.s32 $0xFFFFFD80  }
0x88: {  	[tilespmem:s30], [sflag:$0x1] =	stream.indirect.gather [hbm4b:s4+s8], $0x80, s28, s8, $0xb8;
	[tilespmem:$0x1EDE8] =	vst v63  }
0x89: {  	_ =	swait.ge [sflag:s15], $0x2800  }
0x8a: {  	[sflag:s15] =	ssyncset.done $0x0  }
0x8b: {  	s19 =	simm.s32 $0x1400;
	[sflag:s15] =	ssyncadd.s32 $0xFFFFD800  }
0x8c: {  	[spmem:s1] =	stream.indirect.scatter.add.f32 [tilespmem:s9], [sflag:$0x5], $0x80, s19, s8, $0xb8;
	[tilespmem:$0x1EDE8] =	vst v63  }
0x8d: {  	_ = 	snop  }
0x8e: {  	[spmem:s2] =	stream.indirect.scatter.add.f32 [tilespmem:s5], [sflag:$0x8], $0x8, s19, s8, $0xb8;
	[tilespmem:$0x1EDE8] =	vst v63  }
0x8f: {  	_ =	swait.ge [sflag:s17], $0x2800  }
0x90: {  	[sflag:s17] =	ssyncset.done $0x0  }
0x91: {  	[sflag:s17] =	ssyncadd.s32 $0xFFFFD800  }
0x92: {  	_ =	swait.ge [sflag:s18], $0x280  }
0x93: {  	[sflag:s18] =	ssyncset.done $0x0  }
0x94: {  	s28 =	simm.s32 $0x140;
	[sflag:s18] =	ssyncadd.s32 $0xFFFFFD80  }
0x95: {  	[tilespmem:s9], [sflag:$0x2] =	stream.indirect.gather [hbm4b:s4+s8], $0x80, s28, s8, $0xb8;
	[tilespmem:$0x1EDE8] =	vst v63  }
0x96: {  	_ =	swait.ge [sflag:s21], $0x2800  }
0x97: {  	[sflag:s21] =	ssyncset.done $0x0  }
0x98: {  	s19 =	simm.s32 $0x1450;
	[sflag:s21] =	ssyncadd.s32 $0xFFFFD800  }
0x99: {  	[spmem:s1] =	stream.indirect.scatter.add.f32 [tilespmem:s11], [sflag:$0x6], $0x80, s19, s8, $0xb8;
	[tilespmem:$0x1EDE8] =	vst v63  }
0x9a: {  	_ = 	snop  }
0x9b: {  	[spmem:s2] =	stream.indirect.scatter.add.f32 [tilespmem:s5], [sflag:$0x9], $0x8, s19, s8, $0xb8;
	[tilespmem:$0x1EDE8] =	vst v63  }
0x9c: {  	_ =	swait.ge [sflag:s24], $0x2800  }
0x9d: {  	[sflag:s24] =	ssyncset.done $0x0  }
0x9e: {  	[sflag:s24] =	ssyncadd.s32 $0xFFFFD800  }
0x9f: {  	_ =	swait.ge [sflag:s25], $0x280  }
0xa0: {  	[sflag:s25] =	ssyncset.done $0x0  }
0xa1: {  	s28 =	simm.s32 $0x190;
	[sflag:s25] =	ssyncadd.s32 $0xFFFFFD80  }
0xa2: {  	[tilespmem:s11], [sflag:$0x3] =	stream.indirect.gather [hbm4b:s4+s8], $0x80, s28, s8, $0xb8;
	[tilespmem:$0x1EDE8] =	vst v63  }
0xa3: {  	_ =	swait.ge [sflag:s31], $0x2800  }
0xa4: {  	[sflag:s31] =	ssyncset.done $0x0  }
0xa5: {  	s16 =	simm.s32 $0x14A0;
	[sflag:s31] =	ssyncadd.s32 $0xFFFFD800  }
0xa6: {  	[spmem:s1] =	stream.indirect.scatter.add.f32 [tilespmem:s30], [sflag:$0x4], $0x80, s16, s8, $0xb8;
	[tilespmem:$0x1EDE8] =	vst v63  }
0xa7: {  	_ = 	snop  }
0xa8: {  	[spmem:s2] =	stream.indirect.scatter.add.f32 [tilespmem:s5], [sflag:$0x7], $0x8, s16, s8, $0xb8;
	[tilespmem:$0x1EDE8] =	vst v63  }
0xa9: {  	_ =	swait.ge [sflag:s12], $0x2800  }
0xaa: {  	[sflag:s12] =	ssyncset.done $0x0  }
0xab: {  	[sflag:s12] =	ssyncadd.s32 $0xFFFFD800  }
0xac: {  	_ =	swait.ge [sflag:s13], $0x280  }
0xad: {  	[sflag:s13] =	ssyncset.done $0x0  }
0xae: {  	s28 =	simm.s32 $0x1E0;
	[sflag:s13] =	ssyncadd.s32 $0xFFFFFD80  }
0xaf: {  	[tilespmem:s30], [sflag:$0x1] =	stream.indirect.gather [hbm4b:s4+s8], $0x80, s28, s8, $0xb8;
	[tilespmem:$0x1EDE8] =	vst v63  }
0xb0: {  	_ =	swait.ge [sflag:s15], $0x2800  }
0xb1: {  	[sflag:s15] =	ssyncset.done $0x0  }
0xb2: {  	s16 =	simm.s32 $0x14F0;
	[sflag:s15] =	ssyncadd.s32 $0xFFFFD800  }
0xb3: {  	[spmem:s1] =	stream.indirect.scatter.add.f32 [tilespmem:s9], [sflag:$0x5], $0x80, s16, s8, $0xb8;
	[tilespmem:$0x1EDE8] =	vst v63  }
0xb4: {  	_ = 	snop  }
0xb5: {  	[spmem:s2] =	stream.indirect.scatter.add.f32 [tilespmem:s5], [sflag:$0x8], $0x8, s16, s8, $0xb8;
	[tilespmem:$0x1EDE8] =	vst v63  }
0xb6: {  	_ =	swait.ge [sflag:s17], $0x2800  }
0xb7: {  	[sflag:s17] =	ssyncset.done $0x0  }
0xb8: {  	[sflag:s17] =	ssyncadd.s32 $0xFFFFD800  }
0xb9: {  	_ =	swait.ge [sflag:s18], $0x280  }
0xba: {  	[sflag:s18] =	ssyncset.done $0x0  }
0xbb: {  	s28 =	simm.s32 $0x230;
	[sflag:s18] =	ssyncadd.s32 $0xFFFFFD80  }
0xbc: {  	[tilespmem:s9], [sflag:$0x2] =	stream.indirect.gather [hbm4b:s4+s8], $0x80, s28, s8, $0xb8;
	[tilespmem:$0x1EDE8] =	vst v63  }
0xbd: {  	_ =	swait.ge [sflag:s21], $0x2800  }
0xbe: {  	[sflag:s21] =	ssyncset.done $0x0  }
0xbf: {  	s29 =	simm.s32 $0x3C0;
	s19 =	simm.s32 $0x1540;
	[sflag:s21] =	ssyncadd.s32 $0xFFFFD800  }
0xc0: {  	[spmem:s1] =	stream.indirect.scatter.add.f32 [tilespmem:s11], [sflag:$0x6], $0x80, s19, s8, $0xb8;
	[tilespmem:$0x1EDE8] =	vst v63  }
.LBB2_4:
0xc1: {  	[spmem:s2] =	stream.indirect.scatter.add.f32 [tilespmem:s5], [sflag:$0x9], $0x8, s19, s8, $0xb8;
	[tilespmem:$0x1EDE8] =	vst v63  }
0xc2: {  	s19 =	smov.u32 s29  }
0xc3: {  	p1 =	sne.s32 s29, $0x4380;
	s29 =	sadd.s32 $0x3C0, s29;
	_ =	swait.ge [sflag:s24], $0x2800  }
0xc4: {  	[sflag:s24] =	ssyncset.done $0x0  }
0xc5: {  	[sflag:s24] =	ssyncadd.s32 $0xFFFFD800  }
0xc6: {  	_ =	swait.ge [sflag:s25], $0x280  }
0xc7: {  	s19 =	sshra.s32 s19, $0x2;
	[sflag:s25] =	ssyncset.done $0x0  }
0xc8: {  	s28 =	sadd.s32 $0x190, s19;
	[sflag:s25] =	ssyncadd.s32 $0xFFFFFD80  }
0xc9: {  	[tilespmem:s11], [sflag:$0x3] =	stream.indirect.gather [hbm4b:s4+s8], $0x80, s28, s8, $0xb8;
	[tilespmem:$0x1EDE8] =	vst v63  }
0xca: {  	_ =	swait.ge [sflag:s31], $0x2800  }
0xcb: {  	[sflag:s31] =	ssyncset.done $0x0  }
0xcc: {  	s28 =	sadd.s32 $0x14A0, s19;
	[sflag:s31] =	ssyncadd.s32 $0xFFFFD800  }
0xcd: {  	[spmem:s1] =	stream.indirect.scatter.add.f32 [tilespmem:s30], [sflag:$0x4], $0x80, s28, s8, $0xb8;
	[tilespmem:$0x1EDE8] =	vst v63  }
0xce: {  	_ = 	snop  }
0xcf: {  	[spmem:s2] =	stream.indirect.scatter.add.f32 [tilespmem:s5], [sflag:$0x7], $0x8, s28, s8, $0xb8;
	[tilespmem:$0x1EDE8] =	vst v63  }
0xd0: {  	_ =	swait.ge [sflag:s12], $0x2800  }
0xd1: {  	[sflag:s12] =	ssyncset.done $0x0  }
0xd2: {  	[sflag:s12] =	ssyncadd.s32 $0xFFFFD800  }
0xd3: {  	_ =	swait.ge [sflag:s13], $0x280  }
0xd4: {  	[sflag:s13] =	ssyncset.done $0x0  }
0xd5: {  	s28 =	sadd.s32 $0x1E0, s19;
	[sflag:s13] =	ssyncadd.s32 $0xFFFFFD80  }
0xd6: {  	[tilespmem:s30], [sflag:$0x1] =	stream.indirect.gather [hbm4b:s4+s8], $0x80, s28, s8, $0xb8;
	[tilespmem:$0x1EDE8] =	vst v63  }
0xd7: {  	_ =	swait.ge [sflag:s15], $0x2800  }
0xd8: {  	[sflag:s15] =	ssyncset.done $0x0  }
0xd9: {  	s28 =	sadd.s32 $0x14F0, s19;
	[sflag:s15] =	ssyncadd.s32 $0xFFFFD800  }
0xda: {  	[spmem:s1] =	stream.indirect.scatter.add.f32 [tilespmem:s9], [sflag:$0x5], $0x80, s28, s8, $0xb8;
	[tilespmem:$0x1EDE8] =	vst v63  }
0xdb: {  	_ = 	snop  }
0xdc: {  	[spmem:s2] =	stream.indirect.scatter.add.f32 [tilespmem:s5], [sflag:$0x8], $0x8, s28, s8, $0xb8;
	[tilespmem:$0x1EDE8] =	vst v63  }
0xdd: {  	_ =	swait.ge [sflag:s17], $0x2800  }
0xde: {  	[sflag:s17] =	ssyncset.done $0x0  }
0xdf: {  	[sflag:s17] =	ssyncadd.s32 $0xFFFFD800  }
0xe0: {  	_ =	swait.ge [sflag:s18], $0x280  }
0xe1: {  	[sflag:s18] =	ssyncset.done $0x0  }
0xe2: {  	s28 =	sadd.s32 $0x230, s19;
	[sflag:s18] =	ssyncadd.s32 $0xFFFFFD80  }
0xe3: {  	[tilespmem:s9], [sflag:$0x2] =	stream.indirect.gather [hbm4b:s4+s8], $0x80, s28, s8, $0xb8;
	[tilespmem:$0x1EDE8] =	vst v63  }
.Ltmp1:
0xe4: {  	_ = 	snop;
	(pc) =	sbr.rel @p1 .LBB2_4-.Ltmp1, $4  }
0xe5: {  	_ =	swait.ge [sflag:s21], $0x2800  }
0xe6: {  	[sflag:s21] =	ssyncset.done $0x0  }
0xe7: {  	s19 =	sadd.s32 $0x1540, s19;
	[sflag:s21] =	ssyncadd.s32 $0xFFFFD800  }
0xe8: {  	[spmem:s1] =	stream.indirect.scatter.add.f32 [tilespmem:s11], [sflag:$0x6], $0x80, s19, s8, $0xb8;
	[tilespmem:$0x1EDE8] =	vst v63  }
0xe9: {  	[spmem:s2] =	stream.indirect.scatter.add.f32 [tilespmem:s5], [sflag:$0x9], $0x8, s19, s8, $0xb8;
	[tilespmem:$0x1EDE8] =	vst v63  }
0xea: {  	_ =	swait.ge [sflag:s24], $0x2800  }
0xeb: {  	[sflag:s24] =	ssyncset.done $0x0  }
0xec: {  	[sflag:s24] =	ssyncadd.s32 $0xFFFFD800  }
0xed: {  	_ =	swait.ge [sflag:s25], $0x280  }
0xee: {  	[sflag:s25] =	ssyncset.done $0x0  }
0xef: {  	s16 =	simm.s32 $0x1360;
	[sflag:s25] =	ssyncadd.s32 $0xFFFFFD80  }
0xf0: {  	[tilespmem:s11], [sflag:$0x3] =	stream.indirect.gather [hbm4b:s4+s8], $0x80, s16, s8, $0xb8;
	[tilespmem:$0x1EDE8] =	vst v63  }
0xf1: {  	_ =	swait.ge [sflag:s31], $0x2800  }
0xf2: {  	[sflag:s31] =	ssyncset.done $0x0  }
0xf3: {  	[sflag:s31] =	ssyncadd.s32 $0xFFFFD800  }
0xf4: {  	[spmem:s1] =	stream.indirect.scatter.add.f32 [tilespmem:s30], [sflag:$0x4], $0x80, s26, s8, $0xb8;
	[tilespmem:$0x1EDE8] =	vst v63  }
0xf5: {  	_ = 	snop  }
0xf6: {  	[spmem:s2] =	stream.indirect.scatter.add.f32 [tilespmem:s5], [sflag:$0x7], $0x8, s26, s8, $0xb8;
	[tilespmem:$0x1EDE8] =	vst v63  }
0xf7: {  	_ =	swait.ge [sflag:s12], $0x2800  }
0xf8: {  	[sflag:s12] =	ssyncset.done $0x0  }
0xf9: {  	[sflag:s12] =	ssyncadd.s32 $0xFFFFD800  }
0xfa: {  	_ =	swait.ge [sflag:s13], $0x280  }
0xfb: {  	[sflag:s13] =	ssyncset.done $0x0  }
0xfc: {  	[sflag:s13] =	ssyncadd.s32 $0xFFFFFD80  }
0xfd: {  	_ =	swait.ge [sflag:s15], $0x2800  }
0xfe: {  	[sflag:s15] =	ssyncset.done $0x0  }
0xff: {  	[sflag:s15] =	ssyncadd.s32 $0xFFFFD800  }
0x100: {  	[spmem:s1] =	stream.indirect.scatter.add.f32 [tilespmem:s9], [sflag:$0x5], $0x80, s10, s8, $0xb8;
	[tilespmem:$0x1EDE8] =	vst v63  }
0x101: {  	_ = 	snop  }
0x102: {  	[spmem:s2] =	stream.indirect.scatter.add.f32 [tilespmem:s5], [sflag:$0x8], $0x8, s10, s8, $0xb8;
	[tilespmem:$0x1EDE8] =	vst v63  }
0x103: {  	_ =	swait.ge [sflag:s17], $0x2800  }
0x104: {  	[sflag:s17] =	ssyncset.done $0x0  }
0x105: {  	[sflag:s17] =	ssyncadd.s32 $0xFFFFD800  }
0x106: {  	_ =	swait.ge [sflag:s18], $0x280  }
0x107: {  	[sflag:s18] =	ssyncset.done $0x0  }
0x108: {  	[sflag:s18] =	ssyncadd.s32 $0xFFFFFD80  }
0x109: {  	_ =	swait.ge [sflag:s21], $0x2800  }
0x10a: {  	[sflag:s21] =	ssyncset.done $0x0  }
0x10b: {  	s19 =	simm.s32 $0x2710;
	[sflag:s21] =	ssyncadd.s32 $0xFFFFD800  }
0x10c: {  	[spmem:s1] =	stream.indirect.scatter.add.f32 [tilespmem:s11], [sflag:$0x6], $0x80, s19, s8, $0xb8;
	[tilespmem:$0x1EDE8] =	vst v63  }
0x10d: {  	_ = 	snop  }
0x10e: {  	[spmem:s2] =	stream.indirect.scatter.add.f32 [tilespmem:s5], [sflag:$0x9], $0x8, s19, s8, $0xb8;
	[tilespmem:$0x1EDE8] =	vst v63  }
0x10f: {  	_ =	swait.ge [sflag:s24], $0x2800  }
0x110: {  	[sflag:s24] =	ssyncset.done $0x0  }
0x111: {  	[sflag:s24] =	ssyncadd.s32 $0xFFFFD800  }
0x112: {  	_ =	swait.ge [sflag:s25], $0x280  }
0x113: {  	[sflag:s25] =	ssyncset.done $0x0  }
0x114: {  	s19 =	simm.s32 $0x0;
	s28 =	rddreg [dreg:$0xe];
	[sflag:s25] =	ssyncadd.s32 $0xFFFFFD80  }
0x115: {  	[tilespmem:s19], [sflag:$0xA] =	stream.linear.gather [hbm4b:s28+s19], $0x1360, $0x38;
	[tilespmem:$0x1EDE8] =	vst v63  }
0x116: {  	_ =	swait.ge [sflag:s0], $0x1360  }
0x117: {  	[sflag:s0] =	ssyncset.done $0x0  }
0x118: {  	s28 =	rddreg [dreg:$0xf];
	[sflag:s0] =	ssyncadd.s32 $0xFFFFECA0  }
0x119: {  	[tilespmem:s6], [sflag:$0xA] =	stream.linear.gather [hbm4b:s28+s19], $0x1360, $0x38;
	[tilespmem:$0x1EDE8] =	vst v63  }
0x11a: {  	_ =	swait.ge [sflag:s0], $0x1360  }
0x11b: {  	[sflag:s0] =	ssyncset.done $0x0  }
0x11c: {  	[sflag:s0] =	ssyncadd.s32 $0xFFFFECA0  }
0x11d: {  	[tilespmem:s30], [sflag:$0x1] =	stream.indirect.gather [hbm4b:s4+s8], $0x80, s19, s8, $0xb8;
	[tilespmem:$0x1EDE8] =	vst v63  }
0x11e: {  	_ = 	snop  }
0x11f: {  	[tilespmem:s9], [sflag:$0x2] =	stream.indirect.gather [hbm4b:s4+s8], $0x80, s8, s8, $0xb8;
	[tilespmem:$0x1EDE8] =	vst v63  }
0x120: {  	_ = 	snop  }
0x121: {  	[tilespmem:s11], [sflag:$0x3] =	stream.indirect.gather [hbm4b:s4+s8], $0x80, s23, s8, $0xb8;
	[tilespmem:$0x1EDE8] =	vst v63  }
0x122: {  	_ =	swait.ge [sflag:s31], $0x2800  }
0x123: {  	[sflag:s31] =	ssyncset.done $0x0  }
0x124: {  	[sflag:s31] =	ssyncadd.s32 $0xFFFFD800  }
0x125: {  	[spmem:s1] =	stream.indirect.scatter.add.f32 [tilespmem:s30], [sflag:$0x4], $0x80, s6, s8, $0xb8;
	[tilespmem:$0x1EDE8] =	vst v63  }
0x126: {  	_ = 	snop  }
0x127: {  	[spmem:s2] =	stream.indirect.scatter.add.f32 [tilespmem:s5], [sflag:$0x7], $0x8, s6, s8, $0xb8;
	[tilespmem:$0x1EDE8] =	vst v63  }
0x128: {  	_ =	swait.ge [sflag:s12], $0x2800  }
0x129: {  	[sflag:s12] =	ssyncset.done $0x0  }
0x12a: {  	[sflag:s12] =	ssyncadd.s32 $0xFFFFD800  }
0x12b: {  	_ =	swait.ge [sflag:s13], $0x280  }
0x12c: {  	[sflag:s13] =	ssyncset.done $0x0  }
0x12d: {  	s19 =	simm.s32 $0xF0;
	[sflag:s13] =	ssyncadd.s32 $0xFFFFFD80  }
0x12e: {  	[tilespmem:s30], [sflag:$0x1] =	stream.indirect.gather [hbm4b:s4+s8], $0x80, s19, s8, $0xb8;
	[tilespmem:$0x1EDE8] =	vst v63  }
0x12f: {  	_ =	swait.ge [sflag:s15], $0x2800  }
0x130: {  	[sflag:s15] =	ssyncset.done $0x0  }
0x131: {  	s23 =	simm.s32 $0x1400;
	[sflag:s15] =	ssyncadd.s32 $0xFFFFD800  }
0x132: {  	[spmem:s1] =	stream.indirect.scatter.add.f32 [tilespmem:s9], [sflag:$0x5], $0x80, s23, s8, $0xb8;
	[tilespmem:$0x1EDE8] =	vst v63  }
0x133: {  	_ = 	snop  }
0x134: {  	[spmem:s2] =	stream.indirect.scatter.add.f32 [tilespmem:s5], [sflag:$0x8], $0x8, s23, s8, $0xb8;
	[tilespmem:$0x1EDE8] =	vst v63  }
0x135: {  	_ =	swait.ge [sflag:s17], $0x2800  }
0x136: {  	[sflag:s17] =	ssyncset.done $0x0  }
0x137: {  	[sflag:s17] =	ssyncadd.s32 $0xFFFFD800  }
0x138: {  	_ =	swait.ge [sflag:s18], $0x280  }
0x139: {  	[sflag:s18] =	ssyncset.done $0x0  }
0x13a: {  	s28 =	simm.s32 $0x140;
	[sflag:s18] =	ssyncadd.s32 $0xFFFFFD80  }
0x13b: {  	[tilespmem:s9], [sflag:$0x2] =	stream.indirect.gather [hbm4b:s4+s8], $0x80, s28, s8, $0xb8;
	[tilespmem:$0x1EDE8] =	vst v63  }
0x13c: {  	_ =	swait.ge [sflag:s21], $0x2800  }
0x13d: {  	[sflag:s21] =	ssyncset.done $0x0  }
0x13e: {  	s19 =	simm.s32 $0x1450;
	[sflag:s21] =	ssyncadd.s32 $0xFFFFD800  }
0x13f: {  	[spmem:s1] =	stream.indirect.scatter.add.f32 [tilespmem:s11], [sflag:$0x6], $0x80, s19, s8, $0xb8;
	[tilespmem:$0x1EDE8] =	vst v63  }
0x140: {  	_ = 	snop  }
0x141: {  	[spmem:s2] =	stream.indirect.scatter.add.f32 [tilespmem:s5], [sflag:$0x9], $0x8, s19, s8, $0xb8;
	[tilespmem:$0x1EDE8] =	vst v63  }
0x142: {  	_ =	swait.ge [sflag:s24], $0x2800  }
0x143: {  	[sflag:s24] =	ssyncset.done $0x0  }
0x144: {  	[sflag:s24] =	ssyncadd.s32 $0xFFFFD800  }
0x145: {  	_ =	swait.ge [sflag:s25], $0x280  }
0x146: {  	[sflag:s25] =	ssyncset.done $0x0  }
0x147: {  	s23 =	simm.s32 $0x190;
	[sflag:s25] =	ssyncadd.s32 $0xFFFFFD80  }
0x148: {  	[tilespmem:s11], [sflag:$0x3] =	stream.indirect.gather [hbm4b:s4+s8], $0x80, s23, s8, $0xb8;
	[tilespmem:$0x1EDE8] =	vst v63  }
0x149: {  	_ =	swait.ge [sflag:s31], $0x2800  }
0x14a: {  	[sflag:s31] =	ssyncset.done $0x0  }
0x14b: {  	s28 =	simm.s32 $0x14A0;
	[sflag:s31] =	ssyncadd.s32 $0xFFFFD800  }
0x14c: {  	[spmem:s1] =	stream.indirect.scatter.add.f32 [tilespmem:s30], [sflag:$0x4], $0x80, s28, s8, $0xb8;
	[tilespmem:$0x1EDE8] =	vst v63  }
0x14d: {  	_ = 	snop  }
0x14e: {  	[spmem:s2] =	stream.indirect.scatter.add.f32 [tilespmem:s5], [sflag:$0x7], $0x8, s28, s8, $0xb8;
	[tilespmem:$0x1EDE8] =	vst v63  }
0x14f: {  	_ =	swait.ge [sflag:s12], $0x2800  }
0x150: {  	[sflag:s12] =	ssyncset.done $0x0  }
0x151: {  	[sflag:s12] =	ssyncadd.s32 $0xFFFFD800  }
0x152: {  	_ =	swait.ge [sflag:s13], $0x280  }
0x153: {  	[sflag:s13] =	ssyncset.done $0x0  }
0x154: {  	s16 =	simm.s32 $0x1E0;
	[sflag:s13] =	ssyncadd.s32 $0xFFFFFD80  }
0x155: {  	[tilespmem:s30], [sflag:$0x1] =	stream.indirect.gather [hbm4b:s4+s8], $0x80, s16, s8, $0xb8;
	[tilespmem:$0x1EDE8] =	vst v63  }
0x156: {  	_ =	swait.ge [sflag:s15], $0x2800  }
0x157: {  	[sflag:s15] =	ssyncset.done $0x0  }
0x158: {  	s23 =	simm.s32 $0x14F0;
	[sflag:s15] =	ssyncadd.s32 $0xFFFFD800  }
0x159: {  	[spmem:s1] =	stream.indirect.scatter.add.f32 [tilespmem:s9], [sflag:$0x5], $0x80, s23, s8, $0xb8;
	[tilespmem:$0x1EDE8] =	vst v63  }
0x15a: {  	_ = 	snop  }
0x15b: {  	[spmem:s2] =	stream.indirect.scatter.add.f32 [tilespmem:s5], [sflag:$0x8], $0x8, s23, s8, $0xb8;
	[tilespmem:$0x1EDE8] =	vst v63  }
0x15c: {  	_ =	swait.ge [sflag:s17], $0x2800  }
0x15d: {  	[sflag:s17] =	ssyncset.done $0x0  }
0x15e: {  	[sflag:s17] =	ssyncadd.s32 $0xFFFFD800  }
0x15f: {  	_ =	swait.ge [sflag:s18], $0x280  }
0x160: {  	[sflag:s18] =	ssyncset.done $0x0  }
0x161: {  	s28 =	simm.s32 $0x230;
	[sflag:s18] =	ssyncadd.s32 $0xFFFFFD80  }
0x162: {  	[tilespmem:s9], [sflag:$0x2] =	stream.indirect.gather [hbm4b:s4+s8], $0x80, s28, s8, $0xb8;
	[tilespmem:$0x1EDE8] =	vst v63  }
0x163: {  	_ =	swait.ge [sflag:s21], $0x2800  }
0x164: {  	[sflag:s21] =	ssyncset.done $0x0  }
0x165: {  	s29 =	simm.s32 $0x3C0;
	s19 =	simm.s32 $0x1540;
	[sflag:s21] =	ssyncadd.s32 $0xFFFFD800  }
0x166: {  	[spmem:s1] =	stream.indirect.scatter.add.f32 [tilespmem:s11], [sflag:$0x6], $0x80, s19, s8, $0xb8;
	[tilespmem:$0x1EDE8] =	vst v63  }
.LBB2_6:
0x167: {  	[spmem:s2] =	stream.indirect.scatter.add.f32 [tilespmem:s5], [sflag:$0x9], $0x8, s19, s8, $0xb8;
	[tilespmem:$0x1EDE8] =	vst v63  }
0x168: {  	s19 =	smov.u32 s29  }
0x169: {  	p1 =	sne.s32 s29, $0x4380;
	s29 =	sadd.s32 $0x3C0, s29;
	_ =	swait.ge [sflag:s24], $0x2800  }
0x16a: {  	[sflag:s24] =	ssyncset.done $0x0  }
0x16b: {  	[sflag:s24] =	ssyncadd.s32 $0xFFFFD800  }
0x16c: {  	_ =	swait.ge [sflag:s25], $0x280  }
0x16d: {  	s19 =	sshra.s32 s19, $0x2;
	[sflag:s25] =	ssyncset.done $0x0  }
0x16e: {  	s28 =	sadd.s32 $0x190, s19;
	[sflag:s25] =	ssyncadd.s32 $0xFFFFFD80  }
0x16f: {  	[tilespmem:s11], [sflag:$0x3] =	stream.indirect.gather [hbm4b:s4+s8], $0x80, s28, s8, $0xb8;
	[tilespmem:$0x1EDE8] =	vst v63  }
0x170: {  	_ =	swait.ge [sflag:s31], $0x2800  }
0x171: {  	[sflag:s31] =	ssyncset.done $0x0  }
0x172: {  	s28 =	sadd.s32 $0x14A0, s19;
	[sflag:s31] =	ssyncadd.s32 $0xFFFFD800  }
0x173: {  	[spmem:s1] =	stream.indirect.scatter.add.f32 [tilespmem:s30], [sflag:$0x4], $0x80, s28, s8, $0xb8;
	[tilespmem:$0x1EDE8] =	vst v63  }
0x174: {  	_ = 	snop  }
0x175: {  	[spmem:s2] =	stream.indirect.scatter.add.f32 [tilespmem:s5], [sflag:$0x7], $0x8, s28, s8, $0xb8;
	[tilespmem:$0x1EDE8] =	vst v63  }
0x176: {  	_ =	swait.ge [sflag:s12], $0x2800  }
0x177: {  	[sflag:s12] =	ssyncset.done $0x0  }
0x178: {  	[sflag:s12] =	ssyncadd.s32 $0xFFFFD800  }
0x179: {  	_ =	swait.ge [sflag:s13], $0x280  }
0x17a: {  	[sflag:s13] =	ssyncset.done $0x0  }
0x17b: {  	s28 =	sadd.s32 $0x1E0, s19;
	[sflag:s13] =	ssyncadd.s32 $0xFFFFFD80  }
0x17c: {  	[tilespmem:s30], [sflag:$0x1] =	stream.indirect.gather [hbm4b:s4+s8], $0x80, s28, s8, $0xb8;
	[tilespmem:$0x1EDE8] =	vst v63  }
0x17d: {  	_ =	swait.ge [sflag:s15], $0x2800  }
0x17e: {  	[sflag:s15] =	ssyncset.done $0x0  }
0x17f: {  	s28 =	sadd.s32 $0x14F0, s19;
	[sflag:s15] =	ssyncadd.s32 $0xFFFFD800  }
0x180: {  	[spmem:s1] =	stream.indirect.scatter.add.f32 [tilespmem:s9], [sflag:$0x5], $0x80, s28, s8, $0xb8;
	[tilespmem:$0x1EDE8] =	vst v63  }
0x181: {  	_ = 	snop  }
0x182: {  	[spmem:s2] =	stream.indirect.scatter.add.f32 [tilespmem:s5], [sflag:$0x8], $0x8, s28, s8, $0xb8;
	[tilespmem:$0x1EDE8] =	vst v63  }
0x183: {  	_ =	swait.ge [sflag:s17], $0x2800  }
0x184: {  	[sflag:s17] =	ssyncset.done $0x0  }
0x185: {  	[sflag:s17] =	ssyncadd.s32 $0xFFFFD800  }
0x186: {  	_ =	swait.ge [sflag:s18], $0x280  }
0x187: {  	[sflag:s18] =	ssyncset.done $0x0  }
0x188: {  	s28 =	sadd.s32 $0x230, s19;
	[sflag:s18] =	ssyncadd.s32 $0xFFFFFD80  }
0x189: {  	[tilespmem:s9], [sflag:$0x2] =	stream.indirect.gather [hbm4b:s4+s8], $0x80, s28, s8, $0xb8;
	[tilespmem:$0x1EDE8] =	vst v63  }
.Ltmp2:
0x18a: {  	_ = 	snop;
	(pc) =	sbr.rel @p1 .LBB2_6-.Ltmp2, $4  }
0x18b: {  	_ =	swait.ge [sflag:s21], $0x2800  }
0x18c: {  	[sflag:s21] =	ssyncset.done $0x0  }
0x18d: {  	s19 =	sadd.s32 $0x1540, s19;
	[sflag:s21] =	ssyncadd.s32 $0xFFFFD800  }
0x18e: {  	[spmem:s1] =	stream.indirect.scatter.add.f32 [tilespmem:s11], [sflag:$0x6], $0x80, s19, s8, $0xb8;
	[tilespmem:$0x1EDE8] =	vst v63  }
0x18f: {  	[spmem:s2] =	stream.indirect.scatter.add.f32 [tilespmem:s5], [sflag:$0x9], $0x8, s19, s8, $0xb8;
	[tilespmem:$0x1EDE8] =	vst v63  }
0x190: {  	_ =	swait.ge [sflag:s24], $0x2800  }
0x191: {  	[sflag:s24] =	ssyncset.done $0x0  }
0x192: {  	[sflag:s24] =	ssyncadd.s32 $0xFFFFD800  }
0x193: {  	_ =	swait.ge [sflag:s25], $0x280  }
0x194: {  	[sflag:s25] =	ssyncset.done $0x0  }
0x195: {  	[sflag:s25] =	ssyncadd.s32 $0xFFFFFD80  }
0x196: {  	_ =	swait.ge [sflag:s31], $0x2800  }
0x197: {  	[sflag:s31] =	ssyncset.done $0x0  }
0x198: {  	[sflag:s31] =	ssyncadd.s32 $0xFFFFD800  }
0x199: {  	[spmem:s1] =	stream.indirect.scatter.add.f32 [tilespmem:s30], [sflag:$0x4], $0x80, s26, s8, $0xb8;
	[tilespmem:$0x1EDE8] =	vst v63  }
0x19a: {  	_ = 	snop  }
0x19b: {  	[spmem:s2] =	stream.indirect.scatter.add.f32 [tilespmem:s5], [sflag:$0x7], $0x8, s26, s8, $0xb8;
	[tilespmem:$0x1EDE8] =	vst v63  }
0x19c: {  	_ =	swait.ge [sflag:s12], $0x2800  }
0x19d: {  	[sflag:s12] =	ssyncset.done $0x0  }
0x19e: {  	[sflag:s12] =	ssyncadd.s32 $0xFFFFD800  }
0x19f: {  	_ =	swait.ge [sflag:s13], $0x280  }
0x1a0: {  	[sflag:s13] =	ssyncset.done $0x0  }
0x1a1: {  	[sflag:s13] =	ssyncadd.s32 $0xFFFFFD80  }
0x1a2: {  	_ =	swait.ge [sflag:s15], $0x2800  }
0x1a3: {  	[sflag:s15] =	ssyncset.done $0x0  }
0x1a4: {  	[sflag:s15] =	ssyncadd.s32 $0xFFFFD800  }
0x1a5: {  	[spmem:s1] =	stream.indirect.scatter.add.f32 [tilespmem:s9], [sflag:$0x5], $0x80, s10, s8, $0xb8;
	[tilespmem:$0x1EDE8] =	vst v63  }
0x1a6: {  	_ = 	snop  }
0x1a7: {  	[spmem:s2] =	stream.indirect.scatter.add.f32 [tilespmem:s5], [sflag:$0x8], $0x8, s10, s8, $0xb8;
	[tilespmem:$0x1EDE8] =	vst v63  }
0x1a8: {  	_ =	swait.ge [sflag:s17], $0x2800  }
0x1a9: {  	[sflag:s17] =	ssyncset.done $0x0  }
0x1aa: {  	[sflag:s17] =	ssyncadd.s32 $0xFFFFD800  }
0x1ab: {  	_ =	swait.ge [sflag:s18], $0x280  }
0x1ac: {  	[sflag:s18] =	ssyncset.done $0x0  }
0x1ad: {  	[sflag:s18] =	ssyncadd.s32 $0xFFFFFD80  }
0x1ae: {  	[bflag:$0x0] =	sbarrier.arrive $0xFFFF  }
0x1af: {  	s28 =	sshrl.u32 s7, $0x3;
	s16 =	rddreg [dreg:$0x10]  }
0x1b0: {  	[hbm:s16], [sflag:s14] =	dma.local [spmem:s28], $0x2700  }
0x1b1: {  	_ =	swait.ge [sflag:s0], $0x2700  }
0x1b2: {  	s19 =	sshrl.u32 @p0 s22, $0x3;
	s29 =	simm.s32 @p0 $0x1;
	[sflag:s0] =	ssyncset.done $0x0  }
0x1b3: {  	s28 =	simm.s32 @p0 $0x10;
	s23 =	rddreg [dreg:$0x11];
	[sflag:s0] =	ssyncadd.s32 $0xFFFFD900  }
0x1b4: {  	[hbm:s23@s28], [sflag:s14] =	dma.strided @p0 [spmem:s19@s29], $0x270, s29, $0x1   }
0x1b5: {  	s19 =	simm.s32 @p0 $0xA  }
0x1b6: {  	_ =	swait.ge @p0 [sflag:s19], $0x270  }
0x1b7: {  	[sflag:s19] =	ssyncset.done @p0 $0x0;
	s16 =	rddreg [dreg:$0x18]  }
0x1b8: {  	[sflag:s19] =	ssyncadd.s32 @p0 $0xFFFFFD90;
	s19 =	sshrl.u32 @!p0 s16, $0x3;
	s16 =	rddreg [dreg:$0x12]  }
0x1b9: {  	[hbm:s16], [sflag:s14] =	dma.local @!p0 [spmem:s19], $0x100  }
0x1ba: {  	s19 =	simm.s32 @!p0 $0xA  }
0x1bb: {  	_ =	swait.ge @!p0 [sflag:s19], $0x100  }
0x1bc: {  	s28 =	sshrl.u32 @!p0 s22, $0x3;
	[sflag:s19] =	ssyncset.done @!p0 $0x0  }
0x1bd: {  	s29 =	simm.s32 @!p0 $0x10;
	s16 =	simm.s32 @!p0 $0x1;
	[sflag:s19] =	ssyncadd.s32 @!p0 $0xFFFFFF00  }
0x1be: {  	[hbm:s23@s29], [sflag:s14] =	dma.strided @!p0 [spmem:s28@s16], $0x270, s16, $0x1   }
0x1bf: {  	_ =	swait.ge @!p0 [sflag:s19], $0x270  }
0x1c0: {  	[sflag:s19] =	ssyncset.done @!p0 $0x0  }
0x1c1: {  	s23 =	rddreg [dreg:$0x13];
	[sflag:s19] =	ssyncadd.s32 @!p0 $0xFFFFFD90  }
0x1c2: {  	[hbm:s23@s29], [sflag:s14] =	dma.strided @!p0 [spmem:s20@s16], $0x10, s16, $0x1   }
0x1c3: {  	_ =	swait.ge @!p0 [sflag:s19], $0x10  }
0x1c4: {  	s3 =	sadd.s32 $0x1, s3;
	s29 =	rddreg [dreg:$0x16]  }
0x1c5: {  	p1 =	sne.s32 s3, s29  }
.Ltmp3:
0x1c6: {  	_ = 	snop;
	(pc) =	sbr.rel @p1 .LBB2_1-.Ltmp3, $3  }
0x1c7: {  	_ =	sdelay $0x1  }
0x1c8: {  	[sflag:s19] =	ssyncset.done @!p0 $0x0  }
0x1c9: {  	s23 =	simm.s32 $0xA0;
	[sflag:s19] =	ssyncadd.s32 @!p0 $0xFFFFFFF0  }
0x1ca: {  	_ =	sfence.sel $0x180000  }
0x1cb: {  	[bflag:$0x0] =	sbarrier.arrive $0xFFFF  }
0x1cc: {  	_ =	strace $0x90000047  }
0x1cd: {  	[bflag:$0x2] =	sbarrier.arrive $0xFFFF  }
0x1ce: {  	s0 =	rddreg [dreg:$0x4]  }
0x1cf: {  	s0 =	sadd.s32 @!p0 $0x100000, s0  }
0x1d0: {  	[sflag:s0] =	ssyncadd.tile.s32 @!p0 $0x1;
	_ =	shalt  }
.Lfunc_end2:
_tile_overlayer_lowered:
.L_overlay_start_2:
0x1d1: {  	(tag) =	ssettag $0x2  }
0x1d2: {  	s0 =	rddreg [dreg:$0x0];
	s2 =	stileid.u32  }
0x1d3: {  	s1 =	rddreg [dreg:$0x1];
	p0 =	sne.s32 s2, $0x0  }
0x1d4: {  	s3 =	rddreg [dreg:$0x2];
	[bflag:$0x3] =	sbarrier.arrive $0xFFFF;
	s2 =	simm.s32 @!p0 $0x1C0A  }
0x1d5: {  	[timem:s3], [sflag:s2] =	dma.local @!p0 [hbm:s0], s1  }
0x1d6: {  	s0 =	simm.s32 @!p0 $0xA  }
0x1d7: {  	_ =	swait.ge @!p0 [sflag:s0], s1  }
0x1d8: {  	s1 =	ssub.s32 @!p0 $0x0, s1;
	[sflag:s0] =	ssyncset.done @!p0 $0x0  }
0x1d9: {  	[sflag:s0] =	ssyncadd.s32 @!p0 s1  }
0x1da: {  	[bflag:$0x3] =	sbarrier.arrive $0xFFFF  }
0x1db: {  	_ =	shalt  }

</sc_bundles>
